<compile_context>
chip_gen: v7x
topology: tpu7x:2x2x1
jax: 0.10.2.dev20260603
libtpu: 0.0.44.dev20260713+nightly
codegen_flags: <defaults>
</compile_context>

<pallas_src>
import functools

import jax
import jax.numpy as jnp
from jax import lax
from jax.experimental import pallas as pl
from jax.experimental.pallas import tpu as pltpu
from jax.experimental.pallas import tpu_sc as plsc

N_NODES = 10000
FEAT = 128
NUM_CLASSES = 6
CLS_PAD = 16
NUM_CORES = 2
NUM_SUBCORES = 16
NW = NUM_CORES * NUM_SUBCORES
CHUNK = 128
NUM_EDGES = 320000
N_CHUNKS = NUM_EDGES // CHUNK
PASSC = 16
N_PASSES = N_CHUNKS // PASSC
TAIL_CHUNKS = N_CHUNKS - N_PASSES * PASSC
PASS_BASE = N_PASSES // NW
PASS_EXTRA = N_PASSES - NW * PASS_BASE
HIST_BINS = 10240
ACC_ROWS = 10240
ZROWS_PT = ACC_ROWS // NUM_SUBCORES
OROWS_PT = 624
OTAIL = N_NODES - NUM_SUBCORES * OROWS_PT
HROWS_PT = HIST_BINS // NUM_SUBCORES

@functools.lru_cache(maxsize=None)
def _mesh():
  return plsc.VectorSubcoreMesh(
      core_axis_name="c", subcore_axis_name="s",
      num_cores=NUM_CORES, num_subcores=NUM_SUBCORES)



def _hist_body(ei_hbm, tail_hbm, zcol_hbm, out_hbm, idx_v, ones_v, z_v, sem,
               hist_sh):
  c = lax.axis_index("c")
  s = lax.axis_index("s")
  wid = c * NUM_SUBCORES + s
  pltpu.sync_copy(zcol_hbm, z_v)
  pltpu.sync_copy(z_v, hist_sh.at[pl.ds(s * HROWS_PT, HROWS_PT)])
  for k in range(CHUNK // 16):
    ones_v[pl.ds(k * 16, 16)] = jnp.full((16,), 1.0, jnp.float32)
  plsc.subcore_barrier()

  def body(j, carry):
    pltpu.sync_copy(ones_v, hist_sh.at[idx_v.at[j]], add=True)
    return carry

  plo = wid * PASS_BASE + jnp.minimum(wid, PASS_EXTRA)
  cnt = PASS_BASE + jnp.where(wid < PASS_EXTRA, 1, 0)

  def pbody(p, carry):
    start = pl.multiple_of(p * PASSC, PASSC)
    pltpu.sync_copy(ei_hbm.at[1, pl.ds(start, PASSC)], idx_v)
    lax.fori_loop(0, PASSC, body, 0)
    return carry

  lax.fori_loop(plo, plo + cnt, pbody, 0)

  @pl.when(wid == NW - 1)
  def _tail():
    pltpu.sync_copy(tail_hbm.at[1], idx_v.at[pl.ds(0, TAIL_CHUNKS)])
    lax.fori_loop(0, TAIL_CHUNKS, body, 0)

  plsc.subcore_barrier()
  pltpu.sync_copy(hist_sh.at[pl.ds(s * HROWS_PT, HROWS_PT)],
                  out_hbm.at[c, pl.ds(s * HROWS_PT, HROWS_PT)])


@functools.lru_cache(maxsize=None)
def _hist_call():
  return pl.kernel(
      _hist_body,
      out_type=jax.ShapeDtypeStruct((NUM_CORES, HIST_BINS), jnp.float32),
      mesh=_mesh(),
      scratch_types=[
          pltpu.VMEM((PASSC, CHUNK), jnp.int32),
          pltpu.VMEM((CHUNK,), jnp.float32),
          pltpu.VMEM((HROWS_PT,), jnp.float32),
          pltpu.SemaphoreType.DMA,
          pltpu.VMEM_SHARED((HIST_BINS,), jnp.float32),
      ])



def _scat_body(d, ei_hbm, tail_hbm, gtab_hbm, zmat_hbm,
               out0_hbm, out1_hbm,
               sidx_v, didx_v, rows0_v, rows1_v, sem0, sem1, acc_sh):
  c = lax.axis_index("c")
  s = lax.axis_index("s")
  wid = c * NUM_SUBCORES + s
  pltpu.sync_copy(zmat_hbm, acc_sh.at[pl.ds(s * ZROWS_PT, ZROWS_PT)])
  plsc.subcore_barrier()

  rows = (rows0_v, rows1_v)
  sems = (sem0, sem1)
  plo = wid * PASS_BASE + jnp.minimum(wid, PASS_EXTRA)
  cnt = PASS_BASE + jnp.where(wid < PASS_EXTRA, 1, 0)

  def pbody(p, carry):
    start = pl.multiple_of(p * PASSC, PASSC)
    pltpu.sync_copy(ei_hbm.at[0, pl.ds(start, PASSC)], sidx_v)
    pltpu.sync_copy(ei_hbm.at[1, pl.ds(start, PASSC)], didx_v)
    pltpu.async_copy(gtab_hbm.at[sidx_v.at[0]], rows[0], sems[0])

    def body(i, carry2):
      for b in range(2):
        l = 2 * i + b
        nb = 1 - b

        @pl.when(l + 1 < PASSC)
        def _prefetch():
          pltpu.async_copy(gtab_hbm.at[sidx_v.at[l + 1]], rows[nb],
                           sems[nb])

        pltpu.make_async_copy(gtab_hbm.at[sidx_v.at[l]], rows[b],
                              sems[b]).wait()
        pltpu.sync_copy(rows[b], acc_sh.at[didx_v.at[l]], add=True)
      return carry2

    lax.fori_loop(0, PASSC // 2, body, 0)
    return carry

  lax.fori_loop(plo, plo + cnt, pbody, 0)

  @pl.when(wid == NW - 1)
  def _tail():
    pltpu.sync_copy(tail_hbm.at[0], sidx_v.at[pl.ds(0, TAIL_CHUNKS)])
    pltpu.sync_copy(tail_hbm.at[1], didx_v.at[pl.ds(0, TAIL_CHUNKS)])

    def tbody(j, carry2):
      pltpu.async_copy(gtab_hbm.at[sidx_v.at[j]], rows[0], sems[0]).wait()
      pltpu.sync_copy(rows[0], acc_sh.at[didx_v.at[j]], add=True)
      return carry2

    lax.fori_loop(0, TAIL_CHUNKS, tbody, 0)

  plsc.subcore_barrier()

  @pl.when(c == 0)
  def _out0():
    pltpu.sync_copy(acc_sh.at[pl.ds(s * OROWS_PT, OROWS_PT)],
                    out0_hbm.at[pl.ds(s * OROWS_PT, OROWS_PT)])

    @pl.when(s == 0)
    def _tail0():
      pltpu.sync_copy(acc_sh.at[pl.ds(NUM_SUBCORES * OROWS_PT, OTAIL)],
                      out0_hbm.at[pl.ds(NUM_SUBCORES * OROWS_PT, OTAIL)])

  @pl.when(c == 1)
  def _out1():
    pltpu.sync_copy(acc_sh.at[pl.ds(s * OROWS_PT, OROWS_PT)],
                    out1_hbm.at[pl.ds(s * OROWS_PT, OROWS_PT)])

    @pl.when(s == 0)
    def _tail1():
      pltpu.sync_copy(acc_sh.at[pl.ds(NUM_SUBCORES * OROWS_PT, OTAIL)],
                      out1_hbm.at[pl.ds(NUM_SUBCORES * OROWS_PT, OTAIL)])


@functools.lru_cache(maxsize=None)
def _scat_call(d):
  return pl.kernel(
      functools.partial(_scat_body, d),
      out_type=[jax.ShapeDtypeStruct((N_NODES, d), jnp.float32),
                jax.ShapeDtypeStruct((N_NODES, d), jnp.float32)],
      mesh=_mesh(),
      scratch_types=[
          pltpu.VMEM((PASSC, CHUNK), jnp.int32),
          pltpu.VMEM((PASSC, CHUNK), jnp.int32),
          pltpu.VMEM((CHUNK, d), jnp.float32),
          pltpu.VMEM((CHUNK, d), jnp.float32),
          pltpu.SemaphoreType.DMA,
          pltpu.SemaphoreType.DMA,
          pltpu.VMEM_SHARED((ACC_ROWS, d), jnp.float32),
      ])



BLK = 1000


def _k1_body(x_ref, w_ref, h0_ref, h1_ref, g_ref, dinv_ref):
  deg = 1.0 + h0_ref[...] + h1_ref[...]
  dinv = lax.rsqrt(deg)
  g_ref[...] = jnp.dot(x_ref[...], w_ref[...],
                       preferred_element_type=jnp.float32) * dinv
  dinv_ref[...] = dinv


def _k2_body(p0_ref, p1_ref, g1_ref, dinv_ref, b1_ref, tg_ref):
  dinv = dinv_ref[...]
  t = (p0_ref[...] + p1_ref[...] + g1_ref[...]) * dinv + b1_ref[...]
  tg_ref[...] = jnp.maximum(t, 0.0) * dinv


def _k3_body(q0_ref, q1_ref, tg_ref, dinv_ref, b2_ref, w2_ref, out_ref):
  z = (q0_ref[...] + q1_ref[...] + tg_ref[...]) * dinv_ref[...]
  o = jnp.dot(z, w2_ref[...], preferred_element_type=jnp.float32) + b2_ref[...]
  out_ref[...] = o[:, :NUM_CLASSES]


def _row_spec(d):
  return pl.BlockSpec((BLK, d), lambda i: (i, 0))


def _full_spec(r, d):
  return pl.BlockSpec((r, d), lambda i: (0, 0))


_k1_call = pl.pallas_call(
    _k1_body,
    grid=(N_NODES // BLK,),
    in_specs=[_row_spec(FEAT), _full_spec(FEAT, FEAT), _row_spec(1),
              _row_spec(1)],
    out_specs=[_row_spec(FEAT), _row_spec(1)],
    out_shape=[jax.ShapeDtypeStruct((N_NODES, FEAT), jnp.float32),
               jax.ShapeDtypeStruct((N_NODES, 1), jnp.float32)],
)

_k2_call = pl.pallas_call(
    _k2_body,
    grid=(N_NODES // BLK,),
    in_specs=[_row_spec(FEAT), _row_spec(FEAT), _row_spec(FEAT), _row_spec(1),
              _full_spec(1, FEAT)],
    out_specs=_row_spec(FEAT),
    out_shape=jax.ShapeDtypeStruct((N_NODES, FEAT), jnp.float32),
)

_k3_call = pl.pallas_call(
    _k3_body,
    grid=(N_NODES // BLK,),
    in_specs=[_row_spec(FEAT), _row_spec(FEAT), _row_spec(FEAT),
              _row_spec(1), _full_spec(1, CLS_PAD), _full_spec(FEAT, CLS_PAD)],
    out_specs=_row_spec(6),
    out_shape=jax.ShapeDtypeStruct((N_NODES, 6), jnp.float32),
)


def kernel(x, edge_index, W1, b1, W2, b2):
  ei = edge_index.astype(jnp.int32)
  eic = ei.reshape(2, N_CHUNKS, CHUNK)
  tail = lax.slice(ei, (0, N_PASSES * PASSC * CHUNK), (2, NUM_EDGES))
  tail = tail.reshape(2, TAIL_CHUNKS, CHUNK)
  zcol = jnp.zeros((HROWS_PT,), jnp.float32)
  zmat1 = jnp.zeros((ZROWS_PT, FEAT), jnp.float32)
  w2p = jnp.zeros((FEAT, CLS_PAD), jnp.float32).at[:, :6].set(W2)
  b1r = b1.reshape(1, FEAT)
  b2r = jnp.zeros((1, CLS_PAD), jnp.float32).at[0, :6].set(b2)

  hist = _hist_call()(eic, tail, zcol)
  h0 = hist[0, :N_NODES].reshape(N_NODES, 1)
  h1 = hist[1, :N_NODES].reshape(N_NODES, 1)
  g1, dinv = _k1_call(x, W1, h0, h1)
  p0, p1 = _scat_call(FEAT)(eic, tail, g1, zmat1)
  tg = _k2_call(p0, p1, g1, dinv, b1r)
  q0, q1 = _scat_call(FEAT)(eic, tail, tg, zmat1)
  return _k3_call(q0, q1, tg, dinv, b2r, w2p)

# --- scband reference (transcript-rebuilt; emitter-appended) ---
"""Pipeline reference for scband-gcn-55920474193961 (READ-ONLY COPY).

The authoritative reference and input builder live on the scoring server;
editing this copy changes nothing except your own understanding.
"""

import jax, jax.numpy as jnp
import numpy as np

NUM_NODES = 10000
IN_FEAT = 128
HIDDEN = 128
NUM_CLASSES = 6
NUM_EDGES = 320000


def _gcn_conv(x, W, b, edge_index, num_nodes):
    # GCNConv with add_self_loops=True and symmetric normalization
    src = edge_index[0]
    dst = edge_index[1]
    loop = jnp.arange(num_nodes, dtype=edge_index.dtype)
    src = jnp.concatenate([src, loop])
    dst = jnp.concatenate([dst, loop])
    # degree computed on destination nodes (edge weight = 1)
    deg = jnp.zeros((num_nodes,), dtype=x.dtype).at[dst].add(1.0)
    dinv = jnp.where(deg > 0, jax.lax.rsqrt(deg), 0.0)
    norm = dinv[src] * dinv[dst]
    h = x @ W  # linear transform first (PyG GCNConv default)
    msg = h[src] * norm[:, None]  # gather + scale
    out = jnp.zeros((num_nodes, W.shape[1]), dtype=x.dtype).at[dst].add(msg)  # scatter-add
    return out + b


def setup_inputs(seed: int = 0) -> dict:
    key = jax.random.key(seed)
    k_x, k_e, k_w1, k_b1, k_w2, k_b2 = jax.random.split(key, 6)
    x = jax.random.normal(k_x, (NUM_NODES, IN_FEAT), dtype=jnp.float32)
    edge_index = jax.random.randint(k_e, (2, NUM_EDGES), 0, NUM_NODES, dtype=jnp.int64)
    # Glorot-style init matching torch.nn.Linear inside GCNConv
    W1 = jax.random.normal(k_w1, (IN_FEAT, HIDDEN), dtype=jnp.float32) * (1.0 / np.sqrt(IN_FEAT))
    b1 = jax.random.normal(k_b1, (HIDDEN,), dtype=jnp.float32) * 0.01
    W2 = jax.random.normal(k_w2, (HIDDEN, NUM_CLASSES), dtype=jnp.float32) * (1.0 / np.sqrt(HIDDEN))
    b2 = jax.random.normal(k_b2, (NUM_CLASSES,), dtype=jnp.float32) * 0.01
    return {"x": x, "edge_index": edge_index, "W1": W1, "b1": b1, "W2": W2, "b2": b2}


def reference(x, edge_index, W1, b1, W2, b2):
    h = _gcn_conv(x, W1, b1, edge_index, NUM_NODES)
    h = jax.nn.relu(h)
    # F.dropout with training=False (inference) is identity
    out = _gcn_conv(h, W2, b2, edge_index, NUM_NODES)
    return out

if __name__ == "__main__":
    import jax
    _d = setup_inputs()
    print(jax.jit(kernel)(*tuple(_d.values())))

</pallas_src>

<mosaic_0001>
#map = affine_map<(d0, d1) -> (0, 0, 0)>
#map1 = affine_map<(d0, d1) -> (0, 0)>
module attributes {stable_mosaic.version = 14 : i64} {
  func.func @_scat_body(%arg0: i32, %arg1: i32, %arg2: memref<2x2500x128xi32, #tpu.memory_space<hbm>>, %arg3: memref<2x4x128xi32, #tpu.memory_space<hbm>>, %arg4: memref<10000x128xf32, #tpu.memory_space<hbm>>, %arg5: memref<640x128xf32, #tpu.memory_space<hbm>>, %arg6: memref<10000x128xf32, #tpu.memory_space<hbm>>, %arg7: memref<10000x128xf32, #tpu.memory_space<hbm>>, %arg8: memref<16x128xi32, #tpu.memory_space<vmem>>, %arg9: memref<16x128xi32, #tpu.memory_space<vmem>>, %arg10: memref<128x128xf32, #tpu.memory_space<vmem>>, %arg11: memref<128x128xf32, #tpu.memory_space<vmem>>, %arg12: memref<!tpu.dma_semaphore, #tpu.memory_space<semaphore_mem>>, %arg13: memref<!tpu.dma_semaphore, #tpu.memory_space<semaphore_mem>>, %arg14: memref<10240x128xf32, #tpu.memory_space<vmem_shared>>) attributes {dimension_semantics = [#tpu.dimension_semantics<core_parallel>, #tpu.dimension_semantics<subcore_parallel>], iteration_bounds = array<i64: 2, 16>, scalar_prefetch = 0 : i64, scratch_operands = 7 : i64, tpu.core_type = #tpu.core_type<sc_vector_subcore>, window_params = [{transform_indices = #map}, {transform_indices = #map}, {transform_indices = #map1}, {transform_indices = #map1}, {transform_indices = #map1}, {transform_indices = #map1}]} {
    %mul3A = arith.constant 16 : i32
    %mul3A_0 = arith.muli %arg0, %mul3A : i32
    %add3A = arith.addi %mul3A_0, %arg1 : i32
    %mul3A_1 = arith.constant 640 : i32
    %mul3A_2 = arith.muli %arg1, %mul3A_1 : i32
    "tpu.region"() ({
      %run_scoped3A = tpu.sem_alloc : memref<!tpu.dma_semaphore, #tpu.memory_space<semaphore_mem>>
      %dma_start3A = arith.constant 0 : i32
      %dma_start3A_33 = tpu.memref_slice %arg14[%mul3A_2, %dma_start3A] : memref<10240x128xf32, #tpu.memory_space<vmem_shared>> -> memref<640x128xf32, #tpu.memory_space<vmem_shared>>
      tpu.enqueue_dma source(%arg5 : memref<640x128xf32, #tpu.memory_space<hbm>>) target(%dma_start3A_33 : memref<640x128xf32, #tpu.memory_space<vmem_shared>>) target_semaphore(%run_scoped3A : memref<!tpu.dma_semaphore, #tpu.memory_space<semaphore_mem>>)
      %dma_wait3A = arith.constant 0 : i32
      %dma_wait3A_34 = tpu.memref_slice %arg14[%mul3A_2, %dma_wait3A] : memref<10240x128xf32, #tpu.memory_space<vmem_shared>> -> memref<640x128xf32, #tpu.memory_space<vmem_shared>>
      tpu.wait_dma2 semaphore(%run_scoped3A : memref<!tpu.dma_semaphore, #tpu.memory_space<semaphore_mem>>) src(%arg5 : memref<640x128xf32, #tpu.memory_space<hbm>>) dst(%dma_wait3A_34 : memref<640x128xf32, #tpu.memory_space<vmem_shared>>)
      tpu.yield
    }) : () -> ()
    %barrier3A = arith.constant 0 : index
    tpu.barrier barrier_id(%barrier3A)
    %mul3A_3 = arith.constant 4 : i32
    %mul3A_4 = arith.muli %add3A, %mul3A_3 : i32
    %min3A = arith.constant 28 : i32
    %min3A_5 = arith.minsi %add3A, %min3A : i32
    %add3A_6 = arith.addi %mul3A_4, %min3A_5 : i32
    %lt3A = arith.constant 28 : i32
    %lt3A_7 = arith.cmpi slt, %add3A, %lt3A : i32
    %jit3A = arith.constant 1 : i32
    %jit3A_8 = arith.constant 0 : i32
    %select_n3A = arith.select %lt3A_7, %jit3A, %jit3A_8 : i32
    %add3A_9 = arith.constant 4 : i32
    %add3A_10 = arith.addi %add3A_9, %select_n3A : i32
    %add3A_11 = arith.addi %add3A_6, %add3A_10 : i32
    %while3A = arith.constant 0 : i32
    %while3A_12 = arith.subi %add3A_11, %add3A_6 : i32
    %while3A_13 = arith.addi %add3A_6, %while3A_12 : i32
    %while3A_14 = arith.constant 1 : i32
    %while3A_15 = arith.divsi %while3A_12, %while3A_14 : i32
    %while3A_16 = arith.muli %while3A_15, %while3A_14 : i32
    %while3A_17 = arith.addi %add3A_6, %while3A_16 : i32
    %while3A_18 = arith.constant 1 : i32
    scf.for %while3A_33 = %add3A_6 to %while3A_17 step %while3A_18  : i32 {
      %mul3A_34 = arith.constant 16 : i32
      %mul3A_35 = arith.muli %while3A_33, %mul3A_34 : i32
      %multiple_of3A = tpu.assume_multiple %mul3A_35, 16 : i32
      %run_scoped3A = arith.constant 0 : i32
      "tpu.region"() ({
        %run_scoped3A_48 = tpu.sem_alloc : memref<!tpu.dma_semaphore, #tpu.memory_space<semaphore_mem>>
        %dma_start3A_49 = arith.constant 0 : i32
        %dma_start3A_50 = tpu.memref_slice %arg2[%run_scoped3A, %multiple_of3A, %dma_start3A_49] : memref<2x2500x128xi32, #tpu.memory_space<hbm>> -> memref<1x16x128xi32, #tpu.memory_space<hbm>>
        %dma_start3A_51 = tpu.memref_squeeze %dma_start3A_50 : memref<1x16x128xi32, #tpu.memory_space<hbm>> -> memref<16x128xi32, #tpu.memory_space<hbm>>
        %dma_start3A_52 = arith.constant 0 : i32
        %dma_start3A_53 = tpu.memref_slice %arg2[%run_scoped3A, %multiple_of3A, %dma_start3A_52] : memref<2x2500x128xi32, #tpu.memory_space<hbm>> -> memref<1x16x128xi32, #tpu.memory_space<hbm>>
        %dma_start3A_54 = tpu.memref_squeeze %dma_start3A_53 : memref<1x16x128xi32, #tpu.memory_space<hbm>> -> memref<16x128xi32, #tpu.memory_space<hbm>>
        tpu.enqueue_dma source(%dma_start3A_54 : memref<16x128xi32, #tpu.memory_space<hbm>>) target(%arg8 : memref<16x128xi32, #tpu.memory_space<vmem>>) target_semaphore(%run_scoped3A_48 : memref<!tpu.dma_semaphore, #tpu.memory_space<semaphore_mem>>)
        %dma_wait3A = arith.constant 0 : i32
        %dma_wait3A_55 = tpu.memref_slice %arg2[%run_scoped3A, %multiple_of3A, %dma_wait3A] : memref<2x2500x128xi32, #tpu.memory_space<hbm>> -> memref<1x16x128xi32, #tpu.memory_space<hbm>>
        %dma_wait3A_56 = tpu.memref_squeeze %dma_wait3A_55 : memref<1x16x128xi32, #tpu.memory_space<hbm>> -> memref<16x128xi32, #tpu.memory_space<hbm>>
        %dma_wait3A_57 = arith.constant 0 : i32
        %dma_wait3A_58 = tpu.memref_slice %arg2[%run_scoped3A, %multiple_of3A, %dma_wait3A_57] : memref<2x2500x128xi32, #tpu.memory_space<hbm>> -> memref<1x16x128xi32, #tpu.memory_space<hbm>>
        %dma_wait3A_59 = tpu.memref_squeeze %dma_wait3A_58 : memref<1x16x128xi32, #tpu.memory_space<hbm>> -> memref<16x128xi32, #tpu.memory_space<hbm>>
        tpu.wait_dma2 semaphore(%run_scoped3A_48 : memref<!tpu.dma_semaphore, #tpu.memory_space<semaphore_mem>>) src(%dma_wait3A_59 : memref<16x128xi32, #tpu.memory_space<hbm>>) dst(%arg8 : memref<16x128xi32, #tpu.memory_space<vmem>>)
        tpu.yield
      }) : () -> ()
      %run_scoped3A_36 = arith.constant 1 : i32
      "tpu.region"() ({
        %run_scoped3A_48 = tpu.sem_alloc : memref<!tpu.dma_semaphore, #tpu.memory_space<semaphore_mem>>
        %dma_start3A_49 = arith.constant 0 : i32
        %dma_start3A_50 = tpu.memref_slice %arg2[%run_scoped3A_36, %multiple_of3A, %dma_start3A_49] : memref<2x2500x128xi32, #tpu.memory_space<hbm>> -> memref<1x16x128xi32, #tpu.memory_space<hbm>>
        %dma_start3A_51 = tpu.memref_squeeze %dma_start3A_50 : memref<1x16x128xi32, #tpu.memory_space<hbm>> -> memref<16x128xi32, #tpu.memory_space<hbm>>
        %dma_start3A_52 = arith.constant 0 : i32
        %dma_start3A_53 = tpu.memref_slice %arg2[%run_scoped3A_36, %multiple_of3A, %dma_start3A_52] : memref<2x2500x128xi32, #tpu.memory_space<hbm>> -> memref<1x16x128xi32, #tpu.memory_space<hbm>>
        %dma_start3A_54 = tpu.memref_squeeze %dma_start3A_53 : memref<1x16x128xi32, #tpu.memory_space<hbm>> -> memref<16x128xi32, #tpu.memory_space<hbm>>
        tpu.enqueue_dma source(%dma_start3A_54 : memref<16x128xi32, #tpu.memory_space<hbm>>) target(%arg9 : memref<16x128xi32, #tpu.memory_space<vmem>>) target_semaphore(%run_scoped3A_48 : memref<!tpu.dma_semaphore, #tpu.memory_space<semaphore_mem>>)
        %dma_wait3A = arith.constant 0 : i32
        %dma_wait3A_55 = tpu.memref_slice %arg2[%run_scoped3A_36, %multiple_of3A, %dma_wait3A] : memref<2x2500x128xi32, #tpu.memory_space<hbm>> -> memref<1x16x128xi32, #tpu.memory_space<hbm>>
        %dma_wait3A_56 = tpu.memref_squeeze %dma_wait3A_55 : memref<1x16x128xi32, #tpu.memory_space<hbm>> -> memref<16x128xi32, #tpu.memory_space<hbm>>
        %dma_wait3A_57 = arith.constant 0 : i32
        %dma_wait3A_58 = tpu.memref_slice %arg2[%run_scoped3A_36, %multiple_of3A, %dma_wait3A_57] : memref<2x2500x128xi32, #tpu.memory_space<hbm>> -> memref<1x16x128xi32, #tpu.memory_space<hbm>>
        %dma_wait3A_59 = tpu.memref_squeeze %dma_wait3A_58 : memref<1x16x128xi32, #tpu.memory_space<hbm>> -> memref<16x128xi32, #tpu.memory_space<hbm>>
        tpu.wait_dma2 semaphore(%run_scoped3A_48 : memref<!tpu.dma_semaphore, #tpu.memory_space<semaphore_mem>>) src(%dma_wait3A_59 : memref<16x128xi32, #tpu.memory_space<hbm>>) dst(%arg9 : memref<16x128xi32, #tpu.memory_space<vmem>>)
        tpu.yield
      }) : () -> ()
      %dma_start3A = arith.constant 0 : i32
      %dma_start3A_37 = arith.constant 0 : i32
      %dma_start3A_38 = tpu.memref_slice %arg8[%dma_start3A, %dma_start3A_37] : memref<16x128xi32, #tpu.memory_space<vmem>> -> memref<1x128xi32, #tpu.memory_space<vmem>>
      %dma_start3A_39 = tpu.memref_squeeze %dma_start3A_38 : memref<1x128xi32, #tpu.memory_space<vmem>> -> memref<128xi32, #tpu.memory_space<vmem>>
      %dma_start3A_40 = arith.constant 0 : i32
      %dma_start3A_41 = arith.constant 0 : i32
      %dma_start3A_42 = tpu.memref_slice %arg4[%dma_start3A_40, %dma_start3A_41] : memref<10000x128xf32, #tpu.memory_space<hbm>> -> memref<10000x128xf32, #tpu.memory_space<hbm>>
      tpu.enqueue_indirect_dma source(%dma_start3A_42 : memref<10000x128xf32, #tpu.memory_space<hbm>>) target(%arg10 : memref<128x128xf32, #tpu.memory_space<vmem>>) offsets(%dma_start3A_39 : memref<128xi32, #tpu.memory_space<vmem>>) semaphore(%arg12 : memref<!tpu.dma_semaphore, #tpu.memory_space<semaphore_mem>>)
      %scan3A = arith.constant 0 : i32
      %scan3A_43 = arith.constant 0 : i32
      %scan3A_44 = arith.constant 8 : i32
      %scan3A_45 = arith.addi %scan3A_43, %scan3A_44 : i32
      %scan3A_46 = arith.constant 1 : i32
      scf.for %scan3A_48 = %scan3A_43 to %scan3A_45 step %scan3A_46  : i32 {
        %mul3A_49 = arith.constant 2 : i32
        %mul3A_50 = arith.muli %mul3A_49, %scan3A_48 : i32
        %add3A_51 = arith.constant 0 : i32
        %add3A_52 = arith.addi %mul3A_50, %add3A_51 : i32
        %add3A_53 = arith.constant 1 : i32
        %add3A_54 = arith.addi %add3A_52, %add3A_53 : i32
        %lt3A_55 = arith.constant 16 : i32
        %lt3A_56 = arith.cmpi slt, %add3A_54, %lt3A_55 : i32
        %convert_element_type3A_57 = arith.extui %lt3A_56 : i1 to i32
        %cond3A_58 = arith.constant 0 : i32
        %cond3A_59 = arith.cmpi ne, %convert_element_type3A_57, %cond3A_58 : i32
        scf.if %cond3A_59 {
          %add3A_82 = arith.constant 1 : i32
          %add3A_83 = arith.addi %add3A_52, %add3A_82 : i32
          %dma_start3A_84 = arith.constant 0 : i32
          %dma_start3A_85 = tpu.memref_slice %arg8[%add3A_83, %dma_start3A_84] : memref<16x128xi32, #tpu.memory_space<vmem>> -> memref<1x128xi32, #tpu.memory_space<vmem>>
          %dma_start3A_86 = tpu.memref_squeeze %dma_start3A_85 : memref<1x128xi32, #tpu.memory_space<vmem>> -> memref<128xi32, #tpu.memory_space<vmem>>
          %dma_start3A_87 = arith.constant 0 : i32
          %dma_start3A_88 = arith.constant 0 : i32
          %dma_start3A_89 = tpu.memref_slice %arg4[%dma_start3A_87, %dma_start3A_88] : memref<10000x128xf32, #tpu.memory_space<hbm>> -> memref<10000x128xf32, #tpu.memory_space<hbm>>
          tpu.enqueue_indirect_dma source(%dma_start3A_89 : memref<10000x128xf32, #tpu.memory_space<hbm>>) target(%arg11 : memref<128x128xf32, #tpu.memory_space<vmem>>) offsets(%dma_start3A_86 : memref<128xi32, #tpu.memory_space<vmem>>) semaphore(%arg13 : memref<!tpu.dma_semaphore, #tpu.memory_space<semaphore_mem>>)
        } else {
        }
        %dma_wait3A = arith.constant 0 : i32
        %dma_wait3A_60 = tpu.memref_slice %arg8[%add3A_52, %dma_wait3A] : memref<16x128xi32, #tpu.memory_space<vmem>> -> memref<1x128xi32, #tpu.memory_space<vmem>>
        %dma_wait3A_61 = tpu.memref_squeeze %dma_wait3A_60 : memref<1x128xi32, #tpu.memory_space<vmem>> -> memref<128xi32, #tpu.memory_space<vmem>>
        %dma_wait3A_62 = arith.constant 0 : i32
        %dma_wait3A_63 = arith.constant 0 : i32
        %dma_wait3A_64 = tpu.memref_slice %arg4[%dma_wait3A_62, %dma_wait3A_63] : memref<10000x128xf32, #tpu.memory_space<hbm>> -> memref<10000x128xf32, #tpu.memory_space<hbm>>
        tpu.wait_indirect_dma semaphore(%arg12 : memref<!tpu.dma_semaphore, #tpu.memory_space<semaphore_mem>>) src(%dma_wait3A_64 : memref<10000x128xf32, #tpu.memory_space<hbm>>) dst(%arg10 : memref<128x128xf32, #tpu.memory_space<vmem>>)
        "tpu.region"() ({
          %run_scoped3A_82 = tpu.sem_alloc : memref<!tpu.dma_semaphore, #tpu.memory_space<semaphore_mem>>
          %dma_start3A_83 = arith.constant 0 : i32
          %dma_start3A_84 = tpu.memref_slice %arg9[%add3A_52, %dma_start3A_83] : memref<16x128xi32, #tpu.memory_space<vmem>> -> memref<1x128xi32, #tpu.memory_space<vmem>>
          %dma_start3A_85 = tpu.memref_squeeze %dma_start3A_84 : memref<1x128xi32, #tpu.memory_space<vmem>> -> memref<128xi32, #tpu.memory_space<vmem>>
          %dma_start3A_86 = arith.constant 0 : i32
          %dma_start3A_87 = arith.constant 0 : i32
          %dma_start3A_88 = tpu.memref_slice %arg14[%dma_start3A_86, %dma_start3A_87] : memref<10240x128xf32, #tpu.memory_space<vmem_shared>> -> memref<10240x128xf32, #tpu.memory_space<vmem_shared>>
          tpu.enqueue_indirect_dma source(%arg10 : memref<128x128xf32, #tpu.memory_space<vmem>>) target(%dma_start3A_88 : memref<10240x128xf32, #tpu.memory_space<vmem_shared>>) offsets(%dma_start3A_85 : memref<128xi32, #tpu.memory_space<vmem>>) semaphore(%run_scoped3A_82 : memref<!tpu.dma_semaphore, #tpu.memory_space<semaphore_mem>>) {add = true}
          %dma_wait3A_89 = arith.constant 0 : i32
          %dma_wait3A_90 = tpu.memref_slice %arg9[%add3A_52, %dma_wait3A_89] : memref<16x128xi32, #tpu.memory_space<vmem>> -> memref<1x128xi32, #tpu.memory_space<vmem>>
          %dma_wait3A_91 = tpu.memref_squeeze %dma_wait3A_90 : memref<1x128xi32, #tpu.memory_space<vmem>> -> memref<128xi32, #tpu.memory_space<vmem>>
          %dma_wait3A_92 = arith.constant 0 : i32
          %dma_wait3A_93 = arith.constant 0 : i32
          %dma_wait3A_94 = tpu.memref_slice %arg14[%dma_wait3A_92, %dma_wait3A_93] : memref<10240x128xf32, #tpu.memory_space<vmem_shared>> -> memref<10240x128xf32, #tpu.memory_space<vmem_shared>>
          tpu.wait_indirect_dma semaphore(%run_scoped3A_82 : memref<!tpu.dma_semaphore, #tpu.memory_space<semaphore_mem>>) src(%arg10 : memref<128x128xf32, #tpu.memory_space<vmem>>) dst(%dma_wait3A_94 : memref<10240x128xf32, #tpu.memory_space<vmem_shared>>)
          tpu.yield
        }) : () -> ()
        %mul3A_65 = arith.constant 2 : i32
        %mul3A_66 = arith.muli %mul3A_65, %scan3A_48 : i32
        %add3A_67 = arith.constant 1 : i32
        %add3A_68 = arith.addi %mul3A_66, %add3A_67 : i32
        %add3A_69 = arith.constant 1 : i32
        %add3A_70 = arith.addi %add3A_68, %add3A_69 : i32
        %lt3A_71 = arith.constant 16 : i32
        %lt3A_72 = arith.cmpi slt, %add3A_70, %lt3A_71 : i32
        %convert_element_type3A_73 = arith.extui %lt3A_72 : i1 to i32
        %cond3A_74 = arith.constant 0 : i32
        %cond3A_75 = arith.cmpi ne, %convert_element_type3A_73, %cond3A_74 : i32
        scf.if %cond3A_75 {
          %add3A_82 = arith.constant 1 : i32
          %add3A_83 = arith.addi %add3A_68, %add3A_82 : i32
          %dma_start3A_84 = arith.constant 0 : i32
          %dma_start3A_85 = tpu.memref_slice %arg8[%add3A_83, %dma_start3A_84] : memref<16x128xi32, #tpu.memory_space<vmem>> -> memref<1x128xi32, #tpu.memory_space<vmem>>
          %dma_start3A_86 = tpu.memref_squeeze %dma_start3A_85 : memref<1x128xi32, #tpu.memory_space<vmem>> -> memref<128xi32, #tpu.memory_space<vmem>>
          %dma_start3A_87 = arith.constant 0 : i32
          %dma_start3A_88 = arith.constant 0 : i32
          %dma_start3A_89 = tpu.memref_slice %arg4[%dma_start3A_87, %dma_start3A_88] : memref<10000x128xf32, #tpu.memory_space<hbm>> -> memref<10000x128xf32, #tpu.memory_space<hbm>>
          tpu.enqueue_indirect_dma source(%dma_start3A_89 : memref<10000x128xf32, #tpu.memory_space<hbm>>) target(%arg10 : memref<128x128xf32, #tpu.memory_space<vmem>>) offsets(%dma_start3A_86 : memref<128xi32, #tpu.memory_space<vmem>>) semaphore(%arg12 : memref<!tpu.dma_semaphore, #tpu.memory_space<semaphore_mem>>)
        } else {
        }
        %dma_wait3A_76 = arith.constant 0 : i32
        %dma_wait3A_77 = tpu.memref_slice %arg8[%add3A_68, %dma_wait3A_76] : memref<16x128xi32, #tpu.memory_space<vmem>> -> memref<1x128xi32, #tpu.memory_space<vmem>>
        %dma_wait3A_78 = tpu.memref_squeeze %dma_wait3A_77 : memref<1x128xi32, #tpu.memory_space<vmem>> -> memref<128xi32, #tpu.memory_space<vmem>>
        %dma_wait3A_79 = arith.constant 0 : i32
        %dma_wait3A_80 = arith.constant 0 : i32
        %dma_wait3A_81 = tpu.memref_slice %arg4[%dma_wait3A_79, %dma_wait3A_80] : memref<10000x128xf32, #tpu.memory_space<hbm>> -> memref<10000x128xf32, #tpu.memory_space<hbm>>
        tpu.wait_indirect_dma semaphore(%arg13 : memref<!tpu.dma_semaphore, #tpu.memory_space<semaphore_mem>>) src(%dma_wait3A_81 : memref<10000x128xf32, #tpu.memory_space<hbm>>) dst(%arg11 : memref<128x128xf32, #tpu.memory_space<vmem>>)
        "tpu.region"() ({
          %run_scoped3A_82 = tpu.sem_alloc : memref<!tpu.dma_semaphore, #tpu.memory_space<semaphore_mem>>
          %dma_start3A_83 = arith.constant 0 : i32
          %dma_start3A_84 = tpu.memref_slice %arg9[%add3A_68, %dma_start3A_83] : memref<16x128xi32, #tpu.memory_space<vmem>> -> memref<1x128xi32, #tpu.memory_space<vmem>>
          %dma_start3A_85 = tpu.memref_squeeze %dma_start3A_84 : memref<1x128xi32, #tpu.memory_space<vmem>> -> memref<128xi32, #tpu.memory_space<vmem>>
          %dma_start3A_86 = arith.constant 0 : i32
          %dma_start3A_87 = arith.constant 0 : i32
          %dma_start3A_88 = tpu.memref_slice %arg14[%dma_start3A_86, %dma_start3A_87] : memref<10240x128xf32, #tpu.memory_space<vmem_shared>> -> memref<10240x128xf32, #tpu.memory_space<vmem_shared>>
          tpu.enqueue_indirect_dma source(%arg11 : memref<128x128xf32, #tpu.memory_space<vmem>>) target(%dma_start3A_88 : memref<10240x128xf32, #tpu.memory_space<vmem_shared>>) offsets(%dma_start3A_85 : memref<128xi32, #tpu.memory_space<vmem>>) semaphore(%run_scoped3A_82 : memref<!tpu.dma_semaphore, #tpu.memory_space<semaphore_mem>>) {add = true}
          %dma_wait3A_89 = arith.constant 0 : i32
          %dma_wait3A_90 = tpu.memref_slice %arg9[%add3A_68, %dma_wait3A_89] : memref<16x128xi32, #tpu.memory_space<vmem>> -> memref<1x128xi32, #tpu.memory_space<vmem>>
          %dma_wait3A_91 = tpu.memref_squeeze %dma_wait3A_90 : memref<1x128xi32, #tpu.memory_space<vmem>> -> memref<128xi32, #tpu.memory_space<vmem>>
          %dma_wait3A_92 = arith.constant 0 : i32
          %dma_wait3A_93 = arith.constant 0 : i32
          %dma_wait3A_94 = tpu.memref_slice %arg14[%dma_wait3A_92, %dma_wait3A_93] : memref<10240x128xf32, #tpu.memory_space<vmem_shared>> -> memref<10240x128xf32, #tpu.memory_space<vmem_shared>>
          tpu.wait_indirect_dma semaphore(%run_scoped3A_82 : memref<!tpu.dma_semaphore, #tpu.memory_space<semaphore_mem>>) src(%arg11 : memref<128x128xf32, #tpu.memory_space<vmem>>) dst(%dma_wait3A_94 : memref<10240x128xf32, #tpu.memory_space<vmem_shared>>)
          tpu.yield
        }) : () -> ()
      }
      %scan3A_47 = arith.constant 8 : i32
    }
    %while3A_19 = arith.constant 1 : i32
    scf.for %while3A_33 = %while3A_17 to %while3A_13 step %while3A_19  : i32 {
      %mul3A_34 = arith.constant 16 : i32
      %mul3A_35 = arith.muli %while3A_33, %mul3A_34 : i32
      %multiple_of3A = tpu.assume_multiple %mul3A_35, 16 : i32
      %run_scoped3A = arith.constant 0 : i32
      "tpu.region"() ({
        %run_scoped3A_48 = tpu.sem_alloc : memref<!tpu.dma_semaphore, #tpu.memory_space<semaphore_mem>>
        %dma_start3A_49 = arith.constant 0 : i32
        %dma_start3A_50 = tpu.memref_slice %arg2[%run_scoped3A, %multiple_of3A, %dma_start3A_49] : memref<2x2500x128xi32, #tpu.memory_space<hbm>> -> memref<1x16x128xi32, #tpu.memory_space<hbm>>
        %dma_start3A_51 = tpu.memref_squeeze %dma_start3A_50 : memref<1x16x128xi32, #tpu.memory_space<hbm>> -> memref<16x128xi32, #tpu.memory_space<hbm>>
        %dma_start3A_52 = arith.constant 0 : i32
        %dma_start3A_53 = tpu.memref_slice %arg2[%run_scoped3A, %multiple_of3A, %dma_start3A_52] : memref<2x2500x128xi32, #tpu.memory_space<hbm>> -> memref<1x16x128xi32, #tpu.memory_space<hbm>>
        %dma_start3A_54 = tpu.memref_squeeze %dma_start3A_53 : memref<1x16x128xi32, #tpu.memory_space<hbm>> -> memref<16x128xi32, #tpu.memory_space<hbm>>
        tpu.enqueue_dma source(%dma_start3A_54 : memref<16x128xi32, #tpu.memory_space<hbm>>) target(%arg8 : memref<16x128xi32, #tpu.memory_space<vmem>>) target_semaphore(%run_scoped3A_48 : memref<!tpu.dma_semaphore, #tpu.memory_space<semaphore_mem>>)
        %dma_wait3A = arith.constant 0 : i32
        %dma_wait3A_55 = tpu.memref_slice %arg2[%run_scoped3A, %multiple_of3A, %dma_wait3A] : memref<2x2500x128xi32, #tpu.memory_space<hbm>> -> memref<1x16x128xi32, #tpu.memory_space<hbm>>
        %dma_wait3A_56 = tpu.memref_squeeze %dma_wait3A_55 : memref<1x16x128xi32, #tpu.memory_space<hbm>> -> memref<16x128xi32, #tpu.memory_space<hbm>>
        %dma_wait3A_57 = arith.constant 0 : i32
        %dma_wait3A_58 = tpu.memref_slice %arg2[%run_scoped3A, %multiple_of3A, %dma_wait3A_57] : memref<2x2500x128xi32, #tpu.memory_space<hbm>> -> memref<1x16x128xi32, #tpu.memory_space<hbm>>
        %dma_wait3A_59 = tpu.memref_squeeze %dma_wait3A_58 : memref<1x16x128xi32, #tpu.memory_space<hbm>> -> memref<16x128xi32, #tpu.memory_space<hbm>>
        tpu.wait_dma2 semaphore(%run_scoped3A_48 : memref<!tpu.dma_semaphore, #tpu.memory_space<semaphore_mem>>) src(%dma_wait3A_59 : memref<16x128xi32, #tpu.memory_space<hbm>>) dst(%arg8 : memref<16x128xi32, #tpu.memory_space<vmem>>)
        tpu.yield
      }) : () -> ()
      %run_scoped3A_36 = arith.constant 1 : i32
      "tpu.region"() ({
        %run_scoped3A_48 = tpu.sem_alloc : memref<!tpu.dma_semaphore, #tpu.memory_space<semaphore_mem>>
        %dma_start3A_49 = arith.constant 0 : i32
        %dma_start3A_50 = tpu.memref_slice %arg2[%run_scoped3A_36, %multiple_of3A, %dma_start3A_49] : memref<2x2500x128xi32, #tpu.memory_space<hbm>> -> memref<1x16x128xi32, #tpu.memory_space<hbm>>
        %dma_start3A_51 = tpu.memref_squeeze %dma_start3A_50 : memref<1x16x128xi32, #tpu.memory_space<hbm>> -> memref<16x128xi32, #tpu.memory_space<hbm>>
        %dma_start3A_52 = arith.constant 0 : i32
        %dma_start3A_53 = tpu.memref_slice %arg2[%run_scoped3A_36, %multiple_of3A, %dma_start3A_52] : memref<2x2500x128xi32, #tpu.memory_space<hbm>> -> memref<1x16x128xi32, #tpu.memory_space<hbm>>
        %dma_start3A_54 = tpu.memref_squeeze %dma_start3A_53 : memref<1x16x128xi32, #tpu.memory_space<hbm>> -> memref<16x128xi32, #tpu.memory_space<hbm>>
        tpu.enqueue_dma source(%dma_start3A_54 : memref<16x128xi32, #tpu.memory_space<hbm>>) target(%arg9 : memref<16x128xi32, #tpu.memory_space<vmem>>) target_semaphore(%run_scoped3A_48 : memref<!tpu.dma_semaphore, #tpu.memory_space<semaphore_mem>>)
        %dma_wait3A = arith.constant 0 : i32
        %dma_wait3A_55 = tpu.memref_slice %arg2[%run_scoped3A_36, %multiple_of3A, %dma_wait3A] : memref<2x2500x128xi32, #tpu.memory_space<hbm>> -> memref<1x16x128xi32, #tpu.memory_space<hbm>>
        %dma_wait3A_56 = tpu.memref_squeeze %dma_wait3A_55 : memref<1x16x128xi32, #tpu.memory_space<hbm>> -> memref<16x128xi32, #tpu.memory_space<hbm>>
        %dma_wait3A_57 = arith.constant 0 : i32
        %dma_wait3A_58 = tpu.memref_slice %arg2[%run_scoped3A_36, %multiple_of3A, %dma_wait3A_57] : memref<2x2500x128xi32, #tpu.memory_space<hbm>> -> memref<1x16x128xi32, #tpu.memory_space<hbm>>
        %dma_wait3A_59 = tpu.memref_squeeze %dma_wait3A_58 : memref<1x16x128xi32, #tpu.memory_space<hbm>> -> memref<16x128xi32, #tpu.memory_space<hbm>>
        tpu.wait_dma2 semaphore(%run_scoped3A_48 : memref<!tpu.dma_semaphore, #tpu.memory_space<semaphore_mem>>) src(%dma_wait3A_59 : memref<16x128xi32, #tpu.memory_space<hbm>>) dst(%arg9 : memref<16x128xi32, #tpu.memory_space<vmem>>)
        tpu.yield
      }) : () -> ()
      %dma_start3A = arith.constant 0 : i32
      %dma_start3A_37 = arith.constant 0 : i32
      %dma_start3A_38 = tpu.memref_slice %arg8[%dma_start3A, %dma_start3A_37] : memref<16x128xi32, #tpu.memory_space<vmem>> -> memref<1x128xi32, #tpu.memory_space<vmem>>
      %dma_start3A_39 = tpu.memref_squeeze %dma_start3A_38 : memref<1x128xi32, #tpu.memory_space<vmem>> -> memref<128xi32, #tpu.memory_space<vmem>>
      %dma_start3A_40 = arith.constant 0 : i32
      %dma_start3A_41 = arith.constant 0 : i32
      %dma_start3A_42 = tpu.memref_slice %arg4[%dma_start3A_40, %dma_start3A_41] : memref<10000x128xf32, #tpu.memory_space<hbm>> -> memref<10000x128xf32, #tpu.memory_space<hbm>>
      tpu.enqueue_indirect_dma source(%dma_start3A_42 : memref<10000x128xf32, #tpu.memory_space<hbm>>) target(%arg10 : memref<128x128xf32, #tpu.memory_space<vmem>>) offsets(%dma_start3A_39 : memref<128xi32, #tpu.memory_space<vmem>>) semaphore(%arg12 : memref<!tpu.dma_semaphore, #tpu.memory_space<semaphore_mem>>)
      %scan3A = arith.constant 0 : i32
      %scan3A_43 = arith.constant 0 : i32
      %scan3A_44 = arith.constant 8 : i32
      %scan3A_45 = arith.addi %scan3A_43, %scan3A_44 : i32
      %scan3A_46 = arith.constant 1 : i32
      scf.for %scan3A_48 = %scan3A_43 to %scan3A_45 step %scan3A_46  : i32 {
        %mul3A_49 = arith.constant 2 : i32
        %mul3A_50 = arith.muli %mul3A_49, %scan3A_48 : i32
        %add3A_51 = arith.constant 0 : i32
        %add3A_52 = arith.addi %mul3A_50, %add3A_51 : i32
        %add3A_53 = arith.constant 1 : i32
        %add3A_54 = arith.addi %add3A_52, %add3A_53 : i32
        %lt3A_55 = arith.constant 16 : i32
        %lt3A_56 = arith.cmpi slt, %add3A_54, %lt3A_55 : i32
        %convert_element_type3A_57 = arith.extui %lt3A_56 : i1 to i32
        %cond3A_58 = arith.constant 0 : i32
        %cond3A_59 = arith.cmpi ne, %convert_element_type3A_57, %cond3A_58 : i32
        scf.if %cond3A_59 {
          %add3A_82 = arith.constant 1 : i32
          %add3A_83 = arith.addi %add3A_52, %add3A_82 : i32
          %dma_start3A_84 = arith.constant 0 : i32
          %dma_start3A_85 = tpu.memref_slice %arg8[%add3A_83, %dma_start3A_84] : memref<16x128xi32, #tpu.memory_space<vmem>> -> memref<1x128xi32, #tpu.memory_space<vmem>>
          %dma_start3A_86 = tpu.memref_squeeze %dma_start3A_85 : memref<1x128xi32, #tpu.memory_space<vmem>> -> memref<128xi32, #tpu.memory_space<vmem>>
          %dma_start3A_87 = arith.constant 0 : i32
          %dma_start3A_88 = arith.constant 0 : i32
          %dma_start3A_89 = tpu.memref_slice %arg4[%dma_start3A_87, %dma_start3A_88] : memref<10000x128xf32, #tpu.memory_space<hbm>> -> memref<10000x128xf32, #tpu.memory_space<hbm>>
          tpu.enqueue_indirect_dma source(%dma_start3A_89 : memref<10000x128xf32, #tpu.memory_space<hbm>>) target(%arg11 : memref<128x128xf32, #tpu.memory_space<vmem>>) offsets(%dma_start3A_86 : memref<128xi32, #tpu.memory_space<vmem>>) semaphore(%arg13 : memref<!tpu.dma_semaphore, #tpu.memory_space<semaphore_mem>>)
        } else {
        }
        %dma_wait3A = arith.constant 0 : i32
        %dma_wait3A_60 = tpu.memref_slice %arg8[%add3A_52, %dma_wait3A] : memref<16x128xi32, #tpu.memory_space<vmem>> -> memref<1x128xi32, #tpu.memory_space<vmem>>
        %dma_wait3A_61 = tpu.memref_squeeze %dma_wait3A_60 : memref<1x128xi32, #tpu.memory_space<vmem>> -> memref<128xi32, #tpu.memory_space<vmem>>
        %dma_wait3A_62 = arith.constant 0 : i32
        %dma_wait3A_63 = arith.constant 0 : i32
        %dma_wait3A_64 = tpu.memref_slice %arg4[%dma_wait3A_62, %dma_wait3A_63] : memref<10000x128xf32, #tpu.memory_space<hbm>> -> memref<10000x128xf32, #tpu.memory_space<hbm>>
        tpu.wait_indirect_dma semaphore(%arg12 : memref<!tpu.dma_semaphore, #tpu.memory_space<semaphore_mem>>) src(%dma_wait3A_64 : memref<10000x128xf32, #tpu.memory_space<hbm>>) dst(%arg10 : memref<128x128xf32, #tpu.memory_space<vmem>>)
        "tpu.region"() ({
          %run_scoped3A_82 = tpu.sem_alloc : memref<!tpu.dma_semaphore, #tpu.memory_space<semaphore_mem>>
          %dma_start3A_83 = arith.constant 0 : i32
          %dma_start3A_84 = tpu.memref_slice %arg9[%add3A_52, %dma_start3A_83] : memref<16x128xi32, #tpu.memory_space<vmem>> -> memref<1x128xi32, #tpu.memory_space<vmem>>
          %dma_start3A_85 = tpu.memref_squeeze %dma_start3A_84 : memref<1x128xi32, #tpu.memory_space<vmem>> -> memref<128xi32, #tpu.memory_space<vmem>>
          %dma_start3A_86 = arith.constant 0 : i32
          %dma_start3A_87 = arith.constant 0 : i32
          %dma_start3A_88 = tpu.memref_slice %arg14[%dma_start3A_86, %dma_start3A_87] : memref<10240x128xf32, #tpu.memory_space<vmem_shared>> -> memref<10240x128xf32, #tpu.memory_space<vmem_shared>>
          tpu.enqueue_indirect_dma source(%arg10 : memref<128x128xf32, #tpu.memory_space<vmem>>) target(%dma_start3A_88 : memref<10240x128xf32, #tpu.memory_space<vmem_shared>>) offsets(%dma_start3A_85 : memref<128xi32, #tpu.memory_space<vmem>>) semaphore(%run_scoped3A_82 : memref<!tpu.dma_semaphore, #tpu.memory_space<semaphore_mem>>) {add = true}
          %dma_wait3A_89 = arith.constant 0 : i32
          %dma_wait3A_90 = tpu.memref_slice %arg9[%add3A_52, %dma_wait3A_89] : memref<16x128xi32, #tpu.memory_space<vmem>> -> memref<1x128xi32, #tpu.memory_space<vmem>>
          %dma_wait3A_91 = tpu.memref_squeeze %dma_wait3A_90 : memref<1x128xi32, #tpu.memory_space<vmem>> -> memref<128xi32, #tpu.memory_space<vmem>>
          %dma_wait3A_92 = arith.constant 0 : i32
          %dma_wait3A_93 = arith.constant 0 : i32
          %dma_wait3A_94 = tpu.memref_slice %arg14[%dma_wait3A_92, %dma_wait3A_93] : memref<10240x128xf32, #tpu.memory_space<vmem_shared>> -> memref<10240x128xf32, #tpu.memory_space<vmem_shared>>
          tpu.wait_indirect_dma semaphore(%run_scoped3A_82 : memref<!tpu.dma_semaphore, #tpu.memory_space<semaphore_mem>>) src(%arg10 : memref<128x128xf32, #tpu.memory_space<vmem>>) dst(%dma_wait3A_94 : memref<10240x128xf32, #tpu.memory_space<vmem_shared>>)
          tpu.yield
        }) : () -> ()
        %mul3A_65 = arith.constant 2 : i32
        %mul3A_66 = arith.muli %mul3A_65, %scan3A_48 : i32
        %add3A_67 = arith.constant 1 : i32
        %add3A_68 = arith.addi %mul3A_66, %add3A_67 : i32
        %add3A_69 = arith.constant 1 : i32
        %add3A_70 = arith.addi %add3A_68, %add3A_69 : i32
        %lt3A_71 = arith.constant 16 : i32
        %lt3A_72 = arith.cmpi slt, %add3A_70, %lt3A_71 : i32
        %convert_element_type3A_73 = arith.extui %lt3A_72 : i1 to i32
        %cond3A_74 = arith.constant 0 : i32
        %cond3A_75 = arith.cmpi ne, %convert_element_type3A_73, %cond3A_74 : i32
        scf.if %cond3A_75 {
          %add3A_82 = arith.constant 1 : i32
          %add3A_83 = arith.addi %add3A_68, %add3A_82 : i32
          %dma_start3A_84 = arith.constant 0 : i32
          %dma_start3A_85 = tpu.memref_slice %arg8[%add3A_83, %dma_start3A_84] : memref<16x128xi32, #tpu.memory_space<vmem>> -> memref<1x128xi32, #tpu.memory_space<vmem>>
          %dma_start3A_86 = tpu.memref_squeeze %dma_start3A_85 : memref<1x128xi32, #tpu.memory_space<vmem>> -> memref<128xi32, #tpu.memory_space<vmem>>
          %dma_start3A_87 = arith.constant 0 : i32
          %dma_start3A_88 = arith.constant 0 : i32
          %dma_start3A_89 = tpu.memref_slice %arg4[%dma_start3A_87, %dma_start3A_88] : memref<10000x128xf32, #tpu.memory_space<hbm>> -> memref<10000x128xf32, #tpu.memory_space<hbm>>
          tpu.enqueue_indirect_dma source(%dma_start3A_89 : memref<10000x128xf32, #tpu.memory_space<hbm>>) target(%arg10 : memref<128x128xf32, #tpu.memory_space<vmem>>) offsets(%dma_start3A_86 : memref<128xi32, #tpu.memory_space<vmem>>) semaphore(%arg12 : memref<!tpu.dma_semaphore, #tpu.memory_space<semaphore_mem>>)
        } else {
        }
        %dma_wait3A_76 = arith.constant 0 : i32
        %dma_wait3A_77 = tpu.memref_slice %arg8[%add3A_68, %dma_wait3A_76] : memref<16x128xi32, #tpu.memory_space<vmem>> -> memref<1x128xi32, #tpu.memory_space<vmem>>
        %dma_wait3A_78 = tpu.memref_squeeze %dma_wait3A_77 : memref<1x128xi32, #tpu.memory_space<vmem>> -> memref<128xi32, #tpu.memory_space<vmem>>
        %dma_wait3A_79 = arith.constant 0 : i32
        %dma_wait3A_80 = arith.constant 0 : i32
        %dma_wait3A_81 = tpu.memref_slice %arg4[%dma_wait3A_79, %dma_wait3A_80] : memref<10000x128xf32, #tpu.memory_space<hbm>> -> memref<10000x128xf32, #tpu.memory_space<hbm>>
        tpu.wait_indirect_dma semaphore(%arg13 : memref<!tpu.dma_semaphore, #tpu.memory_space<semaphore_mem>>) src(%dma_wait3A_81 : memref<10000x128xf32, #tpu.memory_space<hbm>>) dst(%arg11 : memref<128x128xf32, #tpu.memory_space<vmem>>)
        "tpu.region"() ({
          %run_scoped3A_82 = tpu.sem_alloc : memref<!tpu.dma_semaphore, #tpu.memory_space<semaphore_mem>>
          %dma_start3A_83 = arith.constant 0 : i32
          %dma_start3A_84 = tpu.memref_slice %arg9[%add3A_68, %dma_start3A_83] : memref<16x128xi32, #tpu.memory_space<vmem>> -> memref<1x128xi32, #tpu.memory_space<vmem>>
          %dma_start3A_85 = tpu.memref_squeeze %dma_start3A_84 : memref<1x128xi32, #tpu.memory_space<vmem>> -> memref<128xi32, #tpu.memory_space<vmem>>
          %dma_start3A_86 = arith.constant 0 : i32
          %dma_start3A_87 = arith.constant 0 : i32
          %dma_start3A_88 = tpu.memref_slice %arg14[%dma_start3A_86, %dma_start3A_87] : memref<10240x128xf32, #tpu.memory_space<vmem_shared>> -> memref<10240x128xf32, #tpu.memory_space<vmem_shared>>
          tpu.enqueue_indirect_dma source(%arg11 : memref<128x128xf32, #tpu.memory_space<vmem>>) target(%dma_start3A_88 : memref<10240x128xf32, #tpu.memory_space<vmem_shared>>) offsets(%dma_start3A_85 : memref<128xi32, #tpu.memory_space<vmem>>) semaphore(%run_scoped3A_82 : memref<!tpu.dma_semaphore, #tpu.memory_space<semaphore_mem>>) {add = true}
          %dma_wait3A_89 = arith.constant 0 : i32
          %dma_wait3A_90 = tpu.memref_slice %arg9[%add3A_68, %dma_wait3A_89] : memref<16x128xi32, #tpu.memory_space<vmem>> -> memref<1x128xi32, #tpu.memory_space<vmem>>
          %dma_wait3A_91 = tpu.memref_squeeze %dma_wait3A_90 : memref<1x128xi32, #tpu.memory_space<vmem>> -> memref<128xi32, #tpu.memory_space<vmem>>
          %dma_wait3A_92 = arith.constant 0 : i32
          %dma_wait3A_93 = arith.constant 0 : i32
          %dma_wait3A_94 = tpu.memref_slice %arg14[%dma_wait3A_92, %dma_wait3A_93] : memref<10240x128xf32, #tpu.memory_space<vmem_shared>> -> memref<10240x128xf32, #tpu.memory_space<vmem_shared>>
          tpu.wait_indirect_dma semaphore(%run_scoped3A_82 : memref<!tpu.dma_semaphore, #tpu.memory_space<semaphore_mem>>) src(%arg11 : memref<128x128xf32, #tpu.memory_space<vmem>>) dst(%dma_wait3A_94 : memref<10240x128xf32, #tpu.memory_space<vmem_shared>>)
          tpu.yield
        }) : () -> ()
      }
      %scan3A_47 = arith.constant 8 : i32
    }
    %eq3A = arith.constant 31 : i32
    %eq3A_20 = arith.cmpi eq, %add3A, %eq3A : i32
    %convert_element_type3A = arith.extui %eq3A_20 : i1 to i32
    %cond3A = arith.constant 0 : i32
    %cond3A_21 = arith.cmpi ne, %convert_element_type3A, %cond3A : i32
    scf.if %cond3A_21 {
      %run_scoped3A = arith.constant 0 : i32
      "tpu.region"() ({
        %run_scoped3A_39 = tpu.sem_alloc : memref<!tpu.dma_semaphore, #tpu.memory_space<semaphore_mem>>
        %dma_start3A = arith.constant 0 : i32
        %dma_start3A_40 = arith.constant 0 : i32
        %dma_start3A_41 = tpu.memref_slice %arg8[%dma_start3A, %dma_start3A_40] : memref<16x128xi32, #tpu.memory_space<vmem>> -> memref<4x128xi32, #tpu.memory_space<vmem>>
        %dma_start3A_42 = arith.constant 0 : i32
        %dma_start3A_43 = arith.constant 0 : i32
        %dma_start3A_44 = tpu.memref_slice %arg3[%run_scoped3A, %dma_start3A_42, %dma_start3A_43] : memref<2x4x128xi32, #tpu.memory_space<hbm>> -> memref<1x4x128xi32, #tpu.memory_space<hbm>>
        %dma_start3A_45 = tpu.memref_squeeze %dma_start3A_44 : memref<1x4x128xi32, #tpu.memory_space<hbm>> -> memref<4x128xi32, #tpu.memory_space<hbm>>
        %dma_start3A_46 = arith.constant 0 : i32
        %dma_start3A_47 = arith.constant 0 : i32
        %dma_start3A_48 = tpu.memref_slice %arg8[%dma_start3A_46, %dma_start3A_47] : memref<16x128xi32, #tpu.memory_space<vmem>> -> memref<4x128xi32, #tpu.memory_space<vmem>>
        %dma_start3A_49 = arith.constant 0 : i32
        %dma_start3A_50 = arith.constant 0 : i32
        %dma_start3A_51 = tpu.memref_slice %arg3[%run_scoped3A, %dma_start3A_49, %dma_start3A_50] : memref<2x4x128xi32, #tpu.memory_space<hbm>> -> memref<1x4x128xi32, #tpu.memory_space<hbm>>
        %dma_start3A_52 = tpu.memref_squeeze %dma_start3A_51 : memref<1x4x128xi32, #tpu.memory_space<hbm>> -> memref<4x128xi32, #tpu.memory_space<hbm>>
        tpu.enqueue_dma source(%dma_start3A_52 : memref<4x128xi32, #tpu.memory_space<hbm>>) target(%dma_start3A_48 : memref<4x128xi32, #tpu.memory_space<vmem>>) target_semaphore(%run_scoped3A_39 : memref<!tpu.dma_semaphore, #tpu.memory_space<semaphore_mem>>)
        %dma_wait3A = arith.constant 0 : i32
        %dma_wait3A_53 = arith.constant 0 : i32
        %dma_wait3A_54 = tpu.memref_slice %arg8[%dma_wait3A, %dma_wait3A_53] : memref<16x128xi32, #tpu.memory_space<vmem>> -> memref<4x128xi32, #tpu.memory_space<vmem>>
        %dma_wait3A_55 = arith.constant 0 : i32
        %dma_wait3A_56 = arith.constant 0 : i32
        %dma_wait3A_57 = tpu.memref_slice %arg3[%run_scoped3A, %dma_wait3A_55, %dma_wait3A_56] : memref<2x4x128xi32, #tpu.memory_space<hbm>> -> memref<1x4x128xi32, #tpu.memory_space<hbm>>
        %dma_wait3A_58 = tpu.memref_squeeze %dma_wait3A_57 : memref<1x4x128xi32, #tpu.memory_space<hbm>> -> memref<4x128xi32, #tpu.memory_space<hbm>>
        %dma_wait3A_59 = arith.constant 0 : i32
        %dma_wait3A_60 = arith.constant 0 : i32
        %dma_wait3A_61 = tpu.memref_slice %arg8[%dma_wait3A_59, %dma_wait3A_60] : memref<16x128xi32, #tpu.memory_space<vmem>> -> memref<4x128xi32, #tpu.memory_space<vmem>>
        %dma_wait3A_62 = arith.constant 0 : i32
        %dma_wait3A_63 = arith.constant 0 : i32
        %dma_wait3A_64 = tpu.memref_slice %arg3[%run_scoped3A, %dma_wait3A_62, %dma_wait3A_63] : memref<2x4x128xi32, #tpu.memory_space<hbm>> -> memref<1x4x128xi32, #tpu.memory_space<hbm>>
        %dma_wait3A_65 = tpu.memref_squeeze %dma_wait3A_64 : memref<1x4x128xi32, #tpu.memory_space<hbm>> -> memref<4x128xi32, #tpu.memory_space<hbm>>
        tpu.wait_dma2 semaphore(%run_scoped3A_39 : memref<!tpu.dma_semaphore, #tpu.memory_space<semaphore_mem>>) src(%dma_wait3A_65 : memref<4x128xi32, #tpu.memory_space<hbm>>) dst(%dma_wait3A_61 : memref<4x128xi32, #tpu.memory_space<vmem>>)
        tpu.yield
      }) : () -> ()
      %run_scoped3A_33 = arith.constant 1 : i32
      "tpu.region"() ({
        %run_scoped3A_39 = tpu.sem_alloc : memref<!tpu.dma_semaphore, #tpu.memory_space<semaphore_mem>>
        %dma_start3A = arith.constant 0 : i32
        %dma_start3A_40 = arith.constant 0 : i32
        %dma_start3A_41 = tpu.memref_slice %arg9[%dma_start3A, %dma_start3A_40] : memref<16x128xi32, #tpu.memory_space<vmem>> -> memref<4x128xi32, #tpu.memory_space<vmem>>
        %dma_start3A_42 = arith.constant 0 : i32
        %dma_start3A_43 = arith.constant 0 : i32
        %dma_start3A_44 = tpu.memref_slice %arg3[%run_scoped3A_33, %dma_start3A_42, %dma_start3A_43] : memref<2x4x128xi32, #tpu.memory_space<hbm>> -> memref<1x4x128xi32, #tpu.memory_space<hbm>>
        %dma_start3A_45 = tpu.memref_squeeze %dma_start3A_44 : memref<1x4x128xi32, #tpu.memory_space<hbm>> -> memref<4x128xi32, #tpu.memory_space<hbm>>
        %dma_start3A_46 = arith.constant 0 : i32
        %dma_start3A_47 = arith.constant 0 : i32
        %dma_start3A_48 = tpu.memref_slice %arg9[%dma_start3A_46, %dma_start3A_47] : memref<16x128xi32, #tpu.memory_space<vmem>> -> memref<4x128xi32, #tpu.memory_space<vmem>>
        %dma_start3A_49 = arith.constant 0 : i32
        %dma_start3A_50 = arith.constant 0 : i32
        %dma_start3A_51 = tpu.memref_slice %arg3[%run_scoped3A_33, %dma_start3A_49, %dma_start3A_50] : memref<2x4x128xi32, #tpu.memory_space<hbm>> -> memref<1x4x128xi32, #tpu.memory_space<hbm>>
        %dma_start3A_52 = tpu.memref_squeeze %dma_start3A_51 : memref<1x4x128xi32, #tpu.memory_space<hbm>> -> memref<4x128xi32, #tpu.memory_space<hbm>>
        tpu.enqueue_dma source(%dma_start3A_52 : memref<4x128xi32, #tpu.memory_space<hbm>>) target(%dma_start3A_48 : memref<4x128xi32, #tpu.memory_space<vmem>>) target_semaphore(%run_scoped3A_39 : memref<!tpu.dma_semaphore, #tpu.memory_space<semaphore_mem>>)
        %dma_wait3A = arith.constant 0 : i32
        %dma_wait3A_53 = arith.constant 0 : i32
        %dma_wait3A_54 = tpu.memref_slice %arg9[%dma_wait3A, %dma_wait3A_53] : memref<16x128xi32, #tpu.memory_space<vmem>> -> memref<4x128xi32, #tpu.memory_space<vmem>>
        %dma_wait3A_55 = arith.constant 0 : i32
        %dma_wait3A_56 = arith.constant 0 : i32
        %dma_wait3A_57 = tpu.memref_slice %arg3[%run_scoped3A_33, %dma_wait3A_55, %dma_wait3A_56] : memref<2x4x128xi32, #tpu.memory_space<hbm>> -> memref<1x4x128xi32, #tpu.memory_space<hbm>>
        %dma_wait3A_58 = tpu.memref_squeeze %dma_wait3A_57 : memref<1x4x128xi32, #tpu.memory_space<hbm>> -> memref<4x128xi32, #tpu.memory_space<hbm>>
        %dma_wait3A_59 = arith.constant 0 : i32
        %dma_wait3A_60 = arith.constant 0 : i32
        %dma_wait3A_61 = tpu.memref_slice %arg9[%dma_wait3A_59, %dma_wait3A_60] : memref<16x128xi32, #tpu.memory_space<vmem>> -> memref<4x128xi32, #tpu.memory_space<vmem>>
        %dma_wait3A_62 = arith.constant 0 : i32
        %dma_wait3A_63 = arith.constant 0 : i32
        %dma_wait3A_64 = tpu.memref_slice %arg3[%run_scoped3A_33, %dma_wait3A_62, %dma_wait3A_63] : memref<2x4x128xi32, #tpu.memory_space<hbm>> -> memref<1x4x128xi32, #tpu.memory_space<hbm>>
        %dma_wait3A_65 = tpu.memref_squeeze %dma_wait3A_64 : memref<1x4x128xi32, #tpu.memory_space<hbm>> -> memref<4x128xi32, #tpu.memory_space<hbm>>
        tpu.wait_dma2 semaphore(%run_scoped3A_39 : memref<!tpu.dma_semaphore, #tpu.memory_space<semaphore_mem>>) src(%dma_wait3A_65 : memref<4x128xi32, #tpu.memory_space<hbm>>) dst(%dma_wait3A_61 : memref<4x128xi32, #tpu.memory_space<vmem>>)
        tpu.yield
      }) : () -> ()
      %scan3A = arith.constant 0 : i32
      %scan3A_34 = arith.constant 0 : i32
      %scan3A_35 = arith.constant 4 : i32
      %scan3A_36 = arith.addi %scan3A_34, %scan3A_35 : i32
      %scan3A_37 = arith.constant 1 : i32
      scf.for %scan3A_39 = %scan3A_34 to %scan3A_36 step %scan3A_37  : i32 {
        %dma_start3A = arith.constant 0 : i32
        %dma_start3A_40 = tpu.memref_slice %arg8[%scan3A_39, %dma_start3A] : memref<16x128xi32, #tpu.memory_space<vmem>> -> memref<1x128xi32, #tpu.memory_space<vmem>>
        %dma_start3A_41 = tpu.memref_squeeze %dma_start3A_40 : memref<1x128xi32, #tpu.memory_space<vmem>> -> memref<128xi32, #tpu.memory_space<vmem>>
        %dma_start3A_42 = arith.constant 0 : i32
        %dma_start3A_43 = arith.constant 0 : i32
        %dma_start3A_44 = tpu.memref_slice %arg4[%dma_start3A_42, %dma_start3A_43] : memref<10000x128xf32, #tpu.memory_space<hbm>> -> memref<10000x128xf32, #tpu.memory_space<hbm>>
        tpu.enqueue_indirect_dma source(%dma_start3A_44 : memref<10000x128xf32, #tpu.memory_space<hbm>>) target(%arg10 : memref<128x128xf32, #tpu.memory_space<vmem>>) offsets(%dma_start3A_41 : memref<128xi32, #tpu.memory_space<vmem>>) semaphore(%arg12 : memref<!tpu.dma_semaphore, #tpu.memory_space<semaphore_mem>>)
        %dma_wait3A = arith.constant 0 : i32
        %dma_wait3A_45 = tpu.memref_slice %arg8[%scan3A_39, %dma_wait3A] : memref<16x128xi32, #tpu.memory_space<vmem>> -> memref<1x128xi32, #tpu.memory_space<vmem>>
        %dma_wait3A_46 = tpu.memref_squeeze %dma_wait3A_45 : memref<1x128xi32, #tpu.memory_space<vmem>> -> memref<128xi32, #tpu.memory_space<vmem>>
        %dma_wait3A_47 = arith.constant 0 : i32
        %dma_wait3A_48 = arith.constant 0 : i32
        %dma_wait3A_49 = tpu.memref_slice %arg4[%dma_wait3A_47, %dma_wait3A_48] : memref<10000x128xf32, #tpu.memory_space<hbm>> -> memref<10000x128xf32, #tpu.memory_space<hbm>>
        tpu.wait_indirect_dma semaphore(%arg12 : memref<!tpu.dma_semaphore, #tpu.memory_space<semaphore_mem>>) src(%dma_wait3A_49 : memref<10000x128xf32, #tpu.memory_space<hbm>>) dst(%arg10 : memref<128x128xf32, #tpu.memory_space<vmem>>)
        "tpu.region"() ({
          %run_scoped3A_50 = tpu.sem_alloc : memref<!tpu.dma_semaphore, #tpu.memory_space<semaphore_mem>>
          %dma_start3A_51 = arith.constant 0 : i32
          %dma_start3A_52 = tpu.memref_slice %arg9[%scan3A_39, %dma_start3A_51] : memref<16x128xi32, #tpu.memory_space<vmem>> -> memref<1x128xi32, #tpu.memory_space<vmem>>
          %dma_start3A_53 = tpu.memref_squeeze %dma_start3A_52 : memref<1x128xi32, #tpu.memory_space<vmem>> -> memref<128xi32, #tpu.memory_space<vmem>>
          %dma_start3A_54 = arith.constant 0 : i32
          %dma_start3A_55 = arith.constant 0 : i32
          %dma_start3A_56 = tpu.memref_slice %arg14[%dma_start3A_54, %dma_start3A_55] : memref<10240x128xf32, #tpu.memory_space<vmem_shared>> -> memref<10240x128xf32, #tpu.memory_space<vmem_shared>>
          tpu.enqueue_indirect_dma source(%arg10 : memref<128x128xf32, #tpu.memory_space<vmem>>) target(%dma_start3A_56 : memref<10240x128xf32, #tpu.memory_space<vmem_shared>>) offsets(%dma_start3A_53 : memref<128xi32, #tpu.memory_space<vmem>>) semaphore(%run_scoped3A_50 : memref<!tpu.dma_semaphore, #tpu.memory_space<semaphore_mem>>) {add = true}
          %dma_wait3A_57 = arith.constant 0 : i32
          %dma_wait3A_58 = tpu.memref_slice %arg9[%scan3A_39, %dma_wait3A_57] : memref<16x128xi32, #tpu.memory_space<vmem>> -> memref<1x128xi32, #tpu.memory_space<vmem>>
          %dma_wait3A_59 = tpu.memref_squeeze %dma_wait3A_58 : memref<1x128xi32, #tpu.memory_space<vmem>> -> memref<128xi32, #tpu.memory_space<vmem>>
          %dma_wait3A_60 = arith.constant 0 : i32
          %dma_wait3A_61 = arith.constant 0 : i32
          %dma_wait3A_62 = tpu.memref_slice %arg14[%dma_wait3A_60, %dma_wait3A_61] : memref<10240x128xf32, #tpu.memory_space<vmem_shared>> -> memref<10240x128xf32, #tpu.memory_space<vmem_shared>>
          tpu.wait_indirect_dma semaphore(%run_scoped3A_50 : memref<!tpu.dma_semaphore, #tpu.memory_space<semaphore_mem>>) src(%arg10 : memref<128x128xf32, #tpu.memory_space<vmem>>) dst(%dma_wait3A_62 : memref<10240x128xf32, #tpu.memory_space<vmem_shared>>)
          tpu.yield
        }) : () -> ()
      }
      %scan3A_38 = arith.constant 4 : i32
    } else {
    }
    %barrier3A_22 = arith.constant 0 : index
    tpu.barrier barrier_id(%barrier3A_22)
    %eq3A_23 = arith.constant 0 : i32
    %eq3A_24 = arith.cmpi eq, %arg0, %eq3A_23 : i32
    %convert_element_type3A_25 = arith.extui %eq3A_24 : i1 to i32
    %cond3A_26 = arith.constant 0 : i32
    %cond3A_27 = arith.cmpi ne, %convert_element_type3A_25, %cond3A_26 : i32
    scf.if %cond3A_27 {
      %mul3A_33 = arith.constant 624 : i32
      %mul3A_34 = arith.muli %arg1, %mul3A_33 : i32
      %mul3A_35 = arith.constant 624 : i32
      %mul3A_36 = arith.muli %arg1, %mul3A_35 : i32
      "tpu.region"() ({
        %run_scoped3A = tpu.sem_alloc : memref<!tpu.dma_semaphore, #tpu.memory_space<semaphore_mem>>
        %dma_start3A = arith.constant 0 : i32
        %dma_start3A_42 = tpu.memref_slice %arg6[%mul3A_36, %dma_start3A] : memref<10000x128xf32, #tpu.memory_space<hbm>> -> memref<624x128xf32, #tpu.memory_space<hbm>>
        %dma_start3A_43 = arith.constant 0 : i32
        %dma_start3A_44 = tpu.memref_slice %arg14[%mul3A_34, %dma_start3A_43] : memref<10240x128xf32, #tpu.memory_space<vmem_shared>> -> memref<624x128xf32, #tpu.memory_space<vmem_shared>>
        tpu.enqueue_dma source(%dma_start3A_44 : memref<624x128xf32, #tpu.memory_space<vmem_shared>>) target(%dma_start3A_42 : memref<624x128xf32, #tpu.memory_space<hbm>>) target_semaphore(%run_scoped3A : memref<!tpu.dma_semaphore, #tpu.memory_space<semaphore_mem>>)
        %dma_wait3A = arith.constant 0 : i32
        %dma_wait3A_45 = tpu.memref_slice %arg6[%mul3A_36, %dma_wait3A] : memref<10000x128xf32, #tpu.memory_space<hbm>> -> memref<624x128xf32, #tpu.memory_space<hbm>>
        %dma_wait3A_46 = arith.constant 0 : i32
        %dma_wait3A_47 = tpu.memref_slice %arg14[%mul3A_34, %dma_wait3A_46] : memref<10240x128xf32, #tpu.memory_space<vmem_shared>> -> memref<624x128xf32, #tpu.memory_space<vmem_shared>>
        tpu.wait_dma2 semaphore(%run_scoped3A : memref<!tpu.dma_semaphore, #tpu.memory_space<semaphore_mem>>) src(%dma_wait3A_47 : memref<624x128xf32, #tpu.memory_space<vmem_shared>>) dst(%dma_wait3A_45 : memref<624x128xf32, #tpu.memory_space<hbm>>)
        tpu.yield
      }) : () -> ()
      %eq3A_37 = arith.constant 0 : i32
      %eq3A_38 = arith.cmpi eq, %arg1, %eq3A_37 : i32
      %convert_element_type3A_39 = arith.extui %eq3A_38 : i1 to i32
      %cond3A_40 = arith.constant 0 : i32
      %cond3A_41 = arith.cmpi ne, %convert_element_type3A_39, %cond3A_40 : i32
      scf.if %cond3A_41 {
        "tpu.region"() ({
          %run_scoped3A = tpu.sem_alloc : memref<!tpu.dma_semaphore, #tpu.memory_space<semaphore_mem>>
          %dma_start3A = arith.constant 9984 : i32
          %dma_start3A_42 = arith.constant 0 : i32
          %dma_start3A_43 = tpu.memref_slice %arg6[%dma_start3A, %dma_start3A_42] : memref<10000x128xf32, #tpu.memory_space<hbm>> -> memref<16x128xf32, #tpu.memory_space<hbm>>
          %dma_start3A_44 = arith.constant 9984 : i32
          %dma_start3A_45 = arith.constant 0 : i32
          %dma_start3A_46 = tpu.memref_slice %arg14[%dma_start3A_44, %dma_start3A_45] : memref<10240x128xf32, #tpu.memory_space<vmem_shared>> -> memref<16x128xf32, #tpu.memory_space<vmem_shared>>
          tpu.enqueue_dma source(%dma_start3A_46 : memref<16x128xf32, #tpu.memory_space<vmem_shared>>) target(%dma_start3A_43 : memref<16x128xf32, #tpu.memory_space<hbm>>) target_semaphore(%run_scoped3A : memref<!tpu.dma_semaphore, #tpu.memory_space<semaphore_mem>>)
          %dma_wait3A = arith.constant 9984 : i32
          %dma_wait3A_47 = arith.constant 0 : i32
          %dma_wait3A_48 = tpu.memref_slice %arg6[%dma_wait3A, %dma_wait3A_47] : memref<10000x128xf32, #tpu.memory_space<hbm>> -> memref<16x128xf32, #tpu.memory_space<hbm>>
          %dma_wait3A_49 = arith.constant 9984 : i32
          %dma_wait3A_50 = arith.constant 0 : i32
          %dma_wait3A_51 = tpu.memref_slice %arg14[%dma_wait3A_49, %dma_wait3A_50] : memref<10240x128xf32, #tpu.memory_space<vmem_shared>> -> memref<16x128xf32, #tpu.memory_space<vmem_shared>>
          tpu.wait_dma2 semaphore(%run_scoped3A : memref<!tpu.dma_semaphore, #tpu.memory_space<semaphore_mem>>) src(%dma_wait3A_51 : memref<16x128xf32, #tpu.memory_space<vmem_shared>>) dst(%dma_wait3A_48 : memref<16x128xf32, #tpu.memory_space<hbm>>)
          tpu.yield
        }) : () -> ()
      } else {
      }
    } else {
    }
    %eq3A_28 = arith.constant 1 : i32
    %eq3A_29 = arith.cmpi eq, %arg0, %eq3A_28 : i32
    %convert_element_type3A_30 = arith.extui %eq3A_29 : i1 to i32
    %cond3A_31 = arith.constant 0 : i32
    %cond3A_32 = arith.cmpi ne, %convert_element_type3A_30, %cond3A_31 : i32
    scf.if %cond3A_32 {
      %mul3A_33 = arith.constant 624 : i32
      %mul3A_34 = arith.muli %arg1, %mul3A_33 : i32
      %mul3A_35 = arith.constant 624 : i32
      %mul3A_36 = arith.muli %arg1, %mul3A_35 : i32
      "tpu.region"() ({
        %run_scoped3A = tpu.sem_alloc : memref<!tpu.dma_semaphore, #tpu.memory_space<semaphore_mem>>
        %dma_start3A = arith.constant 0 : i32
        %dma_start3A_42 = tpu.memref_slice %arg7[%mul3A_36, %dma_start3A] : memref<10000x128xf32, #tpu.memory_space<hbm>> -> memref<624x128xf32, #tpu.memory_space<hbm>>
        %dma_start3A_43 = arith.constant 0 : i32
        %dma_start3A_44 = tpu.memref_slice %arg14[%mul3A_34, %dma_start3A_43] : memref<10240x128xf32, #tpu.memory_space<vmem_shared>> -> memref<624x128xf32, #tpu.memory_space<vmem_shared>>
        tpu.enqueue_dma source(%dma_start3A_44 : memref<624x128xf32, #tpu.memory_space<vmem_shared>>) target(%dma_start3A_42 : memref<624x128xf32, #tpu.memory_space<hbm>>) target_semaphore(%run_scoped3A : memref<!tpu.dma_semaphore, #tpu.memory_space<semaphore_mem>>)
        %dma_wait3A = arith.constant 0 : i32
        %dma_wait3A_45 = tpu.memref_slice %arg7[%mul3A_36, %dma_wait3A] : memref<10000x128xf32, #tpu.memory_space<hbm>> -> memref<624x128xf32, #tpu.memory_space<hbm>>
        %dma_wait3A_46 = arith.constant 0 : i32
        %dma_wait3A_47 = tpu.memref_slice %arg14[%mul3A_34, %dma_wait3A_46] : memref<10240x128xf32, #tpu.memory_space<vmem_shared>> -> memref<624x128xf32, #tpu.memory_space<vmem_shared>>
        tpu.wait_dma2 semaphore(%run_scoped3A : memref<!tpu.dma_semaphore, #tpu.memory_space<semaphore_mem>>) src(%dma_wait3A_47 : memref<624x128xf32, #tpu.memory_space<vmem_shared>>) dst(%dma_wait3A_45 : memref<624x128xf32, #tpu.memory_space<hbm>>)
        tpu.yield
      }) : () -> ()
      %eq3A_37 = arith.constant 0 : i32
      %eq3A_38 = arith.cmpi eq, %arg1, %eq3A_37 : i32
      %convert_element_type3A_39 = arith.extui %eq3A_38 : i1 to i32
      %cond3A_40 = arith.constant 0 : i32
      %cond3A_41 = arith.cmpi ne, %convert_element_type3A_39, %cond3A_40 : i32
      scf.if %cond3A_41 {
        "tpu.region"() ({
          %run_scoped3A = tpu.sem_alloc : memref<!tpu.dma_semaphore, #tpu.memory_space<semaphore_mem>>
          %dma_start3A = arith.constant 9984 : i32
          %dma_start3A_42 = arith.constant 0 : i32
          %dma_start3A_43 = tpu.memref_slice %arg7[%dma_start3A, %dma_start3A_42] : memref<10000x128xf32, #tpu.memory_space<hbm>> -> memref<16x128xf32, #tpu.memory_space<hbm>>
          %dma_start3A_44 = arith.constant 9984 : i32
          %dma_start3A_45 = arith.constant 0 : i32
          %dma_start3A_46 = tpu.memref_slice %arg14[%dma_start3A_44, %dma_start3A_45] : memref<10240x128xf32, #tpu.memory_space<vmem_shared>> -> memref<16x128xf32, #tpu.memory_space<vmem_shared>>
          tpu.enqueue_dma source(%dma_start3A_46 : memref<16x128xf32, #tpu.memory_space<vmem_shared>>) target(%dma_start3A_43 : memref<16x128xf32, #tpu.memory_space<hbm>>) target_semaphore(%run_scoped3A : memref<!tpu.dma_semaphore, #tpu.memory_space<semaphore_mem>>)
          %dma_wait3A = arith.constant 9984 : i32
          %dma_wait3A_47 = arith.constant 0 : i32
          %dma_wait3A_48 = tpu.memref_slice %arg7[%dma_wait3A, %dma_wait3A_47] : memref<10000x128xf32, #tpu.memory_space<hbm>> -> memref<16x128xf32, #tpu.memory_space<hbm>>
          %dma_wait3A_49 = arith.constant 9984 : i32
          %dma_wait3A_50 = arith.constant 0 : i32
          %dma_wait3A_51 = tpu.memref_slice %arg14[%dma_wait3A_49, %dma_wait3A_50] : memref<10240x128xf32, #tpu.memory_space<vmem_shared>> -> memref<16x128xf32, #tpu.memory_space<vmem_shared>>
          tpu.wait_dma2 semaphore(%run_scoped3A : memref<!tpu.dma_semaphore, #tpu.memory_space<semaphore_mem>>) src(%dma_wait3A_51 : memref<16x128xf32, #tpu.memory_space<vmem_shared>>) dst(%dma_wait3A_48 : memref<16x128xf32, #tpu.memory_space<hbm>>)
          tpu.yield
        }) : () -> ()
      } else {
      }
    } else {
    }
    return
  }
}

#map = affine_map<(d0, d1) -> (0, 0, 0)>
#map1 = affine_map<(d0, d1) -> (0)>
#map2 = affine_map<(d0, d1) -> (0, 0)>
module attributes {stable_mosaic.version = 14 : i64} {
  func.func @_hist_body(%arg0: i32, %arg1: i32, %arg2: memref<2x2500x128xi32, #tpu.memory_space<hbm>>, %arg3: memref<2x4x128xi32, #tpu.memory_space<hbm>>, %arg4: memref<640xf32, #tpu.memory_space<hbm>>, %arg5: memref<2x10240xf32, #tpu.memory_space<hbm>>, %arg6: memref<16x128xi32, #tpu.memory_space<vmem>>, %arg7: memref<128xf32, #tpu.memory_space<vmem>>, %arg8: memref<640xf32, #tpu.memory_space<vmem>>, %arg9: memref<!tpu.dma_semaphore, #tpu.memory_space<semaphore_mem>>, %arg10: memref<10240xf32, #tpu.memory_space<vmem_shared>>) attributes {dimension_semantics = [#tpu.dimension_semantics<core_parallel>, #tpu.dimension_semantics<subcore_parallel>], iteration_bounds = array<i64: 2, 16>, scalar_prefetch = 0 : i64, scratch_operands = 5 : i64, tpu.core_type = #tpu.core_type<sc_vector_subcore>, window_params = [{transform_indices = #map}, {transform_indices = #map}, {transform_indices = #map1}, {transform_indices = #map2}]} {
    %mul3A = arith.constant 16 : i32
    %mul3A_0 = arith.muli %arg0, %mul3A : i32
    %add3A = arith.addi %mul3A_0, %arg1 : i32
    "tpu.region"() ({
      %run_scoped3A = tpu.sem_alloc : memref<!tpu.dma_semaphore, #tpu.memory_space<semaphore_mem>>
      tpu.enqueue_dma source(%arg4 : memref<640xf32, #tpu.memory_space<hbm>>) target(%arg8 : memref<640xf32, #tpu.memory_space<vmem>>) target_semaphore(%run_scoped3A : memref<!tpu.dma_semaphore, #tpu.memory_space<semaphore_mem>>)
      tpu.wait_dma2 semaphore(%run_scoped3A : memref<!tpu.dma_semaphore, #tpu.memory_space<semaphore_mem>>) src(%arg4 : memref<640xf32, #tpu.memory_space<hbm>>) dst(%arg8 : memref<640xf32, #tpu.memory_space<vmem>>)
      tpu.yield
    }) : () -> ()
    %mul3A_1 = arith.constant 640 : i32
    %mul3A_2 = arith.muli %arg1, %mul3A_1 : i32
    "tpu.region"() ({
      %run_scoped3A = tpu.sem_alloc : memref<!tpu.dma_semaphore, #tpu.memory_space<semaphore_mem>>
      %dma_start3A = tpu.memref_slice %arg10[%mul3A_2] : memref<10240xf32, #tpu.memory_space<vmem_shared>> -> memref<640xf32, #tpu.memory_space<vmem_shared>>
      %dma_start3A_73 = tpu.memref_slice %arg10[%mul3A_2] : memref<10240xf32, #tpu.memory_space<vmem_shared>> -> memref<640xf32, #tpu.memory_space<vmem_shared>>
      tpu.enqueue_dma source(%arg8 : memref<640xf32, #tpu.memory_space<vmem>>) target(%dma_start3A_73 : memref<640xf32, #tpu.memory_space<vmem_shared>>) target_semaphore(%run_scoped3A : memref<!tpu.dma_semaphore, #tpu.memory_space<semaphore_mem>>)
      %dma_wait3A = tpu.memref_slice %arg10[%mul3A_2] : memref<10240xf32, #tpu.memory_space<vmem_shared>> -> memref<640xf32, #tpu.memory_space<vmem_shared>>
      %dma_wait3A_74 = tpu.memref_slice %arg10[%mul3A_2] : memref<10240xf32, #tpu.memory_space<vmem_shared>> -> memref<640xf32, #tpu.memory_space<vmem_shared>>
      tpu.wait_dma2 semaphore(%run_scoped3A : memref<!tpu.dma_semaphore, #tpu.memory_space<semaphore_mem>>) src(%arg8 : memref<640xf32, #tpu.memory_space<vmem>>) dst(%dma_wait3A_74 : memref<640xf32, #tpu.memory_space<vmem_shared>>)
      tpu.yield
    }) : () -> ()
    %broadcast_in_dim3A = arith.constant 1.000000e+00 : f32
    %broadcast_in_dim3A_3 = vector.broadcast %broadcast_in_dim3A : f32 to vector<16xf32>
    %swap3A = arith.constant 0 : index
    %swap3A_4 = tpu.vector_load %arg7[%swap3A] {strides = array<i32>} : memref<128xf32, #tpu.memory_space<vmem>>, vector<16xf32>,
    %swap3A_5 = vector.shape_cast %swap3A_4 : vector<16xf32> to vector<16xf32>
    %swap3A_6 = vector.shape_cast %broadcast_in_dim3A_3 : vector<16xf32> to vector<16xf32>
    tpu.vector_store %arg7[%swap3A], %swap3A_6 {strides = array<i32>} : memref<128xf32, #tpu.memory_space<vmem>>, vector<16xf32>,
    %broadcast_in_dim3A_7 = arith.constant 1.000000e+00 : f32
    %broadcast_in_dim3A_8 = vector.broadcast %broadcast_in_dim3A_7 : f32 to vector<16xf32>
    %swap3A_9 = arith.constant 16 : index
    %swap3A_10 = tpu.vector_load %arg7[%swap3A_9] {strides = array<i32>} : memref<128xf32, #tpu.memory_space<vmem>>, vector<16xf32>,
    %swap3A_11 = vector.shape_cast %swap3A_10 : vector<16xf32> to vector<16xf32>
    %swap3A_12 = vector.shape_cast %broadcast_in_dim3A_8 : vector<16xf32> to vector<16xf32>
    tpu.vector_store %arg7[%swap3A_9], %swap3A_12 {strides = array<i32>} : memref<128xf32, #tpu.memory_space<vmem>>, vector<16xf32>,
    %broadcast_in_dim3A_13 = arith.constant 1.000000e+00 : f32
    %broadcast_in_dim3A_14 = vector.broadcast %broadcast_in_dim3A_13 : f32 to vector<16xf32>
    %swap3A_15 = arith.constant 32 : index
    %swap3A_16 = tpu.vector_load %arg7[%swap3A_15] {strides = array<i32>} : memref<128xf32, #tpu.memory_space<vmem>>, vector<16xf32>,
    %swap3A_17 = vector.shape_cast %swap3A_16 : vector<16xf32> to vector<16xf32>
    %swap3A_18 = vector.shape_cast %broadcast_in_dim3A_14 : vector<16xf32> to vector<16xf32>
    tpu.vector_store %arg7[%swap3A_15], %swap3A_18 {strides = array<i32>} : memref<128xf32, #tpu.memory_space<vmem>>, vector<16xf32>,
    %broadcast_in_dim3A_19 = arith.constant 1.000000e+00 : f32
    %broadcast_in_dim3A_20 = vector.broadcast %broadcast_in_dim3A_19 : f32 to vector<16xf32>
    %swap3A_21 = arith.constant 48 : index
    %swap3A_22 = tpu.vector_load %arg7[%swap3A_21] {strides = array<i32>} : memref<128xf32, #tpu.memory_space<vmem>>, vector<16xf32>,
    %swap3A_23 = vector.shape_cast %swap3A_22 : vector<16xf32> to vector<16xf32>
    %swap3A_24 = vector.shape_cast %broadcast_in_dim3A_20 : vector<16xf32> to vector<16xf32>
    tpu.vector_store %arg7[%swap3A_21], %swap3A_24 {strides = array<i32>} : memref<128xf32, #tpu.memory_space<vmem>>, vector<16xf32>,
    %broadcast_in_dim3A_25 = arith.constant 1.000000e+00 : f32
    %broadcast_in_dim3A_26 = vector.broadcast %broadcast_in_dim3A_25 : f32 to vector<16xf32>
    %swap3A_27 = arith.constant 64 : index
    %swap3A_28 = tpu.vector_load %arg7[%swap3A_27] {strides = array<i32>} : memref<128xf32, #tpu.memory_space<vmem>>, vector<16xf32>,
    %swap3A_29 = vector.shape_cast %swap3A_28 : vector<16xf32> to vector<16xf32>
    %swap3A_30 = vector.shape_cast %broadcast_in_dim3A_26 : vector<16xf32> to vector<16xf32>
    tpu.vector_store %arg7[%swap3A_27], %swap3A_30 {strides = array<i32>} : memref<128xf32, #tpu.memory_space<vmem>>, vector<16xf32>,
    %broadcast_in_dim3A_31 = arith.constant 1.000000e+00 : f32
    %broadcast_in_dim3A_32 = vector.broadcast %broadcast_in_dim3A_31 : f32 to vector<16xf32>
    %swap3A_33 = arith.constant 80 : index
    %swap3A_34 = tpu.vector_load %arg7[%swap3A_33] {strides = array<i32>} : memref<128xf32, #tpu.memory_space<vmem>>, vector<16xf32>,
    %swap3A_35 = vector.shape_cast %swap3A_34 : vector<16xf32> to vector<16xf32>
    %swap3A_36 = vector.shape_cast %broadcast_in_dim3A_32 : vector<16xf32> to vector<16xf32>
    tpu.vector_store %arg7[%swap3A_33], %swap3A_36 {strides = array<i32>} : memref<128xf32, #tpu.memory_space<vmem>>, vector<16xf32>,
    %broadcast_in_dim3A_37 = arith.constant 1.000000e+00 : f32
    %broadcast_in_dim3A_38 = vector.broadcast %broadcast_in_dim3A_37 : f32 to vector<16xf32>
    %swap3A_39 = arith.constant 96 : index
    %swap3A_40 = tpu.vector_load %arg7[%swap3A_39] {strides = array<i32>} : memref<128xf32, #tpu.memory_space<vmem>>, vector<16xf32>,
    %swap3A_41 = vector.shape_cast %swap3A_40 : vector<16xf32> to vector<16xf32>
    %swap3A_42 = vector.shape_cast %broadcast_in_dim3A_38 : vector<16xf32> to vector<16xf32>
    tpu.vector_store %arg7[%swap3A_39], %swap3A_42 {strides = array<i32>} : memref<128xf32, #tpu.memory_space<vmem>>, vector<16xf32>,
    %broadcast_in_dim3A_43 = arith.constant 1.000000e+00 : f32
    %broadcast_in_dim3A_44 = vector.broadcast %broadcast_in_dim3A_43 : f32 to vector<16xf32>
    %swap3A_45 = arith.constant 112 : index
    %swap3A_46 = tpu.vector_load %arg7[%swap3A_45] {strides = array<i32>} : memref<128xf32, #tpu.memory_space<vmem>>, vector<16xf32>,
    %swap3A_47 = vector.shape_cast %swap3A_46 : vector<16xf32> to vector<16xf32>
    %swap3A_48 = vector.shape_cast %broadcast_in_dim3A_44 : vector<16xf32> to vector<16xf32>
    tpu.vector_store %arg7[%swap3A_45], %swap3A_48 {strides = array<i32>} : memref<128xf32, #tpu.memory_space<vmem>>, vector<16xf32>,
    %barrier3A = arith.constant 0 : index
    tpu.barrier barrier_id(%barrier3A)
    %mul3A_49 = arith.constant 4 : i32
    %mul3A_50 = arith.muli %add3A, %mul3A_49 : i32
    %min3A = arith.constant 28 : i32
    %min3A_51 = arith.minsi %add3A, %min3A : i32
    %add3A_52 = arith.addi %mul3A_50, %min3A_51 : i32
    %lt3A = arith.constant 28 : i32
    %lt3A_53 = arith.cmpi slt, %add3A, %lt3A : i32
    %jit3A = arith.constant 1 : i32
    %jit3A_54 = arith.constant 0 : i32
    %select_n3A = arith.select %lt3A_53, %jit3A, %jit3A_54 : i32
    %add3A_55 = arith.constant 4 : i32
    %add3A_56 = arith.addi %add3A_55, %select_n3A : i32
    %add3A_57 = arith.addi %add3A_52, %add3A_56 : i32
    %while3A = arith.constant 0 : i32
    %while3A_58 = arith.subi %add3A_57, %add3A_52 : i32
    %while3A_59 = arith.addi %add3A_52, %while3A_58 : i32
    %while3A_60 = arith.constant 1 : i32
    %while3A_61 = arith.divsi %while3A_58, %while3A_60 : i32
    %while3A_62 = arith.muli %while3A_61, %while3A_60 : i32
    %while3A_63 = arith.addi %add3A_52, %while3A_62 : i32
    %while3A_64 = arith.constant 1 : i32
    scf.for %while3A_73 = %add3A_52 to %while3A_63 step %while3A_64  : i32 {
      %mul3A_74 = arith.constant 16 : i32
      %mul3A_75 = arith.muli %while3A_73, %mul3A_74 : i32
      %multiple_of3A = tpu.assume_multiple %mul3A_75, 16 : i32
      %run_scoped3A = arith.constant 1 : i32
      "tpu.region"() ({
        %run_scoped3A_81 = tpu.sem_alloc : memref<!tpu.dma_semaphore, #tpu.memory_space<semaphore_mem>>
        %dma_start3A = arith.constant 0 : i32
        %dma_start3A_82 = tpu.memref_slice %arg2[%run_scoped3A, %multiple_of3A, %dma_start3A] : memref<2x2500x128xi32, #tpu.memory_space<hbm>> -> memref<1x16x128xi32, #tpu.memory_space<hbm>>
        %dma_start3A_83 = tpu.memref_squeeze %dma_start3A_82 : memref<1x16x128xi32, #tpu.memory_space<hbm>> -> memref<16x128xi32, #tpu.memory_space<hbm>>
        %dma_start3A_84 = arith.constant 0 : i32
        %dma_start3A_85 = tpu.memref_slice %arg2[%run_scoped3A, %multiple_of3A, %dma_start3A_84] : memref<2x2500x128xi32, #tpu.memory_space<hbm>> -> memref<1x16x128xi32, #tpu.memory_space<hbm>>
        %dma_start3A_86 = tpu.memref_squeeze %dma_start3A_85 : memref<1x16x128xi32, #tpu.memory_space<hbm>> -> memref<16x128xi32, #tpu.memory_space<hbm>>
        tpu.enqueue_dma source(%dma_start3A_86 : memref<16x128xi32, #tpu.memory_space<hbm>>) target(%arg6 : memref<16x128xi32, #tpu.memory_space<vmem>>) target_semaphore(%run_scoped3A_81 : memref<!tpu.dma_semaphore, #tpu.memory_space<semaphore_mem>>)
        %dma_wait3A = arith.constant 0 : i32
        %dma_wait3A_87 = tpu.memref_slice %arg2[%run_scoped3A, %multiple_of3A, %dma_wait3A] : memref<2x2500x128xi32, #tpu.memory_space<hbm>> -> memref<1x16x128xi32, #tpu.memory_space<hbm>>
        %dma_wait3A_88 = tpu.memref_squeeze %dma_wait3A_87 : memref<1x16x128xi32, #tpu.memory_space<hbm>> -> memref<16x128xi32, #tpu.memory_space<hbm>>
        %dma_wait3A_89 = arith.constant 0 : i32
        %dma_wait3A_90 = tpu.memref_slice %arg2[%run_scoped3A, %multiple_of3A, %dma_wait3A_89] : memref<2x2500x128xi32, #tpu.memory_space<hbm>> -> memref<1x16x128xi32, #tpu.memory_space<hbm>>
        %dma_wait3A_91 = tpu.memref_squeeze %dma_wait3A_90 : memref<1x16x128xi32, #tpu.memory_space<hbm>> -> memref<16x128xi32, #tpu.memory_space<hbm>>
        tpu.wait_dma2 semaphore(%run_scoped3A_81 : memref<!tpu.dma_semaphore, #tpu.memory_space<semaphore_mem>>) src(%dma_wait3A_91 : memref<16x128xi32, #tpu.memory_space<hbm>>) dst(%arg6 : memref<16x128xi32, #tpu.memory_space<vmem>>)
        tpu.yield
      }) : () -> ()
      %scan3A = arith.constant 0 : i32
      %scan3A_76 = arith.constant 0 : i32
      %scan3A_77 = arith.constant 16 : i32
      %scan3A_78 = arith.addi %scan3A_76, %scan3A_77 : i32
      %scan3A_79 = arith.constant 1 : i32
      scf.for %scan3A_81 = %scan3A_76 to %scan3A_78 step %scan3A_79  : i32 {
        "tpu.region"() ({
          %run_scoped3A_82 = tpu.sem_alloc : memref<!tpu.dma_semaphore, #tpu.memory_space<semaphore_mem>>
          %dma_start3A = arith.constant 0 : i32
          %dma_start3A_83 = tpu.memref_slice %arg6[%scan3A_81, %dma_start3A] : memref<16x128xi32, #tpu.memory_space<vmem>> -> memref<1x128xi32, #tpu.memory_space<vmem>>
          %dma_start3A_84 = tpu.memref_squeeze %dma_start3A_83 : memref<1x128xi32, #tpu.memory_space<vmem>> -> memref<128xi32, #tpu.memory_space<vmem>>
          %dma_start3A_85 = arith.constant 0 : i32
          %dma_start3A_86 = tpu.memref_slice %arg10[%dma_start3A_85] : memref<10240xf32, #tpu.memory_space<vmem_shared>> -> memref<10240xf32, #tpu.memory_space<vmem_shared>>
          tpu.enqueue_indirect_dma source(%arg7 : memref<128xf32, #tpu.memory_space<vmem>>) target(%dma_start3A_86 : memref<10240xf32, #tpu.memory_space<vmem_shared>>) offsets(%dma_start3A_84 : memref<128xi32, #tpu.memory_space<vmem>>) semaphore(%run_scoped3A_82 : memref<!tpu.dma_semaphore, #tpu.memory_space<semaphore_mem>>) {add = true}
          %dma_wait3A = arith.constant 0 : i32
          %dma_wait3A_87 = tpu.memref_slice %arg6[%scan3A_81, %dma_wait3A] : memref<16x128xi32, #tpu.memory_space<vmem>> -> memref<1x128xi32, #tpu.memory_space<vmem>>
          %dma_wait3A_88 = tpu.memref_squeeze %dma_wait3A_87 : memref<1x128xi32, #tpu.memory_space<vmem>> -> memref<128xi32, #tpu.memory_space<vmem>>
          %dma_wait3A_89 = arith.constant 0 : i32
          %dma_wait3A_90 = tpu.memref_slice %arg10[%dma_wait3A_89] : memref<10240xf32, #tpu.memory_space<vmem_shared>> -> memref<10240xf32, #tpu.memory_space<vmem_shared>>
          tpu.wait_indirect_dma semaphore(%run_scoped3A_82 : memref<!tpu.dma_semaphore, #tpu.memory_space<semaphore_mem>>) src(%arg7 : memref<128xf32, #tpu.memory_space<vmem>>) dst(%dma_wait3A_90 : memref<10240xf32, #tpu.memory_space<vmem_shared>>)
          tpu.yield
        }) : () -> ()
      }
      %scan3A_80 = arith.constant 16 : i32
    }
    %while3A_65 = arith.constant 1 : i32
    scf.for %while3A_73 = %while3A_63 to %while3A_59 step %while3A_65  : i32 {
      %mul3A_74 = arith.constant 16 : i32
      %mul3A_75 = arith.muli %while3A_73, %mul3A_74 : i32
      %multiple_of3A = tpu.assume_multiple %mul3A_75, 16 : i32
      %run_scoped3A = arith.constant 1 : i32
      "tpu.region"() ({
        %run_scoped3A_81 = tpu.sem_alloc : memref<!tpu.dma_semaphore, #tpu.memory_space<semaphore_mem>>
        %dma_start3A = arith.constant 0 : i32
        %dma_start3A_82 = tpu.memref_slice %arg2[%run_scoped3A, %multiple_of3A, %dma_start3A] : memref<2x2500x128xi32, #tpu.memory_space<hbm>> -> memref<1x16x128xi32, #tpu.memory_space<hbm>>
        %dma_start3A_83 = tpu.memref_squeeze %dma_start3A_82 : memref<1x16x128xi32, #tpu.memory_space<hbm>> -> memref<16x128xi32, #tpu.memory_space<hbm>>
        %dma_start3A_84 = arith.constant 0 : i32
        %dma_start3A_85 = tpu.memref_slice %arg2[%run_scoped3A, %multiple_of3A, %dma_start3A_84] : memref<2x2500x128xi32, #tpu.memory_space<hbm>> -> memref<1x16x128xi32, #tpu.memory_space<hbm>>
        %dma_start3A_86 = tpu.memref_squeeze %dma_start3A_85 : memref<1x16x128xi32, #tpu.memory_space<hbm>> -> memref<16x128xi32, #tpu.memory_space<hbm>>
        tpu.enqueue_dma source(%dma_start3A_86 : memref<16x128xi32, #tpu.memory_space<hbm>>) target(%arg6 : memref<16x128xi32, #tpu.memory_space<vmem>>) target_semaphore(%run_scoped3A_81 : memref<!tpu.dma_semaphore, #tpu.memory_space<semaphore_mem>>)
        %dma_wait3A = arith.constant 0 : i32
        %dma_wait3A_87 = tpu.memref_slice %arg2[%run_scoped3A, %multiple_of3A, %dma_wait3A] : memref<2x2500x128xi32, #tpu.memory_space<hbm>> -> memref<1x16x128xi32, #tpu.memory_space<hbm>>
        %dma_wait3A_88 = tpu.memref_squeeze %dma_wait3A_87 : memref<1x16x128xi32, #tpu.memory_space<hbm>> -> memref<16x128xi32, #tpu.memory_space<hbm>>
        %dma_wait3A_89 = arith.constant 0 : i32
        %dma_wait3A_90 = tpu.memref_slice %arg2[%run_scoped3A, %multiple_of3A, %dma_wait3A_89] : memref<2x2500x128xi32, #tpu.memory_space<hbm>> -> memref<1x16x128xi32, #tpu.memory_space<hbm>>
        %dma_wait3A_91 = tpu.memref_squeeze %dma_wait3A_90 : memref<1x16x128xi32, #tpu.memory_space<hbm>> -> memref<16x128xi32, #tpu.memory_space<hbm>>
        tpu.wait_dma2 semaphore(%run_scoped3A_81 : memref<!tpu.dma_semaphore, #tpu.memory_space<semaphore_mem>>) src(%dma_wait3A_91 : memref<16x128xi32, #tpu.memory_space<hbm>>) dst(%arg6 : memref<16x128xi32, #tpu.memory_space<vmem>>)
        tpu.yield
      }) : () -> ()
      %scan3A = arith.constant 0 : i32
      %scan3A_76 = arith.constant 0 : i32
      %scan3A_77 = arith.constant 16 : i32
      %scan3A_78 = arith.addi %scan3A_76, %scan3A_77 : i32
      %scan3A_79 = arith.constant 1 : i32
      scf.for %scan3A_81 = %scan3A_76 to %scan3A_78 step %scan3A_79  : i32 {
        "tpu.region"() ({
          %run_scoped3A_82 = tpu.sem_alloc : memref<!tpu.dma_semaphore, #tpu.memory_space<semaphore_mem>>
          %dma_start3A = arith.constant 0 : i32
          %dma_start3A_83 = tpu.memref_slice %arg6[%scan3A_81, %dma_start3A] : memref<16x128xi32, #tpu.memory_space<vmem>> -> memref<1x128xi32, #tpu.memory_space<vmem>>
          %dma_start3A_84 = tpu.memref_squeeze %dma_start3A_83 : memref<1x128xi32, #tpu.memory_space<vmem>> -> memref<128xi32, #tpu.memory_space<vmem>>
          %dma_start3A_85 = arith.constant 0 : i32
          %dma_start3A_86 = tpu.memref_slice %arg10[%dma_start3A_85] : memref<10240xf32, #tpu.memory_space<vmem_shared>> -> memref<10240xf32, #tpu.memory_space<vmem_shared>>
          tpu.enqueue_indirect_dma source(%arg7 : memref<128xf32, #tpu.memory_space<vmem>>) target(%dma_start3A_86 : memref<10240xf32, #tpu.memory_space<vmem_shared>>) offsets(%dma_start3A_84 : memref<128xi32, #tpu.memory_space<vmem>>) semaphore(%run_scoped3A_82 : memref<!tpu.dma_semaphore, #tpu.memory_space<semaphore_mem>>) {add = true}
          %dma_wait3A = arith.constant 0 : i32
          %dma_wait3A_87 = tpu.memref_slice %arg6[%scan3A_81, %dma_wait3A] : memref<16x128xi32, #tpu.memory_space<vmem>> -> memref<1x128xi32, #tpu.memory_space<vmem>>
          %dma_wait3A_88 = tpu.memref_squeeze %dma_wait3A_87 : memref<1x128xi32, #tpu.memory_space<vmem>> -> memref<128xi32, #tpu.memory_space<vmem>>
          %dma_wait3A_89 = arith.constant 0 : i32
          %dma_wait3A_90 = tpu.memref_slice %arg10[%dma_wait3A_89] : memref<10240xf32, #tpu.memory_space<vmem_shared>> -> memref<10240xf32, #tpu.memory_space<vmem_shared>>
          tpu.wait_indirect_dma semaphore(%run_scoped3A_82 : memref<!tpu.dma_semaphore, #tpu.memory_space<semaphore_mem>>) src(%arg7 : memref<128xf32, #tpu.memory_space<vmem>>) dst(%dma_wait3A_90 : memref<10240xf32, #tpu.memory_space<vmem_shared>>)
          tpu.yield
        }) : () -> ()
      }
      %scan3A_80 = arith.constant 16 : i32
    }
    %eq3A = arith.constant 31 : i32
    %eq3A_66 = arith.cmpi eq, %add3A, %eq3A : i32
    %convert_element_type3A = arith.extui %eq3A_66 : i1 to i32
    %cond3A = arith.constant 0 : i32
    %cond3A_67 = arith.cmpi ne, %convert_element_type3A, %cond3A : i32
    scf.if %cond3A_67 {
      %run_scoped3A = arith.constant 1 : i32
      "tpu.region"() ({
        %run_scoped3A_78 = tpu.sem_alloc : memref<!tpu.dma_semaphore, #tpu.memory_space<semaphore_mem>>
        %dma_start3A = arith.constant 0 : i32
        %dma_start3A_79 = arith.constant 0 : i32
        %dma_start3A_80 = tpu.memref_slice %arg6[%dma_start3A, %dma_start3A_79] : memref<16x128xi32, #tpu.memory_space<vmem>> -> memref<4x128xi32, #tpu.memory_space<vmem>>
        %dma_start3A_81 = arith.constant 0 : i32
        %dma_start3A_82 = arith.constant 0 : i32
        %dma_start3A_83 = tpu.memref_slice %arg3[%run_scoped3A, %dma_start3A_81, %dma_start3A_82] : memref<2x4x128xi32, #tpu.memory_space<hbm>> -> memref<1x4x128xi32, #tpu.memory_space<hbm>>
        %dma_start3A_84 = tpu.memref_squeeze %dma_start3A_83 : memref<1x4x128xi32, #tpu.memory_space<hbm>> -> memref<4x128xi32, #tpu.memory_space<hbm>>
        %dma_start3A_85 = arith.constant 0 : i32
        %dma_start3A_86 = arith.constant 0 : i32
        %dma_start3A_87 = tpu.memref_slice %arg6[%dma_start3A_85, %dma_start3A_86] : memref<16x128xi32, #tpu.memory_space<vmem>> -> memref<4x128xi32, #tpu.memory_space<vmem>>
        %dma_start3A_88 = arith.constant 0 : i32
        %dma_start3A_89 = arith.constant 0 : i32
        %dma_start3A_90 = tpu.memref_slice %arg3[%run_scoped3A, %dma_start3A_88, %dma_start3A_89] : memref<2x4x128xi32, #tpu.memory_space<hbm>> -> memref<1x4x128xi32, #tpu.memory_space<hbm>>
        %dma_start3A_91 = tpu.memref_squeeze %dma_start3A_90 : memref<1x4x128xi32, #tpu.memory_space<hbm>> -> memref<4x128xi32, #tpu.memory_space<hbm>>
        tpu.enqueue_dma source(%dma_start3A_91 : memref<4x128xi32, #tpu.memory_space<hbm>>) target(%dma_start3A_87 : memref<4x128xi32, #tpu.memory_space<vmem>>) target_semaphore(%run_scoped3A_78 : memref<!tpu.dma_semaphore, #tpu.memory_space<semaphore_mem>>)
        %dma_wait3A = arith.constant 0 : i32
        %dma_wait3A_92 = arith.constant 0 : i32
        %dma_wait3A_93 = tpu.memref_slice %arg6[%dma_wait3A, %dma_wait3A_92] : memref<16x128xi32, #tpu.memory_space<vmem>> -> memref<4x128xi32, #tpu.memory_space<vmem>>
        %dma_wait3A_94 = arith.constant 0 : i32
        %dma_wait3A_95 = arith.constant 0 : i32
        %dma_wait3A_96 = tpu.memref_slice %arg3[%run_scoped3A, %dma_wait3A_94, %dma_wait3A_95] : memref<2x4x128xi32, #tpu.memory_space<hbm>> -> memref<1x4x128xi32, #tpu.memory_space<hbm>>
        %dma_wait3A_97 = tpu.memref_squeeze %dma_wait3A_96 : memref<1x4x128xi32, #tpu.memory_space<hbm>> -> memref<4x128xi32, #tpu.memory_space<hbm>>
        %dma_wait3A_98 = arith.constant 0 : i32
        %dma_wait3A_99 = arith.constant 0 : i32
        %dma_wait3A_100 = tpu.memref_slice %arg6[%dma_wait3A_98, %dma_wait3A_99] : memref<16x128xi32, #tpu.memory_space<vmem>> -> memref<4x128xi32, #tpu.memory_space<vmem>>
        %dma_wait3A_101 = arith.constant 0 : i32
        %dma_wait3A_102 = arith.constant 0 : i32
        %dma_wait3A_103 = tpu.memref_slice %arg3[%run_scoped3A, %dma_wait3A_101, %dma_wait3A_102] : memref<2x4x128xi32, #tpu.memory_space<hbm>> -> memref<1x4x128xi32, #tpu.memory_space<hbm>>
        %dma_wait3A_104 = tpu.memref_squeeze %dma_wait3A_103 : memref<1x4x128xi32, #tpu.memory_space<hbm>> -> memref<4x128xi32, #tpu.memory_space<hbm>>
        tpu.wait_dma2 semaphore(%run_scoped3A_78 : memref<!tpu.dma_semaphore, #tpu.memory_space<semaphore_mem>>) src(%dma_wait3A_104 : memref<4x128xi32, #tpu.memory_space<hbm>>) dst(%dma_wait3A_100 : memref<4x128xi32, #tpu.memory_space<vmem>>)
        tpu.yield
      }) : () -> ()
      %scan3A = arith.constant 0 : i32
      %scan3A_73 = arith.constant 0 : i32
      %scan3A_74 = arith.constant 4 : i32
      %scan3A_75 = arith.addi %scan3A_73, %scan3A_74 : i32
      %scan3A_76 = arith.constant 1 : i32
      scf.for %scan3A_78 = %scan3A_73 to %scan3A_75 step %scan3A_76  : i32 {
        "tpu.region"() ({
          %run_scoped3A_79 = tpu.sem_alloc : memref<!tpu.dma_semaphore, #tpu.memory_space<semaphore_mem>>
          %dma_start3A = arith.constant 0 : i32
          %dma_start3A_80 = tpu.memref_slice %arg6[%scan3A_78, %dma_start3A] : memref<16x128xi32, #tpu.memory_space<vmem>> -> memref<1x128xi32, #tpu.memory_space<vmem>>
          %dma_start3A_81 = tpu.memref_squeeze %dma_start3A_80 : memref<1x128xi32, #tpu.memory_space<vmem>> -> memref<128xi32, #tpu.memory_space<vmem>>
          %dma_start3A_82 = arith.constant 0 : i32
          %dma_start3A_83 = tpu.memref_slice %arg10[%dma_start3A_82] : memref<10240xf32, #tpu.memory_space<vmem_shared>> -> memref<10240xf32, #tpu.memory_space<vmem_shared>>
          tpu.enqueue_indirect_dma source(%arg7 : memref<128xf32, #tpu.memory_space<vmem>>) target(%dma_start3A_83 : memref<10240xf32, #tpu.memory_space<vmem_shared>>) offsets(%dma_start3A_81 : memref<128xi32, #tpu.memory_space<vmem>>) semaphore(%run_scoped3A_79 : memref<!tpu.dma_semaphore, #tpu.memory_space<semaphore_mem>>) {add = true}
          %dma_wait3A = arith.constant 0 : i32
          %dma_wait3A_84 = tpu.memref_slice %arg6[%scan3A_78, %dma_wait3A] : memref<16x128xi32, #tpu.memory_space<vmem>> -> memref<1x128xi32, #tpu.memory_space<vmem>>
          %dma_wait3A_85 = tpu.memref_squeeze %dma_wait3A_84 : memref<1x128xi32, #tpu.memory_space<vmem>> -> memref<128xi32, #tpu.memory_space<vmem>>
          %dma_wait3A_86 = arith.constant 0 : i32
          %dma_wait3A_87 = tpu.memref_slice %arg10[%dma_wait3A_86] : memref<10240xf32, #tpu.memory_space<vmem_shared>> -> memref<10240xf32, #tpu.memory_space<vmem_shared>>
          tpu.wait_indirect_dma semaphore(%run_scoped3A_79 : memref<!tpu.dma_semaphore, #tpu.memory_space<semaphore_mem>>) src(%arg7 : memref<128xf32, #tpu.memory_space<vmem>>) dst(%dma_wait3A_87 : memref<10240xf32, #tpu.memory_space<vmem_shared>>)
          tpu.yield
        }) : () -> ()
      }
      %scan3A_77 = arith.constant 4 : i32
    } else {
    }
    %barrier3A_68 = arith.constant 0 : index
    tpu.barrier barrier_id(%barrier3A_68)
    %mul3A_69 = arith.constant 640 : i32
    %mul3A_70 = arith.muli %arg1, %mul3A_69 : i32
    %mul3A_71 = arith.constant 640 : i32
    %mul3A_72 = arith.muli %arg1, %mul3A_71 : i32
    "tpu.region"() ({
      %run_scoped3A = tpu.sem_alloc : memref<!tpu.dma_semaphore, #tpu.memory_space<semaphore_mem>>
      %dma_start3A = tpu.memref_slice %arg5[%arg0, %mul3A_72] : memref<2x10240xf32, #tpu.memory_space<hbm>> -> memref<1x640xf32, #tpu.memory_space<hbm>>
      %dma_start3A_73 = tpu.memref_squeeze %dma_start3A : memref<1x640xf32, #tpu.memory_space<hbm>> -> memref<640xf32, #tpu.memory_space<hbm>>
      %dma_start3A_74 = tpu.memref_slice %arg10[%mul3A_70] : memref<10240xf32, #tpu.memory_space<vmem_shared>> -> memref<640xf32, #tpu.memory_space<vmem_shared>>
      tpu.enqueue_dma source(%dma_start3A_74 : memref<640xf32, #tpu.memory_space<vmem_shared>>) target(%dma_start3A_73 : memref<640xf32, #tpu.memory_space<hbm>>) target_semaphore(%run_scoped3A : memref<!tpu.dma_semaphore, #tpu.memory_space<semaphore_mem>>)
      %dma_wait3A = tpu.memref_slice %arg5[%arg0, %mul3A_72] : memref<2x10240xf32, #tpu.memory_space<hbm>> -> memref<1x640xf32, #tpu.memory_space<hbm>>
      %dma_wait3A_75 = tpu.memref_squeeze %dma_wait3A : memref<1x640xf32, #tpu.memory_space<hbm>> -> memref<640xf32, #tpu.memory_space<hbm>>
      %dma_wait3A_76 = tpu.memref_slice %arg10[%mul3A_70] : memref<10240xf32, #tpu.memory_space<vmem_shared>> -> memref<640xf32, #tpu.memory_space<vmem_shared>>
      tpu.wait_dma2 semaphore(%run_scoped3A : memref<!tpu.dma_semaphore, #tpu.memory_space<semaphore_mem>>) src(%dma_wait3A_76 : memref<640xf32, #tpu.memory_space<vmem_shared>>) dst(%dma_wait3A_75 : memref<640xf32, #tpu.memory_space<hbm>>)
      tpu.yield
    }) : () -> ()
    return
  }
}

#map = affine_map<(d0, d1) -> (0, 0, 0)>
#map1 = affine_map<(d0, d1) -> (0, 0)>
module attributes {stable_mosaic.version = 14 : i64} {
  func.func @_scat_body(%arg0: i32, %arg1: i32, %arg2: memref<2x2500x128xi32, #tpu.memory_space<hbm>>, %arg3: memref<2x4x128xi32, #tpu.memory_space<hbm>>, %arg4: memref<10000x128xf32, #tpu.memory_space<hbm>>, %arg5: memref<640x128xf32, #tpu.memory_space<hbm>>, %arg6: memref<10000x128xf32, #tpu.memory_space<hbm>>, %arg7: memref<10000x128xf32, #tpu.memory_space<hbm>>, %arg8: memref<16x128xi32, #tpu.memory_space<vmem>>, %arg9: memref<16x128xi32, #tpu.memory_space<vmem>>, %arg10: memref<128x128xf32, #tpu.memory_space<vmem>>, %arg11: memref<128x128xf32, #tpu.memory_space<vmem>>, %arg12: memref<!tpu.dma_semaphore, #tpu.memory_space<semaphore_mem>>, %arg13: memref<!tpu.dma_semaphore, #tpu.memory_space<semaphore_mem>>, %arg14: memref<10240x128xf32, #tpu.memory_space<vmem_shared>>) attributes {dimension_semantics = [#tpu.dimension_semantics<core_parallel>, #tpu.dimension_semantics<subcore_parallel>], iteration_bounds = array<i64: 2, 16>, scalar_prefetch = 0 : i64, scratch_operands = 7 : i64, tpu.core_type = #tpu.core_type<sc_vector_subcore>, window_params = [{transform_indices = #map}, {transform_indices = #map}, {transform_indices = #map1}, {transform_indices = #map1}, {transform_indices = #map1}, {transform_indices = #map1}]} {
    %mul3A = arith.constant 16 : i32
    %mul3A_0 = arith.muli %arg0, %mul3A : i32
    %add3A = arith.addi %mul3A_0, %arg1 : i32
    %mul3A_1 = arith.constant 640 : i32
    %mul3A_2 = arith.muli %arg1, %mul3A_1 : i32
    "tpu.region"() ({
      %run_scoped3A = tpu.sem_alloc : memref<!tpu.dma_semaphore, #tpu.memory_space<semaphore_mem>>
      %dma_start3A = arith.constant 0 : i32
      %dma_start3A_33 = tpu.memref_slice %arg14[%mul3A_2, %dma_start3A] : memref<10240x128xf32, #tpu.memory_space<vmem_shared>> -> memref<640x128xf32, #tpu.memory_space<vmem_shared>>
      tpu.enqueue_dma source(%arg5 : memref<640x128xf32, #tpu.memory_space<hbm>>) target(%dma_start3A_33 : memref<640x128xf32, #tpu.memory_space<vmem_shared>>) target_semaphore(%run_scoped3A : memref<!tpu.dma_semaphore, #tpu.memory_space<semaphore_mem>>)
      %dma_wait3A = arith.constant 0 : i32
      %dma_wait3A_34 = tpu.memref_slice %arg14[%mul3A_2, %dma_wait3A] : memref<10240x128xf32, #tpu.memory_space<vmem_shared>> -> memref<640x128xf32, #tpu.memory_space<vmem_shared>>
      tpu.wait_dma2 semaphore(%run_scoped3A : memref<!tpu.dma_semaphore, #tpu.memory_space<semaphore_mem>>) src(%arg5 : memref<640x128xf32, #tpu.memory_space<hbm>>) dst(%dma_wait3A_34 : memref<640x128xf32, #tpu.memory_space<vmem_shared>>)
      tpu.yield
    }) : () -> ()
    %barrier3A = arith.constant 0 : index
    tpu.barrier barrier_id(%barrier3A)
    %mul3A_3 = arith.constant 4 : i32
    %mul3A_4 = arith.muli %add3A, %mul3A_3 : i32
    %min3A = arith.constant 28 : i32
    %min3A_5 = arith.minsi %add3A, %min3A : i32
    %add3A_6 = arith.addi %mul3A_4, %min3A_5 : i32
    %lt3A = arith.constant 28 : i32
    %lt3A_7 = arith.cmpi slt, %add3A, %lt3A : i32
    %jit3A = arith.constant 1 : i32
    %jit3A_8 = arith.constant 0 : i32
    %select_n3A = arith.select %lt3A_7, %jit3A, %jit3A_8 : i32
    %add3A_9 = arith.constant 4 : i32
    %add3A_10 = arith.addi %add3A_9, %select_n3A : i32
    %add3A_11 = arith.addi %add3A_6, %add3A_10 : i32
    %while3A = arith.constant 0 : i32
    %while3A_12 = arith.subi %add3A_11, %add3A_6 : i32
    %while3A_13 = arith.addi %add3A_6, %while3A_12 : i32
    %while3A_14 = arith.constant 1 : i32
    %while3A_15 = arith.divsi %while3A_12, %while3A_14 : i32
    %while3A_16 = arith.muli %while3A_15, %while3A_14 : i32
    %while3A_17 = arith.addi %add3A_6, %while3A_16 : i32
    %while3A_18 = arith.constant 1 : i32
    scf.for %while3A_33 = %add3A_6 to %while3A_17 step %while3A_18  : i32 {
      %mul3A_34 = arith.constant 16 : i32
      %mul3A_35 = arith.muli %while3A_33, %mul3A_34 : i32
      %multiple_of3A = tpu.assume_multiple %mul3A_35, 16 : i32
      %run_scoped3A = arith.constant 0 : i32
      "tpu.region"() ({
        %run_scoped3A_48 = tpu.sem_alloc : memref<!tpu.dma_semaphore, #tpu.memory_space<semaphore_mem>>
        %dma_start3A_49 = arith.constant 0 : i32
        %dma_start3A_50 = tpu.memref_slice %arg2[%run_scoped3A, %multiple_of3A, %dma_start3A_49] : memref<2x2500x128xi32, #tpu.memory_space<hbm>> -> memref<1x16x128xi32, #tpu.memory_space<hbm>>
        %dma_start3A_51 = tpu.memref_squeeze %dma_start3A_50 : memref<1x16x128xi32, #tpu.memory_space<hbm>> -> memref<16x128xi32, #tpu.memory_space<hbm>>
        %dma_start3A_52 = arith.constant 0 : i32
        %dma_start3A_53 = tpu.memref_slice %arg2[%run_scoped3A, %multiple_of3A, %dma_start3A_52] : memref<2x2500x128xi32, #tpu.memory_space<hbm>> -> memref<1x16x128xi32, #tpu.memory_space<hbm>>
        %dma_start3A_54 = tpu.memref_squeeze %dma_start3A_53 : memref<1x16x128xi32, #tpu.memory_space<hbm>> -> memref<16x128xi32, #tpu.memory_space<hbm>>
        tpu.enqueue_dma source(%dma_start3A_54 : memref<16x128xi32, #tpu.memory_space<hbm>>) target(%arg8 : memref<16x128xi32, #tpu.memory_space<vmem>>) target_semaphore(%run_scoped3A_48 : memref<!tpu.dma_semaphore, #tpu.memory_space<semaphore_mem>>)
        %dma_wait3A = arith.constant 0 : i32
        %dma_wait3A_55 = tpu.memref_slice %arg2[%run_scoped3A, %multiple_of3A, %dma_wait3A] : memref<2x2500x128xi32, #tpu.memory_space<hbm>> -> memref<1x16x128xi32, #tpu.memory_space<hbm>>
        %dma_wait3A_56 = tpu.memref_squeeze %dma_wait3A_55 : memref<1x16x128xi32, #tpu.memory_space<hbm>> -> memref<16x128xi32, #tpu.memory_space<hbm>>
        %dma_wait3A_57 = arith.constant 0 : i32
        %dma_wait3A_58 = tpu.memref_slice %arg2[%run_scoped3A, %multiple_of3A, %dma_wait3A_57] : memref<2x2500x128xi32, #tpu.memory_space<hbm>> -> memref<1x16x128xi32, #tpu.memory_space<hbm>>
        %dma_wait3A_59 = tpu.memref_squeeze %dma_wait3A_58 : memref<1x16x128xi32, #tpu.memory_space<hbm>> -> memref<16x128xi32, #tpu.memory_space<hbm>>
        tpu.wait_dma2 semaphore(%run_scoped3A_48 : memref<!tpu.dma_semaphore, #tpu.memory_space<semaphore_mem>>) src(%dma_wait3A_59 : memref<16x128xi32, #tpu.memory_space<hbm>>) dst(%arg8 : memref<16x128xi32, #tpu.memory_space<vmem>>)
        tpu.yield
      }) : () -> ()
      %run_scoped3A_36 = arith.constant 1 : i32
      "tpu.region"() ({
        %run_scoped3A_48 = tpu.sem_alloc : memref<!tpu.dma_semaphore, #tpu.memory_space<semaphore_mem>>
        %dma_start3A_49 = arith.constant 0 : i32
        %dma_start3A_50 = tpu.memref_slice %arg2[%run_scoped3A_36, %multiple_of3A, %dma_start3A_49] : memref<2x2500x128xi32, #tpu.memory_space<hbm>> -> memref<1x16x128xi32, #tpu.memory_space<hbm>>
        %dma_start3A_51 = tpu.memref_squeeze %dma_start3A_50 : memref<1x16x128xi32, #tpu.memory_space<hbm>> -> memref<16x128xi32, #tpu.memory_space<hbm>>
        %dma_start3A_52 = arith.constant 0 : i32
        %dma_start3A_53 = tpu.memref_slice %arg2[%run_scoped3A_36, %multiple_of3A, %dma_start3A_52] : memref<2x2500x128xi32, #tpu.memory_space<hbm>> -> memref<1x16x128xi32, #tpu.memory_space<hbm>>
        %dma_start3A_54 = tpu.memref_squeeze %dma_start3A_53 : memref<1x16x128xi32, #tpu.memory_space<hbm>> -> memref<16x128xi32, #tpu.memory_space<hbm>>
        tpu.enqueue_dma source(%dma_start3A_54 : memref<16x128xi32, #tpu.memory_space<hbm>>) target(%arg9 : memref<16x128xi32, #tpu.memory_space<vmem>>) target_semaphore(%run_scoped3A_48 : memref<!tpu.dma_semaphore, #tpu.memory_space<semaphore_mem>>)
        %dma_wait3A = arith.constant 0 : i32
        %dma_wait3A_55 = tpu.memref_slice %arg2[%run_scoped3A_36, %multiple_of3A, %dma_wait3A] : memref<2x2500x128xi32, #tpu.memory_space<hbm>> -> memref<1x16x128xi32, #tpu.memory_space<hbm>>
        %dma_wait3A_56 = tpu.memref_squeeze %dma_wait3A_55 : memref<1x16x128xi32, #tpu.memory_space<hbm>> -> memref<16x128xi32, #tpu.memory_space<hbm>>
        %dma_wait3A_57 = arith.constant 0 : i32
        %dma_wait3A_58 = tpu.memref_slice %arg2[%run_scoped3A_36, %multiple_of3A, %dma_wait3A_57] : memref<2x2500x128xi32, #tpu.memory_space<hbm>> -> memref<1x16x128xi32, #tpu.memory_space<hbm>>
        %dma_wait3A_59 = tpu.memref_squeeze %dma_wait3A_58 : memref<1x16x128xi32, #tpu.memory_space<hbm>> -> memref<16x128xi32, #tpu.memory_space<hbm>>
        tpu.wait_dma2 semaphore(%run_scoped3A_48 : memref<!tpu.dma_semaphore, #tpu.memory_space<semaphore_mem>>) src(%dma_wait3A_59 : memref<16x128xi32, #tpu.memory_space<hbm>>) dst(%arg9 : memref<16x128xi32, #tpu.memory_space<vmem>>)
        tpu.yield
      }) : () -> ()
      %dma_start3A = arith.constant 0 : i32
      %dma_start3A_37 = arith.constant 0 : i32
      %dma_start3A_38 = tpu.memref_slice %arg8[%dma_start3A, %dma_start3A_37] : memref<16x128xi32, #tpu.memory_space<vmem>> -> memref<1x128xi32, #tpu.memory_space<vmem>>
      %dma_start3A_39 = tpu.memref_squeeze %dma_start3A_38 : memref<1x128xi32, #tpu.memory_space<vmem>> -> memref<128xi32, #tpu.memory_space<vmem>>
      %dma_start3A_40 = arith.constant 0 : i32
      %dma_start3A_41 = arith.constant 0 : i32
      %dma_start3A_42 = tpu.memref_slice %arg4[%dma_start3A_40, %dma_start3A_41] : memref<10000x128xf32, #tpu.memory_space<hbm>> -> memref<10000x128xf32, #tpu.memory_space<hbm>>
      tpu.enqueue_indirect_dma source(%dma_start3A_42 : memref<10000x128xf32, #tpu.memory_space<hbm>>) target(%arg10 : memref<128x128xf32, #tpu.memory_space<vmem>>) offsets(%dma_start3A_39 : memref<128xi32, #tpu.memory_space<vmem>>) semaphore(%arg12 : memref<!tpu.dma_semaphore, #tpu.memory_space<semaphore_mem>>)
      %scan3A = arith.constant 0 : i32
      %scan3A_43 = arith.constant 0 : i32
      %scan3A_44 = arith.constant 8 : i32
      %scan3A_45 = arith.addi %scan3A_43, %scan3A_44 : i32
      %scan3A_46 = arith.constant 1 : i32
      scf.for %scan3A_48 = %scan3A_43 to %scan3A_45 step %scan3A_46  : i32 {
        %mul3A_49 = arith.constant 2 : i32
        %mul3A_50 = arith.muli %mul3A_49, %scan3A_48 : i32
        %add3A_51 = arith.constant 0 : i32
        %add3A_52 = arith.addi %mul3A_50, %add3A_51 : i32
        %add3A_53 = arith.constant 1 : i32
        %add3A_54 = arith.addi %add3A_52, %add3A_53 : i32
        %lt3A_55 = arith.constant 16 : i32
        %lt3A_56 = arith.cmpi slt, %add3A_54, %lt3A_55 : i32
        %convert_element_type3A_57 = arith.extui %lt3A_56 : i1 to i32
        %cond3A_58 = arith.constant 0 : i32
        %cond3A_59 = arith.cmpi ne, %convert_element_type3A_57, %cond3A_58 : i32
        scf.if %cond3A_59 {
          %add3A_82 = arith.constant 1 : i32
          %add3A_83 = arith.addi %add3A_52, %add3A_82 : i32
          %dma_start3A_84 = arith.constant 0 : i32
          %dma_start3A_85 = tpu.memref_slice %arg8[%add3A_83, %dma_start3A_84] : memref<16x128xi32, #tpu.memory_space<vmem>> -> memref<1x128xi32, #tpu.memory_space<vmem>>
          %dma_start3A_86 = tpu.memref_squeeze %dma_start3A_85 : memref<1x128xi32, #tpu.memory_space<vmem>> -> memref<128xi32, #tpu.memory_space<vmem>>
          %dma_start3A_87 = arith.constant 0 : i32
          %dma_start3A_88 = arith.constant 0 : i32
          %dma_start3A_89 = tpu.memref_slice %arg4[%dma_start3A_87, %dma_start3A_88] : memref<10000x128xf32, #tpu.memory_space<hbm>> -> memref<10000x128xf32, #tpu.memory_space<hbm>>
          tpu.enqueue_indirect_dma source(%dma_start3A_89 : memref<10000x128xf32, #tpu.memory_space<hbm>>) target(%arg11 : memref<128x128xf32, #tpu.memory_space<vmem>>) offsets(%dma_start3A_86 : memref<128xi32, #tpu.memory_space<vmem>>) semaphore(%arg13 : memref<!tpu.dma_semaphore, #tpu.memory_space<semaphore_mem>>)
        } else {
        }
        %dma_wait3A = arith.constant 0 : i32
        %dma_wait3A_60 = tpu.memref_slice %arg8[%add3A_52, %dma_wait3A] : memref<16x128xi32, #tpu.memory_space<vmem>> -> memref<1x128xi32, #tpu.memory_space<vmem>>
        %dma_wait3A_61 = tpu.memref_squeeze %dma_wait3A_60 : memref<1x128xi32, #tpu.memory_space<vmem>> -> memref<128xi32, #tpu.memory_space<vmem>>
        %dma_wait3A_62 = arith.constant 0 : i32
        %dma_wait3A_63 = arith.constant 0 : i32
        %dma_wait3A_64 = tpu.memref_slice %arg4[%dma_wait3A_62, %dma_wait3A_63] : memref<10000x128xf32, #tpu.memory_space<hbm>> -> memref<10000x128xf32, #tpu.memory_space<hbm>>
        tpu.wait_indirect_dma semaphore(%arg12 : memref<!tpu.dma_semaphore, #tpu.memory_space<semaphore_mem>>) src(%dma_wait3A_64 : memref<10000x128xf32, #tpu.memory_space<hbm>>) dst(%arg10 : memref<128x128xf32, #tpu.memory_space<vmem>>)
        "tpu.region"() ({
          %run_scoped3A_82 = tpu.sem_alloc : memref<!tpu.dma_semaphore, #tpu.memory_space<semaphore_mem>>
          %dma_start3A_83 = arith.constant 0 : i32
          %dma_start3A_84 = tpu.memref_slice %arg9[%add3A_52, %dma_start3A_83] : memref<16x128xi32, #tpu.memory_space<vmem>> -> memref<1x128xi32, #tpu.memory_space<vmem>>
          %dma_start3A_85 = tpu.memref_squeeze %dma_start3A_84 : memref<1x128xi32, #tpu.memory_space<vmem>> -> memref<128xi32, #tpu.memory_space<vmem>>
          %dma_start3A_86 = arith.constant 0 : i32
          %dma_start3A_87 = arith.constant 0 : i32
          %dma_start3A_88 = tpu.memref_slice %arg14[%dma_start3A_86, %dma_start3A_87] : memref<10240x128xf32, #tpu.memory_space<vmem_shared>> -> memref<10240x128xf32, #tpu.memory_space<vmem_shared>>
          tpu.enqueue_indirect_dma source(%arg10 : memref<128x128xf32, #tpu.memory_space<vmem>>) target(%dma_start3A_88 : memref<10240x128xf32, #tpu.memory_space<vmem_shared>>) offsets(%dma_start3A_85 : memref<128xi32, #tpu.memory_space<vmem>>) semaphore(%run_scoped3A_82 : memref<!tpu.dma_semaphore, #tpu.memory_space<semaphore_mem>>) {add = true}
          %dma_wait3A_89 = arith.constant 0 : i32
          %dma_wait3A_90 = tpu.memref_slice %arg9[%add3A_52, %dma_wait3A_89] : memref<16x128xi32, #tpu.memory_space<vmem>> -> memref<1x128xi32, #tpu.memory_space<vmem>>
          %dma_wait3A_91 = tpu.memref_squeeze %dma_wait3A_90 : memref<1x128xi32, #tpu.memory_space<vmem>> -> memref<128xi32, #tpu.memory_space<vmem>>
          %dma_wait3A_92 = arith.constant 0 : i32
          %dma_wait3A_93 = arith.constant 0 : i32
          %dma_wait3A_94 = tpu.memref_slice %arg14[%dma_wait3A_92, %dma_wait3A_93] : memref<10240x128xf32, #tpu.memory_space<vmem_shared>> -> memref<10240x128xf32, #tpu.memory_space<vmem_shared>>
          tpu.wait_indirect_dma semaphore(%run_scoped3A_82 : memref<!tpu.dma_semaphore, #tpu.memory_space<semaphore_mem>>) src(%arg10 : memref<128x128xf32, #tpu.memory_space<vmem>>) dst(%dma_wait3A_94 : memref<10240x128xf32, #tpu.memory_space<vmem_shared>>)
          tpu.yield
        }) : () -> ()
        %mul3A_65 = arith.constant 2 : i32
        %mul3A_66 = arith.muli %mul3A_65, %scan3A_48 : i32
        %add3A_67 = arith.constant 1 : i32
        %add3A_68 = arith.addi %mul3A_66, %add3A_67 : i32
        %add3A_69 = arith.constant 1 : i32
        %add3A_70 = arith.addi %add3A_68, %add3A_69 : i32
        %lt3A_71 = arith.constant 16 : i32
        %lt3A_72 = arith.cmpi slt, %add3A_70, %lt3A_71 : i32
        %convert_element_type3A_73 = arith.extui %lt3A_72 : i1 to i32
        %cond3A_74 = arith.constant 0 : i32
        %cond3A_75 = arith.cmpi ne, %convert_element_type3A_73, %cond3A_74 : i32
        scf.if %cond3A_75 {
          %add3A_82 = arith.constant 1 : i32
          %add3A_83 = arith.addi %add3A_68, %add3A_82 : i32
          %dma_start3A_84 = arith.constant 0 : i32
          %dma_start3A_85 = tpu.memref_slice %arg8[%add3A_83, %dma_start3A_84] : memref<16x128xi32, #tpu.memory_space<vmem>> -> memref<1x128xi32, #tpu.memory_space<vmem>>
          %dma_start3A_86 = tpu.memref_squeeze %dma_start3A_85 : memref<1x128xi32, #tpu.memory_space<vmem>> -> memref<128xi32, #tpu.memory_space<vmem>>
          %dma_start3A_87 = arith.constant 0 : i32
          %dma_start3A_88 = arith.constant 0 : i32
          %dma_start3A_89 = tpu.memref_slice %arg4[%dma_start3A_87, %dma_start3A_88] : memref<10000x128xf32, #tpu.memory_space<hbm>> -> memref<10000x128xf32, #tpu.memory_space<hbm>>
          tpu.enqueue_indirect_dma source(%dma_start3A_89 : memref<10000x128xf32, #tpu.memory_space<hbm>>) target(%arg10 : memref<128x128xf32, #tpu.memory_space<vmem>>) offsets(%dma_start3A_86 : memref<128xi32, #tpu.memory_space<vmem>>) semaphore(%arg12 : memref<!tpu.dma_semaphore, #tpu.memory_space<semaphore_mem>>)
        } else {
        }
        %dma_wait3A_76 = arith.constant 0 : i32
        %dma_wait3A_77 = tpu.memref_slice %arg8[%add3A_68, %dma_wait3A_76] : memref<16x128xi32, #tpu.memory_space<vmem>> -> memref<1x128xi32, #tpu.memory_space<vmem>>
        %dma_wait3A_78 = tpu.memref_squeeze %dma_wait3A_77 : memref<1x128xi32, #tpu.memory_space<vmem>> -> memref<128xi32, #tpu.memory_space<vmem>>
        %dma_wait3A_79 = arith.constant 0 : i32
        %dma_wait3A_80 = arith.constant 0 : i32
        %dma_wait3A_81 = tpu.memref_slice %arg4[%dma_wait3A_79, %dma_wait3A_80] : memref<10000x128xf32, #tpu.memory_space<hbm>> -> memref<10000x128xf32, #tpu.memory_space<hbm>>
        tpu.wait_indirect_dma semaphore(%arg13 : memref<!tpu.dma_semaphore, #tpu.memory_space<semaphore_mem>>) src(%dma_wait3A_81 : memref<10000x128xf32, #tpu.memory_space<hbm>>) dst(%arg11 : memref<128x128xf32, #tpu.memory_space<vmem>>)
        "tpu.region"() ({
          %run_scoped3A_82 = tpu.sem_alloc : memref<!tpu.dma_semaphore, #tpu.memory_space<semaphore_mem>>
          %dma_start3A_83 = arith.constant 0 : i32
          %dma_start3A_84 = tpu.memref_slice %arg9[%add3A_68, %dma_start3A_83] : memref<16x128xi32, #tpu.memory_space<vmem>> -> memref<1x128xi32, #tpu.memory_space<vmem>>
          %dma_start3A_85 = tpu.memref_squeeze %dma_start3A_84 : memref<1x128xi32, #tpu.memory_space<vmem>> -> memref<128xi32, #tpu.memory_space<vmem>>
          %dma_start3A_86 = arith.constant 0 : i32
          %dma_start3A_87 = arith.constant 0 : i32
          %dma_start3A_88 = tpu.memref_slice %arg14[%dma_start3A_86, %dma_start3A_87] : memref<10240x128xf32, #tpu.memory_space<vmem_shared>> -> memref<10240x128xf32, #tpu.memory_space<vmem_shared>>
          tpu.enqueue_indirect_dma source(%arg11 : memref<128x128xf32, #tpu.memory_space<vmem>>) target(%dma_start3A_88 : memref<10240x128xf32, #tpu.memory_space<vmem_shared>>) offsets(%dma_start3A_85 : memref<128xi32, #tpu.memory_space<vmem>>) semaphore(%run_scoped3A_82 : memref<!tpu.dma_semaphore, #tpu.memory_space<semaphore_mem>>) {add = true}
          %dma_wait3A_89 = arith.constant 0 : i32
          %dma_wait3A_90 = tpu.memref_slice %arg9[%add3A_68, %dma_wait3A_89] : memref<16x128xi32, #tpu.memory_space<vmem>> -> memref<1x128xi32, #tpu.memory_space<vmem>>
          %dma_wait3A_91 = tpu.memref_squeeze %dma_wait3A_90 : memref<1x128xi32, #tpu.memory_space<vmem>> -> memref<128xi32, #tpu.memory_space<vmem>>
          %dma_wait3A_92 = arith.constant 0 : i32
          %dma_wait3A_93 = arith.constant 0 : i32
          %dma_wait3A_94 = tpu.memref_slice %arg14[%dma_wait3A_92, %dma_wait3A_93] : memref<10240x128xf32, #tpu.memory_space<vmem_shared>> -> memref<10240x128xf32, #tpu.memory_space<vmem_shared>>
          tpu.wait_indirect_dma semaphore(%run_scoped3A_82 : memref<!tpu.dma_semaphore, #tpu.memory_space<semaphore_mem>>) src(%arg11 : memref<128x128xf32, #tpu.memory_space<vmem>>) dst(%dma_wait3A_94 : memref<10240x128xf32, #tpu.memory_space<vmem_shared>>)
          tpu.yield
        }) : () -> ()
      }
      %scan3A_47 = arith.constant 8 : i32
    }
    %while3A_19 = arith.constant 1 : i32
    scf.for %while3A_33 = %while3A_17 to %while3A_13 step %while3A_19  : i32 {
      %mul3A_34 = arith.constant 16 : i32
      %mul3A_35 = arith.muli %while3A_33, %mul3A_34 : i32
      %multiple_of3A = tpu.assume_multiple %mul3A_35, 16 : i32
      %run_scoped3A = arith.constant 0 : i32
      "tpu.region"() ({
        %run_scoped3A_48 = tpu.sem_alloc : memref<!tpu.dma_semaphore, #tpu.memory_space<semaphore_mem>>
        %dma_start3A_49 = arith.constant 0 : i32
        %dma_start3A_50 = tpu.memref_slice %arg2[%run_scoped3A, %multiple_of3A, %dma_start3A_49] : memref<2x2500x128xi32, #tpu.memory_space<hbm>> -> memref<1x16x128xi32, #tpu.memory_space<hbm>>
        %dma_start3A_51 = tpu.memref_squeeze %dma_start3A_50 : memref<1x16x128xi32, #tpu.memory_space<hbm>> -> memref<16x128xi32, #tpu.memory_space<hbm>>
        %dma_start3A_52 = arith.constant 0 : i32
        %dma_start3A_53 = tpu.memref_slice %arg2[%run_scoped3A, %multiple_of3A, %dma_start3A_52] : memref<2x2500x128xi32, #tpu.memory_space<hbm>> -> memref<1x16x128xi32, #tpu.memory_space<hbm>>
        %dma_start3A_54 = tpu.memref_squeeze %dma_start3A_53 : memref<1x16x128xi32, #tpu.memory_space<hbm>> -> memref<16x128xi32, #tpu.memory_space<hbm>>
        tpu.enqueue_dma source(%dma_start3A_54 : memref<16x128xi32, #tpu.memory_space<hbm>>) target(%arg8 : memref<16x128xi32, #tpu.memory_space<vmem>>) target_semaphore(%run_scoped3A_48 : memref<!tpu.dma_semaphore, #tpu.memory_space<semaphore_mem>>)
        %dma_wait3A = arith.constant 0 : i32
        %dma_wait3A_55 = tpu.memref_slice %arg2[%run_scoped3A, %multiple_of3A, %dma_wait3A] : memref<2x2500x128xi32, #tpu.memory_space<hbm>> -> memref<1x16x128xi32, #tpu.memory_space<hbm>>
        %dma_wait3A_56 = tpu.memref_squeeze %dma_wait3A_55 : memref<1x16x128xi32, #tpu.memory_space<hbm>> -> memref<16x128xi32, #tpu.memory_space<hbm>>
        %dma_wait3A_57 = arith.constant 0 : i32
        %dma_wait3A_58 = tpu.memref_slice %arg2[%run_scoped3A, %multiple_of3A, %dma_wait3A_57] : memref<2x2500x128xi32, #tpu.memory_space<hbm>> -> memref<1x16x128xi32, #tpu.memory_space<hbm>>
        %dma_wait3A_59 = tpu.memref_squeeze %dma_wait3A_58 : memref<1x16x128xi32, #tpu.memory_space<hbm>> -> memref<16x128xi32, #tpu.memory_space<hbm>>
        tpu.wait_dma2 semaphore(%run_scoped3A_48 : memref<!tpu.dma_semaphore, #tpu.memory_space<semaphore_mem>>) src(%dma_wait3A_59 : memref<16x128xi32, #tpu.memory_space<hbm>>) dst(%arg8 : memref<16x128xi32, #tpu.memory_space<vmem>>)
        tpu.yield
      }) : () -> ()
      %run_scoped3A_36 = arith.constant 1 : i32
      "tpu.region"() ({
        %run_scoped3A_48 = tpu.sem_alloc : memref<!tpu.dma_semaphore, #tpu.memory_space<semaphore_mem>>
        %dma_start3A_49 = arith.constant 0 : i32
        %dma_start3A_50 = tpu.memref_slice %arg2[%run_scoped3A_36, %multiple_of3A, %dma_start3A_49] : memref<2x2500x128xi32, #tpu.memory_space<hbm>> -> memref<1x16x128xi32, #tpu.memory_space<hbm>>
        %dma_start3A_51 = tpu.memref_squeeze %dma_start3A_50 : memref<1x16x128xi32, #tpu.memory_space<hbm>> -> memref<16x128xi32, #tpu.memory_space<hbm>>
        %dma_start3A_52 = arith.constant 0 : i32
        %dma_start3A_53 = tpu.memref_slice %arg2[%run_scoped3A_36, %multiple_of3A, %dma_start3A_52] : memref<2x2500x128xi32, #tpu.memory_space<hbm>> -> memref<1x16x128xi32, #tpu.memory_space<hbm>>
        %dma_start3A_54 = tpu.memref_squeeze %dma_start3A_53 : memref<1x16x128xi32, #tpu.memory_space<hbm>> -> memref<16x128xi32, #tpu.memory_space<hbm>>
        tpu.enqueue_dma source(%dma_start3A_54 : memref<16x128xi32, #tpu.memory_space<hbm>>) target(%arg9 : memref<16x128xi32, #tpu.memory_space<vmem>>) target_semaphore(%run_scoped3A_48 : memref<!tpu.dma_semaphore, #tpu.memory_space<semaphore_mem>>)
        %dma_wait3A = arith.constant 0 : i32
        %dma_wait3A_55 = tpu.memref_slice %arg2[%run_scoped3A_36, %multiple_of3A, %dma_wait3A] : memref<2x2500x128xi32, #tpu.memory_space<hbm>> -> memref<1x16x128xi32, #tpu.memory_space<hbm>>
        %dma_wait3A_56 = tpu.memref_squeeze %dma_wait3A_55 : memref<1x16x128xi32, #tpu.memory_space<hbm>> -> memref<16x128xi32, #tpu.memory_space<hbm>>
        %dma_wait3A_57 = arith.constant 0 : i32
        %dma_wait3A_58 = tpu.memref_slice %arg2[%run_scoped3A_36, %multiple_of3A, %dma_wait3A_57] : memref<2x2500x128xi32, #tpu.memory_space<hbm>> -> memref<1x16x128xi32, #tpu.memory_space<hbm>>
        %dma_wait3A_59 = tpu.memref_squeeze %dma_wait3A_58 : memref<1x16x128xi32, #tpu.memory_space<hbm>> -> memref<16x128xi32, #tpu.memory_space<hbm>>
        tpu.wait_dma2 semaphore(%run_scoped3A_48 : memref<!tpu.dma_semaphore, #tpu.memory_space<semaphore_mem>>) src(%dma_wait3A_59 : memref<16x128xi32, #tpu.memory_space<hbm>>) dst(%arg9 : memref<16x128xi32, #tpu.memory_space<vmem>>)
        tpu.yield
      }) : () -> ()
      %dma_start3A = arith.constant 0 : i32
      %dma_start3A_37 = arith.constant 0 : i32
      %dma_start3A_38 = tpu.memref_slice %arg8[%dma_start3A, %dma_start3A_37] : memref<16x128xi32, #tpu.memory_space<vmem>> -> memref<1x128xi32, #tpu.memory_space<vmem>>
      %dma_start3A_39 = tpu.memref_squeeze %dma_start3A_38 : memref<1x128xi32, #tpu.memory_space<vmem>> -> memref<128xi32, #tpu.memory_space<vmem>>
      %dma_start3A_40 = arith.constant 0 : i32
      %dma_start3A_41 = arith.constant 0 : i32
      %dma_start3A_42 = tpu.memref_slice %arg4[%dma_start3A_40, %dma_start3A_41] : memref<10000x128xf32, #tpu.memory_space<hbm>> -> memref<10000x128xf32, #tpu.memory_space<hbm>>
      tpu.enqueue_indirect_dma source(%dma_start3A_42 : memref<10000x128xf32, #tpu.memory_space<hbm>>) target(%arg10 : memref<128x128xf32, #tpu.memory_space<vmem>>) offsets(%dma_start3A_39 : memref<128xi32, #tpu.memory_space<vmem>>) semaphore(%arg12 : memref<!tpu.dma_semaphore, #tpu.memory_space<semaphore_mem>>)
      %scan3A = arith.constant 0 : i32
      %scan3A_43 = arith.constant 0 : i32
      %scan3A_44 = arith.constant 8 : i32
      %scan3A_45 = arith.addi %scan3A_43, %scan3A_44 : i32
      %scan3A_46 = arith.constant 1 : i32
      scf.for %scan3A_48 = %scan3A_43 to %scan3A_45 step %scan3A_46  : i32 {
        %mul3A_49 = arith.constant 2 : i32
        %mul3A_50 = arith.muli %mul3A_49, %scan3A_48 : i32
        %add3A_51 = arith.constant 0 : i32
        %add3A_52 = arith.addi %mul3A_50, %add3A_51 : i32
        %add3A_53 = arith.constant 1 : i32
        %add3A_54 = arith.addi %add3A_52, %add3A_53 : i32
        %lt3A_55 = arith.constant 16 : i32
        %lt3A_56 = arith.cmpi slt, %add3A_54, %lt3A_55 : i32
        %convert_element_type3A_57 = arith.extui %lt3A_56 : i1 to i32
        %cond3A_58 = arith.constant 0 : i32
        %cond3A_59 = arith.cmpi ne, %convert_element_type3A_57, %cond3A_58 : i32
        scf.if %cond3A_59 {
          %add3A_82 = arith.constant 1 : i32
          %add3A_83 = arith.addi %add3A_52, %add3A_82 : i32
          %dma_start3A_84 = arith.constant 0 : i32
          %dma_start3A_85 = tpu.memref_slice %arg8[%add3A_83, %dma_start3A_84] : memref<16x128xi32, #tpu.memory_space<vmem>> -> memref<1x128xi32, #tpu.memory_space<vmem>>
          %dma_start3A_86 = tpu.memref_squeeze %dma_start3A_85 : memref<1x128xi32, #tpu.memory_space<vmem>> -> memref<128xi32, #tpu.memory_space<vmem>>
          %dma_start3A_87 = arith.constant 0 : i32
          %dma_start3A_88 = arith.constant 0 : i32
          %dma_start3A_89 = tpu.memref_slice %arg4[%dma_start3A_87, %dma_start3A_88] : memref<10000x128xf32, #tpu.memory_space<hbm>> -> memref<10000x128xf32, #tpu.memory_space<hbm>>
          tpu.enqueue_indirect_dma source(%dma_start3A_89 : memref<10000x128xf32, #tpu.memory_space<hbm>>) target(%arg11 : memref<128x128xf32, #tpu.memory_space<vmem>>) offsets(%dma_start3A_86 : memref<128xi32, #tpu.memory_space<vmem>>) semaphore(%arg13 : memref<!tpu.dma_semaphore, #tpu.memory_space<semaphore_mem>>)
        } else {
        }
        %dma_wait3A = arith.constant 0 : i32
        %dma_wait3A_60 = tpu.memref_slice %arg8[%add3A_52, %dma_wait3A] : memref<16x128xi32, #tpu.memory_space<vmem>> -> memref<1x128xi32, #tpu.memory_space<vmem>>
        %dma_wait3A_61 = tpu.memref_squeeze %dma_wait3A_60 : memref<1x128xi32, #tpu.memory_space<vmem>> -> memref<128xi32, #tpu.memory_space<vmem>>
        %dma_wait3A_62 = arith.constant 0 : i32
        %dma_wait3A_63 = arith.constant 0 : i32
        %dma_wait3A_64 = tpu.memref_slice %arg4[%dma_wait3A_62, %dma_wait3A_63] : memref<10000x128xf32, #tpu.memory_space<hbm>> -> memref<10000x128xf32, #tpu.memory_space<hbm>>
        tpu.wait_indirect_dma semaphore(%arg12 : memref<!tpu.dma_semaphore, #tpu.memory_space<semaphore_mem>>) src(%dma_wait3A_64 : memref<10000x128xf32, #tpu.memory_space<hbm>>) dst(%arg10 : memref<128x128xf32, #tpu.memory_space<vmem>>)
        "tpu.region"() ({
          %run_scoped3A_82 = tpu.sem_alloc : memref<!tpu.dma_semaphore, #tpu.memory_space<semaphore_mem>>
          %dma_start3A_83 = arith.constant 0 : i32
          %dma_start3A_84 = tpu.memref_slice %arg9[%add3A_52, %dma_start3A_83] : memref<16x128xi32, #tpu.memory_space<vmem>> -> memref<1x128xi32, #tpu.memory_space<vmem>>
          %dma_start3A_85 = tpu.memref_squeeze %dma_start3A_84 : memref<1x128xi32, #tpu.memory_space<vmem>> -> memref<128xi32, #tpu.memory_space<vmem>>
          %dma_start3A_86 = arith.constant 0 : i32
          %dma_start3A_87 = arith.constant 0 : i32
          %dma_start3A_88 = tpu.memref_slice %arg14[%dma_start3A_86, %dma_start3A_87] : memref<10240x128xf32, #tpu.memory_space<vmem_shared>> -> memref<10240x128xf32, #tpu.memory_space<vmem_shared>>
          tpu.enqueue_indirect_dma source(%arg10 : memref<128x128xf32, #tpu.memory_space<vmem>>) target(%dma_start3A_88 : memref<10240x128xf32, #tpu.memory_space<vmem_shared>>) offsets(%dma_start3A_85 : memref<128xi32, #tpu.memory_space<vmem>>) semaphore(%run_scoped3A_82 : memref<!tpu.dma_semaphore, #tpu.memory_space<semaphore_mem>>) {add = true}
          %dma_wait3A_89 = arith.constant 0 : i32
          %dma_wait3A_90 = tpu.memref_slice %arg9[%add3A_52, %dma_wait3A_89] : memref<16x128xi32, #tpu.memory_space<vmem>> -> memref<1x128xi32, #tpu.memory_space<vmem>>
          %dma_wait3A_91 = tpu.memref_squeeze %dma_wait3A_90 : memref<1x128xi32, #tpu.memory_space<vmem>> -> memref<128xi32, #tpu.memory_space<vmem>>
          %dma_wait3A_92 = arith.constant 0 : i32
          %dma_wait3A_93 = arith.constant 0 : i32
          %dma_wait3A_94 = tpu.memref_slice %arg14[%dma_wait3A_92, %dma_wait3A_93] : memref<10240x128xf32, #tpu.memory_space<vmem_shared>> -> memref<10240x128xf32, #tpu.memory_space<vmem_shared>>
          tpu.wait_indirect_dma semaphore(%run_scoped3A_82 : memref<!tpu.dma_semaphore, #tpu.memory_space<semaphore_mem>>) src(%arg10 : memref<128x128xf32, #tpu.memory_space<vmem>>) dst(%dma_wait3A_94 : memref<10240x128xf32, #tpu.memory_space<vmem_shared>>)
          tpu.yield
        }) : () -> ()
        %mul3A_65 = arith.constant 2 : i32
        %mul3A_66 = arith.muli %mul3A_65, %scan3A_48 : i32
        %add3A_67 = arith.constant 1 : i32
        %add3A_68 = arith.addi %mul3A_66, %add3A_67 : i32
        %add3A_69 = arith.constant 1 : i32
        %add3A_70 = arith.addi %add3A_68, %add3A_69 : i32
        %lt3A_71 = arith.constant 16 : i32
        %lt3A_72 = arith.cmpi slt, %add3A_70, %lt3A_71 : i32
        %convert_element_type3A_73 = arith.extui %lt3A_72 : i1 to i32
        %cond3A_74 = arith.constant 0 : i32
        %cond3A_75 = arith.cmpi ne, %convert_element_type3A_73, %cond3A_74 : i32
        scf.if %cond3A_75 {
          %add3A_82 = arith.constant 1 : i32
          %add3A_83 = arith.addi %add3A_68, %add3A_82 : i32
          %dma_start3A_84 = arith.constant 0 : i32
          %dma_start3A_85 = tpu.memref_slice %arg8[%add3A_83, %dma_start3A_84] : memref<16x128xi32, #tpu.memory_space<vmem>> -> memref<1x128xi32, #tpu.memory_space<vmem>>
          %dma_start3A_86 = tpu.memref_squeeze %dma_start3A_85 : memref<1x128xi32, #tpu.memory_space<vmem>> -> memref<128xi32, #tpu.memory_space<vmem>>
          %dma_start3A_87 = arith.constant 0 : i32
          %dma_start3A_88 = arith.constant 0 : i32
          %dma_start3A_89 = tpu.memref_slice %arg4[%dma_start3A_87, %dma_start3A_88] : memref<10000x128xf32, #tpu.memory_space<hbm>> -> memref<10000x128xf32, #tpu.memory_space<hbm>>
          tpu.enqueue_indirect_dma source(%dma_start3A_89 : memref<10000x128xf32, #tpu.memory_space<hbm>>) target(%arg10 : memref<128x128xf32, #tpu.memory_space<vmem>>) offsets(%dma_start3A_86 : memref<128xi32, #tpu.memory_space<vmem>>) semaphore(%arg12 : memref<!tpu.dma_semaphore, #tpu.memory_space<semaphore_mem>>)
        } else {
        }
        %dma_wait3A_76 = arith.constant 0 : i32
        %dma_wait3A_77 = tpu.memref_slice %arg8[%add3A_68, %dma_wait3A_76] : memref<16x128xi32, #tpu.memory_space<vmem>> -> memref<1x128xi32, #tpu.memory_space<vmem>>
        %dma_wait3A_78 = tpu.memref_squeeze %dma_wait3A_77 : memref<1x128xi32, #tpu.memory_space<vmem>> -> memref<128xi32, #tpu.memory_space<vmem>>
        %dma_wait3A_79 = arith.constant 0 : i32
        %dma_wait3A_80 = arith.constant 0 : i32
        %dma_wait3A_81 = tpu.memref_slice %arg4[%dma_wait3A_79, %dma_wait3A_80] : memref<10000x128xf32, #tpu.memory_space<hbm>> -> memref<10000x128xf32, #tpu.memory_space<hbm>>
        tpu.wait_indirect_dma semaphore(%arg13 : memref<!tpu.dma_semaphore, #tpu.memory_space<semaphore_mem>>) src(%dma_wait3A_81 : memref<10000x128xf32, #tpu.memory_space<hbm>>) dst(%arg11 : memref<128x128xf32, #tpu.memory_space<vmem>>)
        "tpu.region"() ({
          %run_scoped3A_82 = tpu.sem_alloc : memref<!tpu.dma_semaphore, #tpu.memory_space<semaphore_mem>>
          %dma_start3A_83 = arith.constant 0 : i32
          %dma_start3A_84 = tpu.memref_slice %arg9[%add3A_68, %dma_start3A_83] : memref<16x128xi32, #tpu.memory_space<vmem>> -> memref<1x128xi32, #tpu.memory_space<vmem>>
          %dma_start3A_85 = tpu.memref_squeeze %dma_start3A_84 : memref<1x128xi32, #tpu.memory_space<vmem>> -> memref<128xi32, #tpu.memory_space<vmem>>
          %dma_start3A_86 = arith.constant 0 : i32
          %dma_start3A_87 = arith.constant 0 : i32
          %dma_start3A_88 = tpu.memref_slice %arg14[%dma_start3A_86, %dma_start3A_87] : memref<10240x128xf32, #tpu.memory_space<vmem_shared>> -> memref<10240x128xf32, #tpu.memory_space<vmem_shared>>
          tpu.enqueue_indirect_dma source(%arg11 : memref<128x128xf32, #tpu.memory_space<vmem>>) target(%dma_start3A_88 : memref<10240x128xf32, #tpu.memory_space<vmem_shared>>) offsets(%dma_start3A_85 : memref<128xi32, #tpu.memory_space<vmem>>) semaphore(%run_scoped3A_82 : memref<!tpu.dma_semaphore, #tpu.memory_space<semaphore_mem>>) {add = true}
          %dma_wait3A_89 = arith.constant 0 : i32
          %dma_wait3A_90 = tpu.memref_slice %arg9[%add3A_68, %dma_wait3A_89] : memref<16x128xi32, #tpu.memory_space<vmem>> -> memref<1x128xi32, #tpu.memory_space<vmem>>
          %dma_wait3A_91 = tpu.memref_squeeze %dma_wait3A_90 : memref<1x128xi32, #tpu.memory_space<vmem>> -> memref<128xi32, #tpu.memory_space<vmem>>
          %dma_wait3A_92 = arith.constant 0 : i32
          %dma_wait3A_93 = arith.constant 0 : i32
          %dma_wait3A_94 = tpu.memref_slice %arg14[%dma_wait3A_92, %dma_wait3A_93] : memref<10240x128xf32, #tpu.memory_space<vmem_shared>> -> memref<10240x128xf32, #tpu.memory_space<vmem_shared>>
          tpu.wait_indirect_dma semaphore(%run_scoped3A_82 : memref<!tpu.dma_semaphore, #tpu.memory_space<semaphore_mem>>) src(%arg11 : memref<128x128xf32, #tpu.memory_space<vmem>>) dst(%dma_wait3A_94 : memref<10240x128xf32, #tpu.memory_space<vmem_shared>>)
          tpu.yield
        }) : () -> ()
      }
      %scan3A_47 = arith.constant 8 : i32
    }
    %eq3A = arith.constant 31 : i32
    %eq3A_20 = arith.cmpi eq, %add3A, %eq3A : i32
    %convert_element_type3A = arith.extui %eq3A_20 : i1 to i32
    %cond3A = arith.constant 0 : i32
    %cond3A_21 = arith.cmpi ne, %convert_element_type3A, %cond3A : i32
    scf.if %cond3A_21 {
      %run_scoped3A = arith.constant 0 : i32
      "tpu.region"() ({
        %run_scoped3A_39 = tpu.sem_alloc : memref<!tpu.dma_semaphore, #tpu.memory_space<semaphore_mem>>
        %dma_start3A = arith.constant 0 : i32
        %dma_start3A_40 = arith.constant 0 : i32
        %dma_start3A_41 = tpu.memref_slice %arg8[%dma_start3A, %dma_start3A_40] : memref<16x128xi32, #tpu.memory_space<vmem>> -> memref<4x128xi32, #tpu.memory_space<vmem>>
        %dma_start3A_42 = arith.constant 0 : i32
        %dma_start3A_43 = arith.constant 0 : i32
        %dma_start3A_44 = tpu.memref_slice %arg3[%run_scoped3A, %dma_start3A_42, %dma_start3A_43] : memref<2x4x128xi32, #tpu.memory_space<hbm>> -> memref<1x4x128xi32, #tpu.memory_space<hbm>>
        %dma_start3A_45 = tpu.memref_squeeze %dma_start3A_44 : memref<1x4x128xi32, #tpu.memory_space<hbm>> -> memref<4x128xi32, #tpu.memory_space<hbm>>
        %dma_start3A_46 = arith.constant 0 : i32
        %dma_start3A_47 = arith.constant 0 : i32
        %dma_start3A_48 = tpu.memref_slice %arg8[%dma_start3A_46, %dma_start3A_47] : memref<16x128xi32, #tpu.memory_space<vmem>> -> memref<4x128xi32, #tpu.memory_space<vmem>>
        %dma_start3A_49 = arith.constant 0 : i32
        %dma_start3A_50 = arith.constant 0 : i32
        %dma_start3A_51 = tpu.memref_slice %arg3[%run_scoped3A, %dma_start3A_49, %dma_start3A_50] : memref<2x4x128xi32, #tpu.memory_space<hbm>> -> memref<1x4x128xi32, #tpu.memory_space<hbm>>
        %dma_start3A_52 = tpu.memref_squeeze %dma_start3A_51 : memref<1x4x128xi32, #tpu.memory_space<hbm>> -> memref<4x128xi32, #tpu.memory_space<hbm>>
        tpu.enqueue_dma source(%dma_start3A_52 : memref<4x128xi32, #tpu.memory_space<hbm>>) target(%dma_start3A_48 : memref<4x128xi32, #tpu.memory_space<vmem>>) target_semaphore(%run_scoped3A_39 : memref<!tpu.dma_semaphore, #tpu.memory_space<semaphore_mem>>)
        %dma_wait3A = arith.constant 0 : i32
        %dma_wait3A_53 = arith.constant 0 : i32
        %dma_wait3A_54 = tpu.memref_slice %arg8[%dma_wait3A, %dma_wait3A_53] : memref<16x128xi32, #tpu.memory_space<vmem>> -> memref<4x128xi32, #tpu.memory_space<vmem>>
        %dma_wait3A_55 = arith.constant 0 : i32
        %dma_wait3A_56 = arith.constant 0 : i32
        %dma_wait3A_57 = tpu.memref_slice %arg3[%run_scoped3A, %dma_wait3A_55, %dma_wait3A_56] : memref<2x4x128xi32, #tpu.memory_space<hbm>> -> memref<1x4x128xi32, #tpu.memory_space<hbm>>
        %dma_wait3A_58 = tpu.memref_squeeze %dma_wait3A_57 : memref<1x4x128xi32, #tpu.memory_space<hbm>> -> memref<4x128xi32, #tpu.memory_space<hbm>>
        %dma_wait3A_59 = arith.constant 0 : i32
        %dma_wait3A_60 = arith.constant 0 : i32
        %dma_wait3A_61 = tpu.memref_slice %arg8[%dma_wait3A_59, %dma_wait3A_60] : memref<16x128xi32, #tpu.memory_space<vmem>> -> memref<4x128xi32, #tpu.memory_space<vmem>>
        %dma_wait3A_62 = arith.constant 0 : i32
        %dma_wait3A_63 = arith.constant 0 : i32
        %dma_wait3A_64 = tpu.memref_slice %arg3[%run_scoped3A, %dma_wait3A_62, %dma_wait3A_63] : memref<2x4x128xi32, #tpu.memory_space<hbm>> -> memref<1x4x128xi32, #tpu.memory_space<hbm>>
        %dma_wait3A_65 = tpu.memref_squeeze %dma_wait3A_64 : memref<1x4x128xi32, #tpu.memory_space<hbm>> -> memref<4x128xi32, #tpu.memory_space<hbm>>
        tpu.wait_dma2 semaphore(%run_scoped3A_39 : memref<!tpu.dma_semaphore, #tpu.memory_space<semaphore_mem>>) src(%dma_wait3A_65 : memref<4x128xi32, #tpu.memory_space<hbm>>) dst(%dma_wait3A_61 : memref<4x128xi32, #tpu.memory_space<vmem>>)
        tpu.yield
      }) : () -> ()
      %run_scoped3A_33 = arith.constant 1 : i32
      "tpu.region"() ({
        %run_scoped3A_39 = tpu.sem_alloc : memref<!tpu.dma_semaphore, #tpu.memory_space<semaphore_mem>>
        %dma_start3A = arith.constant 0 : i32
        %dma_start3A_40 = arith.constant 0 : i32
        %dma_start3A_41 = tpu.memref_slice %arg9[%dma_start3A, %dma_start3A_40] : memref<16x128xi32, #tpu.memory_space<vmem>> -> memref<4x128xi32, #tpu.memory_space<vmem>>
        %dma_start3A_42 = arith.constant 0 : i32
        %dma_start3A_43 = arith.constant 0 : i32
        %dma_start3A_44 = tpu.memref_slice %arg3[%run_scoped3A_33, %dma_start3A_42, %dma_start3A_43] : memref<2x4x128xi32, #tpu.memory_space<hbm>> -> memref<1x4x128xi32, #tpu.memory_space<hbm>>
        %dma_start3A_45 = tpu.memref_squeeze %dma_start3A_44 : memref<1x4x128xi32, #tpu.memory_space<hbm>> -> memref<4x128xi32, #tpu.memory_space<hbm>>
        %dma_start3A_46 = arith.constant 0 : i32
        %dma_start3A_47 = arith.constant 0 : i32
        %dma_start3A_48 = tpu.memref_slice %arg9[%dma_start3A_46, %dma_start3A_47] : memref<16x128xi32, #tpu.memory_space<vmem>> -> memref<4x128xi32, #tpu.memory_space<vmem>>
        %dma_start3A_49 = arith.constant 0 : i32
        %dma_start3A_50 = arith.constant 0 : i32
        %dma_start3A_51 = tpu.memref_slice %arg3[%run_scoped3A_33, %dma_start3A_49, %dma_start3A_50] : memref<2x4x128xi32, #tpu.memory_space<hbm>> -> memref<1x4x128xi32, #tpu.memory_space<hbm>>
        %dma_start3A_52 = tpu.memref_squeeze %dma_start3A_51 : memref<1x4x128xi32, #tpu.memory_space<hbm>> -> memref<4x128xi32, #tpu.memory_space<hbm>>
        tpu.enqueue_dma source(%dma_start3A_52 : memref<4x128xi32, #tpu.memory_space<hbm>>) target(%dma_start3A_48 : memref<4x128xi32, #tpu.memory_space<vmem>>) target_semaphore(%run_scoped3A_39 : memref<!tpu.dma_semaphore, #tpu.memory_space<semaphore_mem>>)
        %dma_wait3A = arith.constant 0 : i32
        %dma_wait3A_53 = arith.constant 0 : i32
        %dma_wait3A_54 = tpu.memref_slice %arg9[%dma_wait3A, %dma_wait3A_53] : memref<16x128xi32, #tpu.memory_space<vmem>> -> memref<4x128xi32, #tpu.memory_space<vmem>>
        %dma_wait3A_55 = arith.constant 0 : i32
        %dma_wait3A_56 = arith.constant 0 : i32
        %dma_wait3A_57 = tpu.memref_slice %arg3[%run_scoped3A_33, %dma_wait3A_55, %dma_wait3A_56] : memref<2x4x128xi32, #tpu.memory_space<hbm>> -> memref<1x4x128xi32, #tpu.memory_space<hbm>>
        %dma_wait3A_58 = tpu.memref_squeeze %dma_wait3A_57 : memref<1x4x128xi32, #tpu.memory_space<hbm>> -> memref<4x128xi32, #tpu.memory_space<hbm>>
        %dma_wait3A_59 = arith.constant 0 : i32
        %dma_wait3A_60 = arith.constant 0 : i32
        %dma_wait3A_61 = tpu.memref_slice %arg9[%dma_wait3A_59, %dma_wait3A_60] : memref<16x128xi32, #tpu.memory_space<vmem>> -> memref<4x128xi32, #tpu.memory_space<vmem>>
        %dma_wait3A_62 = arith.constant 0 : i32
        %dma_wait3A_63 = arith.constant 0 : i32
        %dma_wait3A_64 = tpu.memref_slice %arg3[%run_scoped3A_33, %dma_wait3A_62, %dma_wait3A_63] : memref<2x4x128xi32, #tpu.memory_space<hbm>> -> memref<1x4x128xi32, #tpu.memory_space<hbm>>
        %dma_wait3A_65 = tpu.memref_squeeze %dma_wait3A_64 : memref<1x4x128xi32, #tpu.memory_space<hbm>> -> memref<4x128xi32, #tpu.memory_space<hbm>>
        tpu.wait_dma2 semaphore(%run_scoped3A_39 : memref<!tpu.dma_semaphore, #tpu.memory_space<semaphore_mem>>) src(%dma_wait3A_65 : memref<4x128xi32, #tpu.memory_space<hbm>>) dst(%dma_wait3A_61 : memref<4x128xi32, #tpu.memory_space<vmem>>)
        tpu.yield
      }) : () -> ()
      %scan3A = arith.constant 0 : i32
      %scan3A_34 = arith.constant 0 : i32
      %scan3A_35 = arith.constant 4 : i32
      %scan3A_36 = arith.addi %scan3A_34, %scan3A_35 : i32
      %scan3A_37 = arith.constant 1 : i32
      scf.for %scan3A_39 = %scan3A_34 to %scan3A_36 step %scan3A_37  : i32 {
        %dma_start3A = arith.constant 0 : i32
        %dma_start3A_40 = tpu.memref_slice %arg8[%scan3A_39, %dma_start3A] : memref<16x128xi32, #tpu.memory_space<vmem>> -> memref<1x128xi32, #tpu.memory_space<vmem>>
        %dma_start3A_41 = tpu.memref_squeeze %dma_start3A_40 : memref<1x128xi32, #tpu.memory_space<vmem>> -> memref<128xi32, #tpu.memory_space<vmem>>
        %dma_start3A_42 = arith.constant 0 : i32
        %dma_start3A_43 = arith.constant 0 : i32
        %dma_start3A_44 = tpu.memref_slice %arg4[%dma_start3A_42, %dma_start3A_43] : memref<10000x128xf32, #tpu.memory_space<hbm>> -> memref<10000x128xf32, #tpu.memory_space<hbm>>
        tpu.enqueue_indirect_dma source(%dma_start3A_44 : memref<10000x128xf32, #tpu.memory_space<hbm>>) target(%arg10 : memref<128x128xf32, #tpu.memory_space<vmem>>) offsets(%dma_start3A_41 : memref<128xi32, #tpu.memory_space<vmem>>) semaphore(%arg12 : memref<!tpu.dma_semaphore, #tpu.memory_space<semaphore_mem>>)
        %dma_wait3A = arith.constant 0 : i32
        %dma_wait3A_45 = tpu.memref_slice %arg8[%scan3A_39, %dma_wait3A] : memref<16x128xi32, #tpu.memory_space<vmem>> -> memref<1x128xi32, #tpu.memory_space<vmem>>
        %dma_wait3A_46 = tpu.memref_squeeze %dma_wait3A_45 : memref<1x128xi32, #tpu.memory_space<vmem>> -> memref<128xi32, #tpu.memory_space<vmem>>
        %dma_wait3A_47 = arith.constant 0 : i32
        %dma_wait3A_48 = arith.constant 0 : i32
        %dma_wait3A_49 = tpu.memref_slice %arg4[%dma_wait3A_47, %dma_wait3A_48] : memref<10000x128xf32, #tpu.memory_space<hbm>> -> memref<10000x128xf32, #tpu.memory_space<hbm>>
        tpu.wait_indirect_dma semaphore(%arg12 : memref<!tpu.dma_semaphore, #tpu.memory_space<semaphore_mem>>) src(%dma_wait3A_49 : memref<10000x128xf32, #tpu.memory_space<hbm>>) dst(%arg10 : memref<128x128xf32, #tpu.memory_space<vmem>>)
        "tpu.region"() ({
          %run_scoped3A_50 = tpu.sem_alloc : memref<!tpu.dma_semaphore, #tpu.memory_space<semaphore_mem>>
          %dma_start3A_51 = arith.constant 0 : i32
          %dma_start3A_52 = tpu.memref_slice %arg9[%scan3A_39, %dma_start3A_51] : memref<16x128xi32, #tpu.memory_space<vmem>> -> memref<1x128xi32, #tpu.memory_space<vmem>>
          %dma_start3A_53 = tpu.memref_squeeze %dma_start3A_52 : memref<1x128xi32, #tpu.memory_space<vmem>> -> memref<128xi32, #tpu.memory_space<vmem>>
          %dma_start3A_54 = arith.constant 0 : i32
          %dma_start3A_55 = arith.constant 0 : i32
          %dma_start3A_56 = tpu.memref_slice %arg14[%dma_start3A_54, %dma_start3A_55] : memref<10240x128xf32, #tpu.memory_space<vmem_shared>> -> memref<10240x128xf32, #tpu.memory_space<vmem_shared>>
          tpu.enqueue_indirect_dma source(%arg10 : memref<128x128xf32, #tpu.memory_space<vmem>>) target(%dma_start3A_56 : memref<10240x128xf32, #tpu.memory_space<vmem_shared>>) offsets(%dma_start3A_53 : memref<128xi32, #tpu.memory_space<vmem>>) semaphore(%run_scoped3A_50 : memref<!tpu.dma_semaphore, #tpu.memory_space<semaphore_mem>>) {add = true}
          %dma_wait3A_57 = arith.constant 0 : i32
          %dma_wait3A_58 = tpu.memref_slice %arg9[%scan3A_39, %dma_wait3A_57] : memref<16x128xi32, #tpu.memory_space<vmem>> -> memref<1x128xi32, #tpu.memory_space<vmem>>
          %dma_wait3A_59 = tpu.memref_squeeze %dma_wait3A_58 : memref<1x128xi32, #tpu.memory_space<vmem>> -> memref<128xi32, #tpu.memory_space<vmem>>
          %dma_wait3A_60 = arith.constant 0 : i32
          %dma_wait3A_61 = arith.constant 0 : i32
          %dma_wait3A_62 = tpu.memref_slice %arg14[%dma_wait3A_60, %dma_wait3A_61] : memref<10240x128xf32, #tpu.memory_space<vmem_shared>> -> memref<10240x128xf32, #tpu.memory_space<vmem_shared>>
          tpu.wait_indirect_dma semaphore(%run_scoped3A_50 : memref<!tpu.dma_semaphore, #tpu.memory_space<semaphore_mem>>) src(%arg10 : memref<128x128xf32, #tpu.memory_space<vmem>>) dst(%dma_wait3A_62 : memref<10240x128xf32, #tpu.memory_space<vmem_shared>>)
          tpu.yield
        }) : () -> ()
      }
      %scan3A_38 = arith.constant 4 : i32
    } else {
    }
    %barrier3A_22 = arith.constant 0 : index
    tpu.barrier barrier_id(%barrier3A_22)
    %eq3A_23 = arith.constant 0 : i32
    %eq3A_24 = arith.cmpi eq, %arg0, %eq3A_23 : i32
    %convert_element_type3A_25 = arith.extui %eq3A_24 : i1 to i32
    %cond3A_26 = arith.constant 0 : i32
    %cond3A_27 = arith.cmpi ne, %convert_element_type3A_25, %cond3A_26 : i32
    scf.if %cond3A_27 {
      %mul3A_33 = arith.constant 624 : i32
      %mul3A_34 = arith.muli %arg1, %mul3A_33 : i32
      %mul3A_35 = arith.constant 624 : i32
      %mul3A_36 = arith.muli %arg1, %mul3A_35 : i32
      "tpu.region"() ({
        %run_scoped3A = tpu.sem_alloc : memref<!tpu.dma_semaphore, #tpu.memory_space<semaphore_mem>>
        %dma_start3A = arith.constant 0 : i32
        %dma_start3A_42 = tpu.memref_slice %arg6[%mul3A_36, %dma_start3A] : memref<10000x128xf32, #tpu.memory_space<hbm>> -> memref<624x128xf32, #tpu.memory_space<hbm>>
        %dma_start3A_43 = arith.constant 0 : i32
        %dma_start3A_44 = tpu.memref_slice %arg14[%mul3A_34, %dma_start3A_43] : memref<10240x128xf32, #tpu.memory_space<vmem_shared>> -> memref<624x128xf32, #tpu.memory_space<vmem_shared>>
        tpu.enqueue_dma source(%dma_start3A_44 : memref<624x128xf32, #tpu.memory_space<vmem_shared>>) target(%dma_start3A_42 : memref<624x128xf32, #tpu.memory_space<hbm>>) target_semaphore(%run_scoped3A : memref<!tpu.dma_semaphore, #tpu.memory_space<semaphore_mem>>)
        %dma_wait3A = arith.constant 0 : i32
        %dma_wait3A_45 = tpu.memref_slice %arg6[%mul3A_36, %dma_wait3A] : memref<10000x128xf32, #tpu.memory_space<hbm>> -> memref<624x128xf32, #tpu.memory_space<hbm>>
        %dma_wait3A_46 = arith.constant 0 : i32
        %dma_wait3A_47 = tpu.memref_slice %arg14[%mul3A_34, %dma_wait3A_46] : memref<10240x128xf32, #tpu.memory_space<vmem_shared>> -> memref<624x128xf32, #tpu.memory_space<vmem_shared>>
        tpu.wait_dma2 semaphore(%run_scoped3A : memref<!tpu.dma_semaphore, #tpu.memory_space<semaphore_mem>>) src(%dma_wait3A_47 : memref<624x128xf32, #tpu.memory_space<vmem_shared>>) dst(%dma_wait3A_45 : memref<624x128xf32, #tpu.memory_space<hbm>>)
        tpu.yield
      }) : () -> ()
      %eq3A_37 = arith.constant 0 : i32
      %eq3A_38 = arith.cmpi eq, %arg1, %eq3A_37 : i32
      %convert_element_type3A_39 = arith.extui %eq3A_38 : i1 to i32
      %cond3A_40 = arith.constant 0 : i32
      %cond3A_41 = arith.cmpi ne, %convert_element_type3A_39, %cond3A_40 : i32
      scf.if %cond3A_41 {
        "tpu.region"() ({
          %run_scoped3A = tpu.sem_alloc : memref<!tpu.dma_semaphore, #tpu.memory_space<semaphore_mem>>
          %dma_start3A = arith.constant 9984 : i32
          %dma_start3A_42 = arith.constant 0 : i32
          %dma_start3A_43 = tpu.memref_slice %arg6[%dma_start3A, %dma_start3A_42] : memref<10000x128xf32, #tpu.memory_space<hbm>> -> memref<16x128xf32, #tpu.memory_space<hbm>>
          %dma_start3A_44 = arith.constant 9984 : i32
          %dma_start3A_45 = arith.constant 0 : i32
          %dma_start3A_46 = tpu.memref_slice %arg14[%dma_start3A_44, %dma_start3A_45] : memref<10240x128xf32, #tpu.memory_space<vmem_shared>> -> memref<16x128xf32, #tpu.memory_space<vmem_shared>>
          tpu.enqueue_dma source(%dma_start3A_46 : memref<16x128xf32, #tpu.memory_space<vmem_shared>>) target(%dma_start3A_43 : memref<16x128xf32, #tpu.memory_space<hbm>>) target_semaphore(%run_scoped3A : memref<!tpu.dma_semaphore, #tpu.memory_space<semaphore_mem>>)
          %dma_wait3A = arith.constant 9984 : i32
          %dma_wait3A_47 = arith.constant 0 : i32
          %dma_wait3A_48 = tpu.memref_slice %arg6[%dma_wait3A, %dma_wait3A_47] : memref<10000x128xf32, #tpu.memory_space<hbm>> -> memref<16x128xf32, #tpu.memory_space<hbm>>
          %dma_wait3A_49 = arith.constant 9984 : i32
          %dma_wait3A_50 = arith.constant 0 : i32
          %dma_wait3A_51 = tpu.memref_slice %arg14[%dma_wait3A_49, %dma_wait3A_50] : memref<10240x128xf32, #tpu.memory_space<vmem_shared>> -> memref<16x128xf32, #tpu.memory_space<vmem_shared>>
          tpu.wait_dma2 semaphore(%run_scoped3A : memref<!tpu.dma_semaphore, #tpu.memory_space<semaphore_mem>>) src(%dma_wait3A_51 : memref<16x128xf32, #tpu.memory_space<vmem_shared>>) dst(%dma_wait3A_48 : memref<16x128xf32, #tpu.memory_space<hbm>>)
          tpu.yield
        }) : () -> ()
      } else {
      }
    } else {
    }
    %eq3A_28 = arith.constant 1 : i32
    %eq3A_29 = arith.cmpi eq, %arg0, %eq3A_28 : i32
    %convert_element_type3A_30 = arith.extui %eq3A_29 : i1 to i32
    %cond3A_31 = arith.constant 0 : i32
    %cond3A_32 = arith.cmpi ne, %convert_element_type3A_30, %cond3A_31 : i32
    scf.if %cond3A_32 {
      %mul3A_33 = arith.constant 624 : i32
      %mul3A_34 = arith.muli %arg1, %mul3A_33 : i32
      %mul3A_35 = arith.constant 624 : i32
      %mul3A_36 = arith.muli %arg1, %mul3A_35 : i32
      "tpu.region"() ({
        %run_scoped3A = tpu.sem_alloc : memref<!tpu.dma_semaphore, #tpu.memory_space<semaphore_mem>>
        %dma_start3A = arith.constant 0 : i32
        %dma_start3A_42 = tpu.memref_slice %arg7[%mul3A_36, %dma_start3A] : memref<10000x128xf32, #tpu.memory_space<hbm>> -> memref<624x128xf32, #tpu.memory_space<hbm>>
        %dma_start3A_43 = arith.constant 0 : i32
        %dma_start3A_44 = tpu.memref_slice %arg14[%mul3A_34, %dma_start3A_43] : memref<10240x128xf32, #tpu.memory_space<vmem_shared>> -> memref<624x128xf32, #tpu.memory_space<vmem_shared>>
        tpu.enqueue_dma source(%dma_start3A_44 : memref<624x128xf32, #tpu.memory_space<vmem_shared>>) target(%dma_start3A_42 : memref<624x128xf32, #tpu.memory_space<hbm>>) target_semaphore(%run_scoped3A : memref<!tpu.dma_semaphore, #tpu.memory_space<semaphore_mem>>)
        %dma_wait3A = arith.constant 0 : i32
        %dma_wait3A_45 = tpu.memref_slice %arg7[%mul3A_36, %dma_wait3A] : memref<10000x128xf32, #tpu.memory_space<hbm>> -> memref<624x128xf32, #tpu.memory_space<hbm>>
        %dma_wait3A_46 = arith.constant 0 : i32
        %dma_wait3A_47 = tpu.memref_slice %arg14[%mul3A_34, %dma_wait3A_46] : memref<10240x128xf32, #tpu.memory_space<vmem_shared>> -> memref<624x128xf32, #tpu.memory_space<vmem_shared>>
        tpu.wait_dma2 semaphore(%run_scoped3A : memref<!tpu.dma_semaphore, #tpu.memory_space<semaphore_mem>>) src(%dma_wait3A_47 : memref<624x128xf32, #tpu.memory_space<vmem_shared>>) dst(%dma_wait3A_45 : memref<624x128xf32, #tpu.memory_space<hbm>>)
        tpu.yield
      }) : () -> ()
      %eq3A_37 = arith.constant 0 : i32
      %eq3A_38 = arith.cmpi eq, %arg1, %eq3A_37 : i32
      %convert_element_type3A_39 = arith.extui %eq3A_38 : i1 to i32
      %cond3A_40 = arith.constant 0 : i32
      %cond3A_41 = arith.cmpi ne, %convert_element_type3A_39, %cond3A_40 : i32
      scf.if %cond3A_41 {
        "tpu.region"() ({
          %run_scoped3A = tpu.sem_alloc : memref<!tpu.dma_semaphore, #tpu.memory_space<semaphore_mem>>
          %dma_start3A = arith.constant 9984 : i32
          %dma_start3A_42 = arith.constant 0 : i32
          %dma_start3A_43 = tpu.memref_slice %arg7[%dma_start3A, %dma_start3A_42] : memref<10000x128xf32, #tpu.memory_space<hbm>> -> memref<16x128xf32, #tpu.memory_space<hbm>>
          %dma_start3A_44 = arith.constant 9984 : i32
          %dma_start3A_45 = arith.constant 0 : i32
          %dma_start3A_46 = tpu.memref_slice %arg14[%dma_start3A_44, %dma_start3A_45] : memref<10240x128xf32, #tpu.memory_space<vmem_shared>> -> memref<16x128xf32, #tpu.memory_space<vmem_shared>>
          tpu.enqueue_dma source(%dma_start3A_46 : memref<16x128xf32, #tpu.memory_space<vmem_shared>>) target(%dma_start3A_43 : memref<16x128xf32, #tpu.memory_space<hbm>>) target_semaphore(%run_scoped3A : memref<!tpu.dma_semaphore, #tpu.memory_space<semaphore_mem>>)
          %dma_wait3A = arith.constant 9984 : i32
          %dma_wait3A_47 = arith.constant 0 : i32
          %dma_wait3A_48 = tpu.memref_slice %arg7[%dma_wait3A, %dma_wait3A_47] : memref<10000x128xf32, #tpu.memory_space<hbm>> -> memref<16x128xf32, #tpu.memory_space<hbm>>
          %dma_wait3A_49 = arith.constant 9984 : i32
          %dma_wait3A_50 = arith.constant 0 : i32
          %dma_wait3A_51 = tpu.memref_slice %arg14[%dma_wait3A_49, %dma_wait3A_50] : memref<10240x128xf32, #tpu.memory_space<vmem_shared>> -> memref<16x128xf32, #tpu.memory_space<vmem_shared>>
          tpu.wait_dma2 semaphore(%run_scoped3A : memref<!tpu.dma_semaphore, #tpu.memory_space<semaphore_mem>>) src(%dma_wait3A_51 : memref<16x128xf32, #tpu.memory_space<vmem_shared>>) dst(%dma_wait3A_48 : memref<16x128xf32, #tpu.memory_space<hbm>>)
          tpu.yield
        }) : () -> ()
      } else {
      }
    } else {
    }
    return
  }
}

module attributes {stable_mosaic.version = 14 : i64} {
  func.func @_k1_body(%arg0: i32, %arg1: memref<1000x128xf32, #tpu.memory_space<vmem>>, %arg2: memref<128x128xf32, #tpu.memory_space<vmem>>, %arg3: memref<1000x1xf32, #tpu.memory_space<vmem>>, %arg4: memref<1000x1xf32, #tpu.memory_space<vmem>>, %arg5: memref<1000x128xf32, #tpu.memory_space<vmem>>, %arg6: memref<1000x1xf32, #tpu.memory_space<vmem>>) attributes {dimension_semantics = [#tpu.dimension_semantics<arbitrary>], iteration_bounds = array<i64: 10>, scalar_prefetch = 0 : i64, scratch_operands = 0 : i64, tpu.core_type = #tpu.core_type<tc>, window_params = [{transform_indices = @transform_0, window_bounds = array<i64: 1000, 128>}, {pipeline_mode = #tpu.pipeline_mode<synchronous>, transform_indices = @transform_1, window_bounds = array<i64: 128, 128>}, {transform_indices = @transform_2, window_bounds = array<i64: 1000, 1>}, {transform_indices = @transform_3, window_bounds = array<i64: 1000, 1>}, {transform_indices = @transform_4, window_bounds = array<i64: 1000, 128>}, {transform_indices = @transform_5, window_bounds = array<i64: 1000, 1>}]} {
    %get3A = arith.constant 0 : index
    %get3A_0 = arith.constant 0 : index
    %get3A_1 = vector.load %arg3[%get3A, %get3A_0] : memref<1000x1xf32, #tpu.memory_space<vmem>>, vector<1000x1xf32>
    %add3A = arith.constant 1.000000e+00 : f32
    %add3A_2 = vector.broadcast %add3A : f32 to vector<1000x1xf32>
    %add3A_3 = arith.addf %add3A_2, %get3A_1 : vector<1000x1xf32>
    %get3A_4 = arith.constant 0 : index
    %get3A_5 = arith.constant 0 : index
    %get3A_6 = vector.load %arg4[%get3A_4, %get3A_5] : memref<1000x1xf32, #tpu.memory_space<vmem>>, vector<1000x1xf32>
    %add3A_7 = arith.addf %add3A_3, %get3A_6 : vector<1000x1xf32>
    %rsqrt3A = math.rsqrt %add3A_7 : vector<1000x1xf32>
    %get3A_8 = arith.constant 0 : index
    %get3A_9 = arith.constant 0 : index
    %get3A_10 = vector.load %arg1[%get3A_8, %get3A_9] : memref<1000x128xf32, #tpu.memory_space<vmem>>, vector<1000x128xf32>
    %get3A_11 = arith.constant 0 : index
    %get3A_12 = arith.constant 0 : index
    %get3A_13 = vector.load %arg2[%get3A_11, %get3A_12] : memref<128x128xf32, #tpu.memory_space<vmem>>, vector<128x128xf32>
    %dot_general3A = arith.constant dense<0.000000e+00> : vector<1000x128xf32>
    %dot_general3A_14 = tpu.matmul %get3A_10, %get3A_13, %dot_general3A {dimension_numbers = #tpu.dot_dimension_numbers<[1], [0], [0], [1], [0, 0, 1, 1], [], []>, transpose_lhs_hint = false} : vector<1000x128xf32>, vector<128x128xf32>, vector<1000x128xf32> -> vector<1000x128xf32>
    %mul3A = vector.broadcast %rsqrt3A : vector<1000x1xf32> to vector<1000x128xf32>
    %mul3A_15 = arith.mulf %dot_general3A_14, %mul3A : vector<1000x128xf32>
    %swap3A = arith.constant 0 : index
    %swap3A_16 = arith.constant 0 : index
    %swap3A_17 = vector.load %arg5[%swap3A, %swap3A_16] : memref<1000x128xf32, #tpu.memory_space<vmem>>, vector<1000x128xf32>
    tpu.vector_store %arg5[%swap3A, %swap3A_16], %mul3A_15 {strides = array<i32>} : memref<1000x128xf32, #tpu.memory_space<vmem>>, vector<1000x128xf32>,
    %swap3A_18 = arith.constant 0 : index
    %swap3A_19 = arith.constant 0 : index
    %swap3A_20 = vector.load %arg6[%swap3A_18, %swap3A_19] : memref<1000x1xf32, #tpu.memory_space<vmem>>, vector<1000x1xf32>
    tpu.vector_store %arg6[%swap3A_18, %swap3A_19], %rsqrt3A {strides = array<i32>} : memref<1000x1xf32, #tpu.memory_space<vmem>>, vector<1000x1xf32>,
    return
  }
  func.func @transform_0(%arg0: i32) -> (i32, i32) {
    %c0_i32 = arith.constant 0 : i32
    %c0_i32_0 = arith.constant 0 : i32
    return %arg0, %c0_i32 : i32, i32
  }
  func.func @transform_1(%arg0: i32) -> (i32, i32) {
    %c0_i32 = arith.constant 0 : i32
    %c0_i32_0 = arith.constant 0 : i32
    %c0_i32_1 = arith.constant 0 : i32
    return %c0_i32, %c0_i32_0 : i32, i32
  }
  func.func @transform_2(%arg0: i32) -> (i32, i32) {
    %c0_i32 = arith.constant 0 : i32
    %c0_i32_0 = arith.constant 0 : i32
    return %arg0, %c0_i32 : i32, i32
  }
  func.func @transform_3(%arg0: i32) -> (i32, i32) {
    %c0_i32 = arith.constant 0 : i32
    %c0_i32_0 = arith.constant 0 : i32
    return %arg0, %c0_i32 : i32, i32
  }
  func.func @transform_4(%arg0: i32) -> (i32, i32) {
    %c0_i32 = arith.constant 0 : i32
    %c0_i32_0 = arith.constant 0 : i32
    return %arg0, %c0_i32 : i32, i32
  }
  func.func @transform_5(%arg0: i32) -> (i32, i32) {
    %c0_i32 = arith.constant 0 : i32
    %c0_i32_0 = arith.constant 0 : i32
    return %arg0, %c0_i32 : i32, i32
  }
}

module attributes {stable_mosaic.version = 14 : i64} {
  func.func @_k2_body(%arg0: i32, %arg1: memref<1000x128xf32, #tpu.memory_space<vmem>>, %arg2: memref<1000x128xf32, #tpu.memory_space<vmem>>, %arg3: memref<1000x128xf32, #tpu.memory_space<vmem>>, %arg4: memref<1000x1xf32, #tpu.memory_space<vmem>>, %arg5: memref<1x128xf32, #tpu.memory_space<vmem>>, %arg6: memref<1000x128xf32, #tpu.memory_space<vmem>>) attributes {dimension_semantics = [#tpu.dimension_semantics<arbitrary>], iteration_bounds = array<i64: 10>, scalar_prefetch = 0 : i64, scratch_operands = 0 : i64, tpu.core_type = #tpu.core_type<tc>, window_params = [{transform_indices = @transform_0, window_bounds = array<i64: 1000, 128>}, {transform_indices = @transform_1, window_bounds = array<i64: 1000, 128>}, {transform_indices = @transform_2, window_bounds = array<i64: 1000, 128>}, {transform_indices = @transform_3, window_bounds = array<i64: 1000, 1>}, {pipeline_mode = #tpu.pipeline_mode<synchronous>, transform_indices = @transform_4, window_bounds = array<i64: 1, 128>}, {transform_indices = @transform_5, window_bounds = array<i64: 1000, 128>}]} {
    %get3A = arith.constant 0 : index
    %get3A_0 = arith.constant 0 : index
    %get3A_1 = vector.load %arg4[%get3A, %get3A_0] : memref<1000x1xf32, #tpu.memory_space<vmem>>, vector<1000x1xf32>
    %get3A_2 = arith.constant 0 : index
    %get3A_3 = arith.constant 0 : index
    %get3A_4 = vector.load %arg1[%get3A_2, %get3A_3] : memref<1000x128xf32, #tpu.memory_space<vmem>>, vector<1000x128xf32>
    %get3A_5 = arith.constant 0 : index
    %get3A_6 = arith.constant 0 : index
    %get3A_7 = vector.load %arg2[%get3A_5, %get3A_6] : memref<1000x128xf32, #tpu.memory_space<vmem>>, vector<1000x128xf32>
    %add3A = arith.addf %get3A_4, %get3A_7 : vector<1000x128xf32>
    %get3A_8 = arith.constant 0 : index
    %get3A_9 = arith.constant 0 : index
    %get3A_10 = vector.load %arg3[%get3A_8, %get3A_9] : memref<1000x128xf32, #tpu.memory_space<vmem>>, vector<1000x128xf32>
    %add3A_11 = arith.addf %add3A, %get3A_10 : vector<1000x128xf32>
    %mul3A = vector.broadcast %get3A_1 : vector<1000x1xf32> to vector<1000x128xf32>
    %mul3A_12 = arith.mulf %add3A_11, %mul3A : vector<1000x128xf32>
    %get3A_13 = arith.constant 0 : index
    %get3A_14 = arith.constant 0 : index
    %get3A_15 = vector.load %arg5[%get3A_13, %get3A_14] : memref<1x128xf32, #tpu.memory_space<vmem>>, vector<1x128xf32>
    %add3A_16 = vector.broadcast %get3A_15 : vector<1x128xf32> to vector<1000x128xf32>
    %add3A_17 = arith.addf %mul3A_12, %add3A_16 : vector<1000x128xf32>
    %max3A = arith.constant 0.000000e+00 : f32
    %max3A_18 = vector.broadcast %max3A : f32 to vector<1000x128xf32>
    %max3A_19 = arith.maximumf %add3A_17, %max3A_18 : vector<1000x128xf32>
    %mul3A_20 = vector.broadcast %get3A_1 : vector<1000x1xf32> to vector<1000x128xf32>
    %mul3A_21 = arith.mulf %max3A_19, %mul3A_20 : vector<1000x128xf32>
    %swap3A = arith.constant 0 : index
    %swap3A_22 = arith.constant 0 : index
    %swap3A_23 = vector.load %arg6[%swap3A, %swap3A_22] : memref<1000x128xf32, #tpu.memory_space<vmem>>, vector<1000x128xf32>
    tpu.vector_store %arg6[%swap3A, %swap3A_22], %mul3A_21 {strides = array<i32>} : memref<1000x128xf32, #tpu.memory_space<vmem>>, vector<1000x128xf32>,
    return
  }
  func.func @transform_0(%arg0: i32) -> (i32, i32) {
    %c0_i32 = arith.constant 0 : i32
    %c0_i32_0 = arith.constant 0 : i32
    return %arg0, %c0_i32 : i32, i32
  }
  func.func @transform_1(%arg0: i32) -> (i32, i32) {
    %c0_i32 = arith.constant 0 : i32
    %c0_i32_0 = arith.constant 0 : i32
    return %arg0, %c0_i32 : i32, i32
  }
  func.func @transform_2(%arg0: i32) -> (i32, i32) {
    %c0_i32 = arith.constant 0 : i32
    %c0_i32_0 = arith.constant 0 : i32
    return %arg0, %c0_i32 : i32, i32
  }
  func.func @transform_3(%arg0: i32) -> (i32, i32) {
    %c0_i32 = arith.constant 0 : i32
    %c0_i32_0 = arith.constant 0 : i32
    return %arg0, %c0_i32 : i32, i32
  }
  func.func @transform_4(%arg0: i32) -> (i32, i32) {
    %c0_i32 = arith.constant 0 : i32
    %c0_i32_0 = arith.constant 0 : i32
    %c0_i32_1 = arith.constant 0 : i32
    return %c0_i32, %c0_i32_0 : i32, i32
  }
  func.func @transform_5(%arg0: i32) -> (i32, i32) {
    %c0_i32 = arith.constant 0 : i32
    %c0_i32_0 = arith.constant 0 : i32
    return %arg0, %c0_i32 : i32, i32
  }
}

module attributes {stable_mosaic.version = 14 : i64} {
  func.func @_k3_body(%arg0: i32, %arg1: memref<1000x128xf32, #tpu.memory_space<vmem>>, %arg2: memref<1000x128xf32, #tpu.memory_space<vmem>>, %arg3: memref<1000x128xf32, #tpu.memory_space<vmem>>, %arg4: memref<1000x1xf32, #tpu.memory_space<vmem>>, %arg5: memref<1x16xf32, #tpu.memory_space<vmem>>, %arg6: memref<128x16xf32, #tpu.memory_space<vmem>>, %arg7: memref<1000x6xf32, #tpu.memory_space<vmem>>) attributes {dimension_semantics = [#tpu.dimension_semantics<arbitrary>], iteration_bounds = array<i64: 10>, scalar_prefetch = 0 : i64, scratch_operands = 0 : i64, tpu.core_type = #tpu.core_type<tc>, window_params = [{transform_indices = @transform_0, window_bounds = array<i64: 1000, 128>}, {transform_indices = @transform_1, window_bounds = array<i64: 1000, 128>}, {transform_indices = @transform_2, window_bounds = array<i64: 1000, 128>}, {transform_indices = @transform_3, window_bounds = array<i64: 1000, 1>}, {pipeline_mode = #tpu.pipeline_mode<synchronous>, transform_indices = @transform_4, window_bounds = array<i64: 1, 16>}, {pipeline_mode = #tpu.pipeline_mode<synchronous>, transform_indices = @transform_5, window_bounds = array<i64: 128, 16>}, {transform_indices = @transform_6, window_bounds = array<i64: 1000, 6>}]} {
    %get3A = arith.constant 0 : index
    %get3A_0 = arith.constant 0 : index
    %get3A_1 = vector.load %arg1[%get3A, %get3A_0] : memref<1000x128xf32, #tpu.memory_space<vmem>>, vector<1000x128xf32>
    %get3A_2 = arith.constant 0 : index
    %get3A_3 = arith.constant 0 : index
    %get3A_4 = vector.load %arg2[%get3A_2, %get3A_3] : memref<1000x128xf32, #tpu.memory_space<vmem>>, vector<1000x128xf32>
    %add3A = arith.addf %get3A_1, %get3A_4 : vector<1000x128xf32>
    %get3A_5 = arith.constant 0 : index
    %get3A_6 = arith.constant 0 : index
    %get3A_7 = vector.load %arg3[%get3A_5, %get3A_6] : memref<1000x128xf32, #tpu.memory_space<vmem>>, vector<1000x128xf32>
    %add3A_8 = arith.addf %add3A, %get3A_7 : vector<1000x128xf32>
    %get3A_9 = arith.constant 0 : index
    %get3A_10 = arith.constant 0 : index
    %get3A_11 = vector.load %arg4[%get3A_9, %get3A_10] : memref<1000x1xf32, #tpu.memory_space<vmem>>, vector<1000x1xf32>
    %mul3A = vector.broadcast %get3A_11 : vector<1000x1xf32> to vector<1000x128xf32>
    %mul3A_12 = arith.mulf %add3A_8, %mul3A : vector<1000x128xf32>
    %get3A_13 = arith.constant 0 : index
    %get3A_14 = arith.constant 0 : index
    %get3A_15 = vector.load %arg6[%get3A_13, %get3A_14] : memref<128x16xf32, #tpu.memory_space<vmem>>, vector<128x16xf32>
    %dot_general3A = arith.constant dense<0.000000e+00> : vector<1000x16xf32>
    %dot_general3A_16 = tpu.matmul %mul3A_12, %get3A_15, %dot_general3A {dimension_numbers = #tpu.dot_dimension_numbers<[1], [0], [0], [1], [0, 0, 1, 1], [], []>, transpose_lhs_hint = false} : vector<1000x128xf32>, vector<128x16xf32>, vector<1000x16xf32> -> vector<1000x16xf32>
    %get3A_17 = arith.constant 0 : index
    %get3A_18 = arith.constant 0 : index
    %get3A_19 = vector.load %arg5[%get3A_17, %get3A_18] : memref<1x16xf32, #tpu.memory_space<vmem>>, vector<1x16xf32>
    %add3A_20 = vector.broadcast %get3A_19 : vector<1x16xf32> to vector<1000x16xf32>
    %add3A_21 = arith.addf %dot_general3A_16, %add3A_20 : vector<1000x16xf32>
    %slice3A = vector.extract_strided_slice %add3A_21 {offsets = [0, 0], sizes = [1000, 6], strides = [1, 1]} : vector<1000x16xf32> to vector<1000x6xf32>
    %swap3A = arith.constant 0 : index
    %swap3A_22 = arith.constant 0 : index
    %swap3A_23 = vector.load %arg7[%swap3A, %swap3A_22] : memref<1000x6xf32, #tpu.memory_space<vmem>>, vector<1000x6xf32>
    tpu.vector_store %arg7[%swap3A, %swap3A_22], %slice3A {strides = array<i32>} : memref<1000x6xf32, #tpu.memory_space<vmem>>, vector<1000x6xf32>,
    return
  }
  func.func @transform_0(%arg0: i32) -> (i32, i32) {
    %c0_i32 = arith.constant 0 : i32
    %c0_i32_0 = arith.constant 0 : i32
    return %arg0, %c0_i32 : i32, i32
  }
  func.func @transform_1(%arg0: i32) -> (i32, i32) {
    %c0_i32 = arith.constant 0 : i32
    %c0_i32_0 = arith.constant 0 : i32
    return %arg0, %c0_i32 : i32, i32
  }
  func.func @transform_2(%arg0: i32) -> (i32, i32) {
    %c0_i32 = arith.constant 0 : i32
    %c0_i32_0 = arith.constant 0 : i32
    return %arg0, %c0_i32 : i32, i32
  }
  func.func @transform_3(%arg0: i32) -> (i32, i32) {
    %c0_i32 = arith.constant 0 : i32
    %c0_i32_0 = arith.constant 0 : i32
    return %arg0, %c0_i32 : i32, i32
  }
  func.func @transform_4(%arg0: i32) -> (i32, i32) {
    %c0_i32 = arith.constant 0 : i32
    %c0_i32_0 = arith.constant 0 : i32
    %c0_i32_1 = arith.constant 0 : i32
    return %c0_i32, %c0_i32_0 : i32, i32
  }
  func.func @transform_5(%arg0: i32) -> (i32, i32) {
    %c0_i32 = arith.constant 0 : i32
    %c0_i32_0 = arith.constant 0 : i32
    %c0_i32_1 = arith.constant 0 : i32
    return %c0_i32, %c0_i32_0 : i32, i32
  }
  func.func @transform_6(%arg0: i32) -> (i32, i32) {
    %c0_i32 = arith.constant 0 : i32
    %c0_i32_0 = arith.constant 0 : i32
    return %arg0, %c0_i32 : i32, i32
  }
}

</mosaic_0001>

<sc_bundles>
// kernel: kernel.11.cloned.1.call-start
scs
__scs_entry_jumppad:
0x0: {  	(pc) =	sbr.rel $0x88, $3  }
0x1: {  	(tag) =	ssettag $0x0;
	lr =	simm.s32 $0x1  }
0x2: {  	[smem:$0x3F9B] =	sst lr;
	_ =	strace $0xD0000000  }
0x3: {  	_ = 	snop  }
0x4: {  	_ = 	snop  }
0x5: {  	_ = 	snop  }
0x6: {  	_ = 	snop  }
0x7: {  	_ = 	snop  }
__scs_overlays_trampoline_lowered:
0x8: {  	[smem:$0x3FAA] =	sst s0  }
0x9: {  	[smem:$0x3FAB] =	sst s1  }
0xa: {  	[smem:$0x3FAC] =	sst s2  }
0xb: {  	[smem:$0x3FAD] =	sst s3  }
0xc: {  	[smem:$0x3FAE] =	sst s4  }
0xd: {  	[smem:$0x3FAF] =	sst s5  }
0xe: {  	[smem:$0x3FB0] =	sst s6  }
0xf: {  	[smem:$0x3FB1] =	sst s7  }
0x10: {  	[smem:$0x3FB2] =	sst s8  }
0x11: {  	[smem:$0x3FB3] =	sst s9;
	s0 =	simm.s32 @!p0 $0x0  }
0x12: {  	s1 =	sld [smem:$0x3F99];
	s0 =	simm.s32 @p0 $0x1  }
0x13: {  	[smem:$0x3FB4] =	sst s0;
	s0 =	simm.s32 @!p1 $0x0  }
0x14: {  	s2 =	sld [smem:$0x3F98];
	s0 =	simm.s32 @p1 $0x1  }
0x15: {  	[smem:$0x3FB5] =	sst s0;
	s0 =	simm.s32 @!p2 $0x0  }
0x16: {  	s3 =	sld [smem:$0x3FDB];
	s0 =	simm.s32 @p2 $0x1  }
0x17: {  	s4 =	simm.s32 $0x1BF5;
	[smem:$0x3FB7] =	sst s0  }
0x18: {  	s0 =	sld [smem:$0x3F9A];
	_ =	swait.ge [sflag:s4], $0x0  }
0x19: {  	s7 =	sld [smem:$0x3F9B]  }
0x1a: {  	s8 =	sadd.s32 $0xFFFFE003, lr  }
0x1b: {  	s9 =	sadd.s32 $0xFFFFFEF7, lr;
	s5 =	simm.s32 $0xFFFFFFFF;
	p2 =	slt.u32 s8, $0xFFFFF086  }
0x1c: {  	p1 =	slt.u32 s9, $0xF7A;
	s5 =	simm.s32 @!p2 $0x0  }
0x1d: {  	s5 =	simm.s32 @p1 $0x1;
	p0 =	seq.s32 s7, s2  }
0x1e: {  	s7 =	smul.u32 @!p0 $0xF7A, s2;
	p2 =	seq.s32 @!p0 s5, $0x0  }
0x1f: {  	s9 =	smul.u32 $0xF7A, s1;
	s8 =	simm.s32 @!p0 $0x1BF5;
	p2 =	por !p2, p0  }
0x20: {  	[sflag:s8] =	ssyncset.s32 @!p0 $0xFFFFF086;
	s6 =	sadd.s32 @!p0 s3, s7;
	s7 =	simm.s32 @!p0 $0x108  }
0x21: {  	s3 =	sadd.s32 s3, s9;
	s6 =	sadd.s32 @!p0 $0x88, s6;
	s7 =	simm.s32 @p2 $0x1082  }
0x22: {  	[simem:s7], [sflag:s8] =	dma.local @!p0 [hbm:s6], $0xF7A  }
0x23: {  	s9 =	sor.u32 $0xD0000000, s2;
	s6 =	simm.s32 $0x108;
	_ =	swait.ge @!p0 [sflag:s8], $0x0  }
0x24: {  	s3 =	sadd.s32 $0x88, s3;
	s6 =	simm.s32 @!p1 $0x1082;
	[sflag:s4] =	ssyncset.s32 $0xFFFFF086  }
0x25: {  	[simem:s6], [sflag:s4] =	dma.local [hbm:s3], $0xF7A  }
0x26: {  	[smem:$0x3F9B] =	sst s1;
	(tag) =	ssettag s2;
	_ =	strace s9  }
0x27: {  	s1 =	sld [smem:$0x3FAB]  }
0x28: {  	s2 =	sld [smem:$0x3FAC]  }
0x29: {  	s4 =	sld [smem:$0x3FAE]  }
0x2a: {  	p0 =	seq.s32 s5, $0x0;
	s5 =	sld [smem:$0x3FAF]  }
0x2b: {  	s6 =	sld [smem:$0x3FB0]  }
0x2c: {  	s7 =	sld [smem:$0x3FB1]  }
0x2d: {  	s3 =	simm.s32 $0x108;
	s8 =	sld [smem:$0x3FB2]  }
0x2e: {  	s3 =	simm.s32 @!p0 $0x1082;
	s9 =	sld [smem:$0x3FB3]  }
0x2f: {  	lr =	sadd.s32 s0, s3;
	s0 =	sld [smem:$0x3FAA]  }
0x30: {  	s3 =	sld [smem:$0x3FAD]  }
0x31: {  	[smem:$0x3FB6] =	sst s10  }
0x32: {  	s10 =	sld [smem:$0x3FB4];
	_ =	sdelay $0x3  }
0x33: {  	p0 =	seq.s32 s10, $0x1;
	s10 =	sld [smem:$0x3FB6];
	_ =	sdelay $0x3  }
0x34: {  	[smem:$0x3FB6] =	sst s10  }
0x35: {  	s10 =	sld [smem:$0x3FB5];
	_ =	sdelay $0x3  }
0x36: {  	p1 =	seq.s32 s10, $0x1;
	s10 =	sld [smem:$0x3FB6];
	_ =	sdelay $0x3  }
0x37: {  	[smem:$0x3FB6] =	sst s10  }
0x38: {  	s10 =	sld [smem:$0x3FB7]  }
0x39: {  	_ = 	snop;
	(pc) =	sbr.ind lr, $3  }
0x3a: {  	_ = 	snop  }
0x3b: {  	_ = 	snop  }
0x3c: {  	p2 =	seq.s32 s10, $0x1;
	s10 =	sld [smem:$0x3FB6]  }
0x3d: {  	_ =	shalt  }
0x3e: {  	_ =	shalt  }
0x3f: {  	_ =	shalt  }
0x40: {  	_ =	shalt  }
0x41: {  	_ =	shalt  }
0x42: {  	_ =	shalt  }
0x43: {  	_ =	shalt  }
0x44: {  	_ =	shalt  }
0x45: {  	_ =	shalt  }
0x46: {  	_ =	shalt  }
0x47: {  	_ =	shalt  }
0x48: {  	_ =	shalt  }
0x49: {  	_ =	shalt  }
0x4a: {  	_ =	shalt  }
0x4b: {  	_ =	shalt  }
0x4c: {  	_ =	shalt  }
0x4d: {  	_ =	shalt  }
0x4e: {  	_ =	shalt  }
0x4f: {  	_ =	shalt  }
0x50: {  	_ =	shalt  }
0x51: {  	_ =	shalt  }
0x52: {  	_ =	shalt  }
0x53: {  	_ =	shalt  }
0x54: {  	_ =	shalt  }
0x55: {  	_ =	shalt  }
0x56: {  	_ =	shalt  }
0x57: {  	_ =	shalt  }
0x58: {  	_ =	shalt  }
0x59: {  	_ =	shalt  }
0x5a: {  	_ =	shalt  }
0x5b: {  	_ =	shalt  }
0x5c: {  	_ =	shalt  }
0x5d: {  	_ =	shalt  }
0x5e: {  	_ =	shalt  }
0x5f: {  	_ =	shalt  }
0x60: {  	_ =	shalt  }
0x61: {  	_ =	shalt  }
0x62: {  	_ =	shalt  }
0x63: {  	_ =	shalt  }
0x64: {  	_ =	shalt  }
0x65: {  	_ =	shalt  }
0x66: {  	_ =	shalt  }
0x67: {  	_ =	shalt  }
0x68: {  	_ =	shalt  }
0x69: {  	_ =	shalt  }
0x6a: {  	_ =	shalt  }
0x6b: {  	_ =	shalt  }
0x6c: {  	_ =	shalt  }
0x6d: {  	_ =	shalt  }
0x6e: {  	_ =	shalt  }
0x6f: {  	_ =	shalt  }
0x70: {  	_ =	shalt  }
0x71: {  	_ =	shalt  }
0x72: {  	_ =	shalt  }
0x73: {  	_ =	shalt  }
0x74: {  	_ =	shalt  }
0x75: {  	_ =	shalt  }
0x76: {  	_ =	shalt  }
0x77: {  	_ =	shalt  }
0x78: {  	_ =	shalt  }
0x79: {  	_ =	shalt  }
0x7a: {  	_ =	shalt  }
0x7b: {  	_ =	shalt  }
0x7c: {  	_ =	shalt  }
0x7d: {  	_ =	shalt  }
0x7e: {  	_ =	shalt  }
0x7f: {  	_ =	shalt  }
0x80: {  	_ =	shalt  }
0x81: {  	_ =	shalt  }
0x82: {  	_ =	shalt  }
0x83: {  	_ =	shalt  }
0x84: {  	_ =	shalt  }
0x85: {  	_ =	shalt  }
0x86: {  	_ =	shalt  }
0x87: {  	_ =	shalt  }
.Lfunc_end0:
.L_simem_size_0:
called_computation.1_lowered:
.L_overlay_start_0:
0x88: {  	s2 =	sld [smem:$0x3FD9]  }
0x89: {  	s3 =	sld [smem:$0x3FFE];
	_ =	sdelay $0x1  }
0x8a: {  	s1 =	srdreg.scid  }
0x8b: {  	s0 =	sand.u32 $0x1, s1  }
0x8c: {  	s16 =	sshll.u32 s0, $0xA;
	s2 =	sadd.s32 s3, s2  }
0x8d: {  	s2 =	sadd.s32 s2, s16  }
0x8e: {  	[smem:$0x3FC2] =	sst s2  }
0x8f: {  	_ = 	snop  }
0x90: {  	(tm) =	ssettm $0x1  }
0x91: {  	s17 =	sld [smem:$0x3FFB];
	_ =	sdelay $0x3  }
0x92: {  	_ =	strace s17  }
0x93: {  	s2 =	sld [smem:$0x3FFC];
	_ =	sdelay $0x3  }
0x94: {  	_ =	strace s2  }
0x95: {  	s2 =	sld [smem:$0x3FFD];
	_ =	sdelay $0x3  }
0x96: {  	_ =	strace s2  }
0x97: {  	_ =	strace $0x8FFFFFFF  }
0x98: {  	s18 =	sld [smem:$0x3FDB];
	_ =	sdelay $0x1  }
0x99: {  	s19 =	simm.s32 $_scs_section_size  }
0x9a: {  	s4 =	simm.s32 $_size__tile_overlayer_lowered;
	s5 =	simm.s32 $_tile_overlayer_lowered  }
0x9b: {  	s22 =	simm.s32 $0x1BFF;
	s21 =	sshll.u32 s5, $0x1;
	s2 =	sadd.s32 s19, s18  }
0x9c: {  	s6 =	simm.s32 $0x0;
	s20 =	sshll.u32 s4, $0x1;
	s4 =	sadd.s32 s21, s2  }
0x9d: {  	[timem:s6], [sflag:s22] =	dma.local [hbm:s4], s20  }
0x9e: {  	_ =	swait.ge [sflag:s22], s20  }
0x9f: {  	s3 =	ssub.s32 $0x0, s20;
	[sflag:s22] =	ssyncset.done $0x0  }
0xa0: {  	[sflag:s22] =	ssyncadd.s32 s3;
	_ =	sdelay $0x1  }
0xa1: {  	s23 =	simm.s32 $0x1B8B  }
0xa2: {  	_ =	swait.ge [sflag:s23], $0x1  }
0xa3: {  	[sflag:s23] =	ssyncset.done $0x0  }
0xa4: {  	s25 =	simm.s32 $0x1B8E;
	s24 =	sld [smem:$0x3FFE];
	[sflag:s23] =	ssyncadd.s32 $0xFFFFFFFF  }
0xa5: {  	s26 =	simm.s32 $execute0_lowered;
	[smem:$0x3FD2] =	sst s25  }
0xa6: {  	s4 =	sshll.u32 s26, $0x1;
	_ =	strace $0x80000049;
	[dreg:$0x1] =	wrdreg $0xFFFFFFFF  }
0xa7: {  	s28 =	simm.s32 $_size_execute0_lowered;
	s2 =	sadd.s32 s2, s4;
	[dreg:$0x0] =	wrdreg $0x0  }
0xa8: {  	s4 =	sshll.u32 s28, $0x1;
	[dreg:$0x2] =	wrdreg s2  }
0xa9: {  	[dreg:$0x3] =	wrdreg s4  }
0xaa: {  	[dreg:$0x4] =	wrdreg $0xC0  }
0xab: {  	_ =	task [dreg:s6], $0x5FFFF  }
0xac: {  	[dreg:$0x1] =	wrdreg $0xFFFFFFFF  }
0xad: {  	[dreg:$0x0] =	wrdreg $0x60  }
0xae: {  	[dreg:$0x2] =	wrdreg s24  }
0xaf: {  	[dreg:$0x3] =	wrdreg $0x90000  }
0xb0: {  	[dreg:$0x4] =	wrdreg $0x9  }
0xb1: {  	_ =	task.clear_ibuf [dreg:s6], $0x5FFFF;
	_ =	strace $0x90000049  }
0xb2: {  	s29 =	simm.s32 $0x9;
	_ =	strace $0x8000004B  }
0xb3: {  	_ =	swait.ge [sflag:s29], $0x1  }
0xb4: {  	[sflag:s29] =	ssyncadd.s32 $0xFFFFFFFF  }
0xb5: {  	_ =	strace $0x9000004B  }
0xb6: {  	_ =	sfence  }
0xb7: {  	s30 =	sld [smem:$0x0];
	_ =	sdelay $0x2  }
0xb8: {  	s31 =	sshll.u32 s1, $0xD;
	s1 =	sshrl.u32 s1, $0x2  }
0xb9: {  	s3 =	sand.u32 $0x4000, s31;
	s1 =	sadd.s32 s1, s30  }
0xba: {  	s0 =	sor.u32 s3, s0;
	s1 =	sshll.u32 s1, $0x11  }
0xbb: {  	s0 =	sor.u32 s1, s0  }
0xbc: {  	s0 =	sadd.s32 $0x8F2B, s0  }
0xbd: {  	[sflag:s0] =	ssyncadd.remote.s32 $0x1  }
0xbe: {  	_ =	sfence.sel $0xFFFF  }
0xbf: {  	[dreg:$0x0] =	wrdreg $0xFFFFFFFF;
	(pc) =	sbr.abs _section_cstart, $3  }
0xc0: {  	[dreg:$0x1] =	wrdreg $0xFFFFFFFF  }
0xc1: {  	_ =	task.clear_ibuf [dreg:s6], $0x2FFFF;
	_ =	strace $0x9FFFFFFF  }
0xc2: {  	(tm) =	ssettm $0x7FFFFFFF  }
0xc3: {  	_ =	shalt  }
tec
execute0_lowered:
.L_overlay_start_1:
0x0: {  	(tag) =	ssettag $0x1  }
0x1: {  	s6 =	rddreg [dreg:$0x0]  }
0x2: {  	s0 =	srdreg.scid;
	s1 =	rddreg [dreg:$0x1];
	s12 =	simm.s32 $0x5  }
0x3: {  	s24 =	simm.s32 $0x100;
	s25 =	simm.s32 $0x880;
	s16 =	simm.s32 $0x980  }
0x4: {  	s28 =	simm.s32 $0xC00;
	s29 =	simm.s32 $0x500;
	s30 =	simm.s32 $0xC80  }
0x5: {  	s31 =	simm.s32 $0x580;
	s5 =	sand.u32 $0x1, s0;
	s0 =	stileid.u32  }
0x6: {  	s17 =	sadd.s32 $0x17A00, s6;
	s10 =	sadd.s32 $0x66000, s6;
	s14 =	sadd.s32 $0x68800, s6  }
0x7: {  	s15 =	sadd.s32 $0x8FA00, s6;
	s2 =	sshll.u32 s5, $0x4;
	s9 =	smul.u32 $0x50000, s0  }
0x8: {  	s4 =	sshll.u32 s5, $0x6;
	s8 =	sshll.u32 s0, $0x2;
	s21 =	smul.u32 $0x4E000, s0  }
0x9: {  	s18 =	ssub.s32 $0x2, s5;
	s13 =	sshll.u32 s0, $0x6;
	s23 =	smul.u32 $0x2700, s0  }
0xa: {  	p1 =	sne.s32 s0, $0x0;
	s3 =	sor.u32 s0, s2;
	s2 =	simm.s32 $0x0  }
0xb: {  	p3 =	seq.s32 s0, $0x0;
	s11 =	sshrl.u32 s18, $0x1;
	[smem:$0x7FF] =	sst s2  }
0xc: {  	s0 =	simm.s32 $0xD00;
	_ =	strace $0x8000004A;
	[dreg:$0x11] =	wrdreg s17  }
0xd: {  	s7 =	smin.u32 s3, $0x1C;
	s9 =	sshrl.u32 s9, $0x2;
	[dreg:$0x12] =	wrdreg s10  }
0xe: {  	s20 =	sshll.u32 s3, $0x2;
	p0 =	slt.u32 s3, $0x1C;
	[dreg:$0x4] =	wrdreg s24  }
0xf: {  	s22 =	sshrl.u32 s21, $0x2;
	s26 =	sadd.s32 s14, s23;
	[dreg:$0x13] =	wrdreg s14  }
0x10: {  	s21 =	simm.s32 $0x300;
	p2 =	sne.s32 s3, $0x1F;
	[dreg:$0x19] =	wrdreg s26  }
0x11: {  	s3 =	simm.s32 $0xE80;
	s4 =	sor.u32 s4, s7;
	[dreg:$0x5] =	wrdreg s25  }
0x12: {  	s10 =	ssub.s32 s18, s11;
	s19 =	sadd.s32 s9, s1;
	[dreg:$0x14] =	wrdreg s15  }
0x13: {  	s7 =	sadd.s32 s7, s20;
	s12 =	simm.s32 @!p0 $0x4;
	[dreg:$0x9] =	wrdreg s16  }
0x14: {  	s9 =	sor.u32 $0x1C03, s13;
	p0 =	seq.s32 s5, $0x1;
	[dreg:$0xc] =	wrdreg s21  }
0x15: {  	s5 =	sadd.s32 s22, s1;
	s13 =	simm.s32 $0x900;
	[dreg:$0x15] =	wrdreg s7  }
0x16: {  	s14 =	simm.s32 $0x200;
	s18 =	simm.s32 $0x280;
	[dreg:$0x18] =	wrdreg s5  }
0x17: {  	s20 =	simm.s32 $0xA00;
	s22 =	simm.s32 $0xA80;
	[dreg:$0x7] =	wrdreg s13  }
0x18: {  	s24 =	simm.s32 $0xB00;
	s21 =	simm.s32 $0x5000;
	[dreg:$0x8] =	wrdreg s14  }
0x19: {  	s25 =	simm.s32 $0x400;
	s11 =	simm.s32 $0xF80;
	[dreg:$0xa] =	wrdreg s18  }
0x1a: {  	s16 =	simm.s32 $0x0;
	s4 =	sadd.s32 s8, s4;
	[dreg:$0xb] =	wrdreg s20  }
0x1b: {  	s7 =	sadd.s32 s12, s7;
	s12 =	sadd.s32 $0x138000, s1;
	[dreg:$0xd] =	wrdreg s22  }
0x1c: {  	s19 =	sshrl.u32 s19, $0x3;
	s18 =	simm.s32 $0x800;
	[dreg:$0xf] =	wrdreg s24  }
0x1d: {  	s20 =	simm.s32 $0x1000;
	[dreg:$0x10] =	wrdreg s25;
	s22 =	simm.s32 $0x1  }
0x1e: {  	s24 =	simm.s32 $0xB80;
	s25 =	simm.s32 $0x600;
	[dreg:$0x16] =	wrdreg s9  }
0x1f: {  	s13 =	simm.s32 $0x700;
	s5 =	simm.s32 $0x780;
	[dreg:$0x3] =	wrdreg s7  }
0x20: {  	s4 =	sshll.u32 s4, $0x8;
	s7 =	simm.s32 $0x180;
	[dreg:$0x1d] =	wrdreg s19  }
0x21: {  	s19 =	simm.s32 $0x80;
	s26 =	sshrl.u32 s12, $0x3;
	s12 =	simm.s32 $0x680  }
0x22: {  	s8 =	sadd.s32 s4, s6;
	s4 =	sadd.s32 $0x17C00, s6;
	[dreg:$0x6] =	wrdreg s7  }
0x23: {  	s6 =	sadd.s32 $0x17A40, s6;
	[dreg:$0x1e] =	wrdreg s26;
	s26 =	simm.s32 $0x480  }
.Ltmp0:
0x24: {  	[dreg:$0x17] =	wrdreg s6;
	s6 =	sadd.s32 s15, s23;
	(pc) =	sbr.rel .LBB2_1-.Ltmp0, $4  }
0x25: {  	s7 =	simm.s32 $0xE00;
	s15 =	smax.u32 s10, $0x1;
	[dreg:$0x1a] =	wrdreg s6  }
0x26: {  	s17 =	sadd.s32 $0x4000, s8;
	s23 =	simm.s32 $0x380;
	[dreg:$0x1b] =	wrdreg s15  }
0x27: {  	s10 =	simm.s32 $0xF00;
	[dreg:$0x1c] =	wrdreg s17;
	s17 =	simm.s32 $0x3  }
0x28: {  	[dreg:$0xe] =	wrdreg s23;
	s23 =	simm.s32 $0x2;
	s6 =	simm.s32 $0xD80  }
.LBB2_6:
0x29: {  	s8 =	sadd.s32 $0x27000, s15;
	s14 =	rddreg [dreg:$0x1e]  }
0x2a: {  	[hbm:s8], [sflag:s9] =	dma.local [spmem:s14], $0x100  }
0x2b: {  	_ =	swait.ge [sflag:s17], $0x100  }
0x2c: {  	[sflag:s17] =	ssyncset.done $0x0  }
0x2d: {  	[sflag:s17] =	ssyncadd.s32 $0xFFFFFF00  }
.LBB2_7:
0x2e: {  	s16 =	sadd.s32 $0x1, s16;
	s8 =	rddreg [dreg:$0x1b]  }
0x2f: {  	p4 =	sne.s32 s16, s8  }
.Ltmp1:
0x30: {  	_ = 	snop;
	(pc) =	sbr.rel @!p4 .LBB2_8-.Ltmp1, $1  }
0x31: {  	_ =	sdelay $0x3  }
.LBB2_1:
0x32: {  	[dreg:$0x1f] =	wrdreg s16  }
0x33: {  	s8 =	rddreg [dreg:$0x12]  }
0x34: {  	s14 =	rddreg [dreg:$0x1d]  }
0x35: {  	[spmem:s14], [sflag:s9] =	dma.local [hbm:s8], $0x2800  }
0x36: {  	_ =	swait.ge [sflag:s17], $0x2800  }
0x37: {  	[sflag:s17] =	ssyncset.done $0x0  }
0x38: {  	[sflag:s17] =	ssyncadd.s32 $0xFFFFD800  }
0x39: {  	[bflag:$0x0] =	sbarrier.arrive $0xFFFF  }
0x3a: {  	s15 =	rddreg [dreg:$0x1c]  }
0x3b: {  	s16 =	rddreg [dreg:$0x15]  }
.LBB2_2:
0x3c: {  	[tilespmem:s2], [sflag:$0x3] =	stream.linear.gather [hbm4b:s15+s2], $0x800, $0x38;
	[tilespmem:$0x1D000] =	vst v63  }
0x3d: {  	_ =	swait.ge [sflag:s17], $0x800  }
0x3e: {  	[sflag:s17] =	ssyncset.done $0x0  }
0x3f: {  	s14 =	sadd.s32 $0x9C80, s15;
	[sflag:s17] =	ssyncadd.s32 $0xFFFFF800  }
0x40: {  	[tilespmem:s18], [sflag:$0x3] =	stream.linear.gather [hbm4b:s14+s2], $0x800, $0x38;
	[tilespmem:$0x1D000] =	vst v63  }
0x41: {  	_ =	swait.ge [sflag:s17], $0x800  }
0x42: {  	[sflag:s17] =	ssyncset.done $0x0  }
0x43: {  	[sflag:s17] =	ssyncadd.s32 $0xFFFFF800  }
0x44: {  	[tilespmem:s20], [sflag:$0x1] =	stream.indirect.gather [hbm4b:s4+s19], $0x80, s2, s19, $0xb8;
	[tilespmem:$0x1D000] =	vst v63  }
0x45: {  	_ = 	snop  }
0x46: {  	[tilespmem:s21], [sflag:$0x2] =	stream.indirect.gather [hbm4b:s4+s19], $0x80, s19, s19, $0xb8;
	[tilespmem:$0x1D000] =	vst v63  }
0x47: {  	_ =	swait.ge [sflag:s22], $0x4000  }
0x48: {  	[sflag:s22] =	ssyncset.done $0x0  }
0x49: {  	[sflag:s22] =	ssyncadd.s32 $0xFFFFC000  }
0x4a: {  	[spmem:s1] =	stream.indirect.scatter.add.f32 [tilespmem:s20], [sflag:$0x3], $0x80, s18, s19, $0xb8;
	[tilespmem:$0x1D000] =	vst v63  }
0x4b: {  	_ =	swait.ge [sflag:s17], $0x4000  }
0x4c: {  	[sflag:s17] =	ssyncset.done $0x0  }
0x4d: {  	s8 =	rddreg [dreg:$0x4];
	[sflag:s17] =	ssyncadd.s32 $0xFFFFC000  }
0x4e: {  	[tilespmem:s20], [sflag:$0x1] =	stream.indirect.gather [hbm4b:s4+s19], $0x80, s8, s19, $0xb8;
	[tilespmem:$0x1D000] =	vst v63  }
0x4f: {  	_ =	swait.ge [sflag:s23], $0x4000  }
0x50: {  	[sflag:s23] =	ssyncset.done $0x0  }
0x51: {  	s9 =	rddreg [dreg:$0x5];
	[sflag:s23] =	ssyncadd.s32 $0xFFFFC000  }
0x52: {  	[spmem:s1] =	stream.indirect.scatter.add.f32 [tilespmem:s21], [sflag:$0x3], $0x80, s9, s19, $0xb8;
	[tilespmem:$0x1D000] =	vst v63  }
0x53: {  	_ =	swait.ge [sflag:s17], $0x4000  }
0x54: {  	[sflag:s17] =	ssyncset.done $0x0  }
0x55: {  	s8 =	rddreg [dreg:$0x6];
	[sflag:s17] =	ssyncadd.s32 $0xFFFFC000  }
0x56: {  	[tilespmem:s21], [sflag:$0x2] =	stream.indirect.gather [hbm4b:s4+s19], $0x80, s8, s19, $0xb8;
	[tilespmem:$0x1D000] =	vst v63  }
0x57: {  	_ =	swait.ge [sflag:s22], $0x4000  }
0x58: {  	[sflag:s22] =	ssyncset.done $0x0  }
0x59: {  	s9 =	rddreg [dreg:$0x7];
	[sflag:s22] =	ssyncadd.s32 $0xFFFFC000  }
0x5a: {  	[spmem:s1] =	stream.indirect.scatter.add.f32 [tilespmem:s20], [sflag:$0x3], $0x80, s9, s19, $0xb8;
	[tilespmem:$0x1D000] =	vst v63  }
0x5b: {  	_ =	swait.ge [sflag:s17], $0x4000  }
0x5c: {  	[sflag:s17] =	ssyncset.done $0x0  }
0x5d: {  	s8 =	rddreg [dreg:$0x8];
	[sflag:s17] =	ssyncadd.s32 $0xFFFFC000  }
0x5e: {  	[tilespmem:s20], [sflag:$0x1] =	stream.indirect.gather [hbm4b:s4+s19], $0x80, s8, s19, $0xb8;
	[tilespmem:$0x1D000] =	vst v63  }
0x5f: {  	_ =	swait.ge [sflag:s23], $0x4000  }
0x60: {  	[sflag:s23] =	ssyncset.done $0x0  }
0x61: {  	s9 =	rddreg [dreg:$0x9];
	[sflag:s23] =	ssyncadd.s32 $0xFFFFC000  }
0x62: {  	[spmem:s1] =	stream.indirect.scatter.add.f32 [tilespmem:s21], [sflag:$0x3], $0x80, s9, s19, $0xb8;
	[tilespmem:$0x1D000] =	vst v63  }
0x63: {  	_ =	swait.ge [sflag:s17], $0x4000  }
0x64: {  	[sflag:s17] =	ssyncset.done $0x0  }
0x65: {  	s8 =	rddreg [dreg:$0xa];
	[sflag:s17] =	ssyncadd.s32 $0xFFFFC000  }
0x66: {  	[tilespmem:s21], [sflag:$0x2] =	stream.indirect.gather [hbm4b:s4+s19], $0x80, s8, s19, $0xb8;
	[tilespmem:$0x1D000] =	vst v63  }
0x67: {  	_ =	swait.ge [sflag:s22], $0x4000  }
0x68: {  	[sflag:s22] =	ssyncset.done $0x0  }
0x69: {  	s9 =	rddreg [dreg:$0xb];
	[sflag:s22] =	ssyncadd.s32 $0xFFFFC000  }
0x6a: {  	[spmem:s1] =	stream.indirect.scatter.add.f32 [tilespmem:s20], [sflag:$0x3], $0x80, s9, s19, $0xb8;
	[tilespmem:$0x1D000] =	vst v63  }
0x6b: {  	_ =	swait.ge [sflag:s17], $0x4000  }
0x6c: {  	[sflag:s17] =	ssyncset.done $0x0  }
0x6d: {  	s8 =	rddreg [dreg:$0xc];
	[sflag:s17] =	ssyncadd.s32 $0xFFFFC000  }
0x6e: {  	[tilespmem:s20], [sflag:$0x1] =	stream.indirect.gather [hbm4b:s4+s19], $0x80, s8, s19, $0xb8;
	[tilespmem:$0x1D000] =	vst v63  }
0x6f: {  	_ =	swait.ge [sflag:s23], $0x4000  }
0x70: {  	[sflag:s23] =	ssyncset.done $0x0  }
0x71: {  	s9 =	rddreg [dreg:$0xd];
	[sflag:s23] =	ssyncadd.s32 $0xFFFFC000  }
0x72: {  	[spmem:s1] =	stream.indirect.scatter.add.f32 [tilespmem:s21], [sflag:$0x3], $0x80, s9, s19, $0xb8;
	[tilespmem:$0x1D000] =	vst v63  }
0x73: {  	_ =	swait.ge [sflag:s17], $0x4000  }
0x74: {  	[sflag:s17] =	ssyncset.done $0x0  }
0x75: {  	s8 =	rddreg [dreg:$0xe];
	[sflag:s17] =	ssyncadd.s32 $0xFFFFC000  }
0x76: {  	[tilespmem:s21], [sflag:$0x2] =	stream.indirect.gather [hbm4b:s4+s19], $0x80, s8, s19, $0xb8;
	[tilespmem:$0x1D000] =	vst v63  }
0x77: {  	_ =	swait.ge [sflag:s22], $0x4000  }
0x78: {  	[sflag:s22] =	ssyncset.done $0x0  }
0x79: {  	s9 =	rddreg [dreg:$0xf];
	[sflag:s22] =	ssyncadd.s32 $0xFFFFC000  }
0x7a: {  	[spmem:s1] =	stream.indirect.scatter.add.f32 [tilespmem:s20], [sflag:$0x3], $0x80, s9, s19, $0xb8;
	[tilespmem:$0x1D000] =	vst v63  }
0x7b: {  	_ =	swait.ge [sflag:s17], $0x4000  }
0x7c: {  	[sflag:s17] =	ssyncset.done $0x0  }
0x7d: {  	s8 =	rddreg [dreg:$0x10];
	[sflag:s17] =	ssyncadd.s32 $0xFFFFC000  }
0x7e: {  	[tilespmem:s20], [sflag:$0x1] =	stream.indirect.gather [hbm4b:s4+s19], $0x80, s8, s19, $0xb8;
	[tilespmem:$0x1D000] =	vst v63  }
0x7f: {  	_ =	swait.ge [sflag:s23], $0x4000  }
0x80: {  	[sflag:s23] =	ssyncset.done $0x0  }
0x81: {  	[sflag:s23] =	ssyncadd.s32 $0xFFFFC000  }
0x82: {  	[spmem:s1] =	stream.indirect.scatter.add.f32 [tilespmem:s21], [sflag:$0x3], $0x80, s24, s19, $0xb8;
	[tilespmem:$0x1D000] =	vst v63  }
0x83: {  	_ =	swait.ge [sflag:s17], $0x4000  }
0x84: {  	[sflag:s17] =	ssyncset.done $0x0  }
0x85: {  	[sflag:s17] =	ssyncadd.s32 $0xFFFFC000  }
0x86: {  	[tilespmem:s21], [sflag:$0x2] =	stream.indirect.gather [hbm4b:s4+s19], $0x80, s26, s19, $0xb8;
	[tilespmem:$0x1D000] =	vst v63  }
0x87: {  	_ =	swait.ge [sflag:s22], $0x4000  }
0x88: {  	[sflag:s22] =	ssyncset.done $0x0  }
0x89: {  	[sflag:s22] =	ssyncadd.s32 $0xFFFFC000  }
0x8a: {  	[spmem:s1] =	stream.indirect.scatter.add.f32 [tilespmem:s20], [sflag:$0x3], $0x80, s28, s19, $0xb8;
	[tilespmem:$0x1D000] =	vst v63  }
0x8b: {  	_ =	swait.ge [sflag:s17], $0x4000  }
0x8c: {  	[sflag:s17] =	ssyncset.done $0x0  }
0x8d: {  	[sflag:s17] =	ssyncadd.s32 $0xFFFFC000  }
0x8e: {  	[tilespmem:s20], [sflag:$0x1] =	stream.indirect.gather [hbm4b:s4+s19], $0x80, s29, s19, $0xb8;
	[tilespmem:$0x1D000] =	vst v63  }
0x8f: {  	_ =	swait.ge [sflag:s23], $0x4000  }
0x90: {  	[sflag:s23] =	ssyncset.done $0x0  }
0x91: {  	[sflag:s23] =	ssyncadd.s32 $0xFFFFC000  }
0x92: {  	[spmem:s1] =	stream.indirect.scatter.add.f32 [tilespmem:s21], [sflag:$0x3], $0x80, s30, s19, $0xb8;
	[tilespmem:$0x1D000] =	vst v63  }
0x93: {  	_ =	swait.ge [sflag:s17], $0x4000  }
0x94: {  	[sflag:s17] =	ssyncset.done $0x0  }
0x95: {  	[sflag:s17] =	ssyncadd.s32 $0xFFFFC000  }
0x96: {  	[tilespmem:s21], [sflag:$0x2] =	stream.indirect.gather [hbm4b:s4+s19], $0x80, s31, s19, $0xb8;
	[tilespmem:$0x1D000] =	vst v63  }
0x97: {  	_ =	swait.ge [sflag:s22], $0x4000  }
0x98: {  	[sflag:s22] =	ssyncset.done $0x0  }
0x99: {  	[sflag:s22] =	ssyncadd.s32 $0xFFFFC000  }
0x9a: {  	[spmem:s1] =	stream.indirect.scatter.add.f32 [tilespmem:s20], [sflag:$0x3], $0x80, s0, s19, $0xb8;
	[tilespmem:$0x1D000] =	vst v63  }
0x9b: {  	_ =	swait.ge [sflag:s17], $0x4000  }
0x9c: {  	[sflag:s17] =	ssyncset.done $0x0  }
0x9d: {  	[sflag:s17] =	ssyncadd.s32 $0xFFFFC000  }
0x9e: {  	[tilespmem:s20], [sflag:$0x1] =	stream.indirect.gather [hbm4b:s4+s19], $0x80, s25, s19, $0xb8;
	[tilespmem:$0x1D000] =	vst v63  }
0x9f: {  	_ =	swait.ge [sflag:s23], $0x4000  }
0xa0: {  	[sflag:s23] =	ssyncset.done $0x0  }
0xa1: {  	[sflag:s23] =	ssyncadd.s32 $0xFFFFC000  }
0xa2: {  	[spmem:s1] =	stream.indirect.scatter.add.f32 [tilespmem:s21], [sflag:$0x3], $0x80, s6, s19, $0xb8;
	[tilespmem:$0x1D000] =	vst v63  }
0xa3: {  	_ =	swait.ge [sflag:s17], $0x4000  }
0xa4: {  	[sflag:s17] =	ssyncset.done $0x0  }
0xa5: {  	[sflag:s17] =	ssyncadd.s32 $0xFFFFC000  }
0xa6: {  	[tilespmem:s21], [sflag:$0x2] =	stream.indirect.gather [hbm4b:s4+s19], $0x80, s12, s19, $0xb8;
	[tilespmem:$0x1D000] =	vst v63  }
0xa7: {  	_ =	swait.ge [sflag:s22], $0x4000  }
0xa8: {  	[sflag:s22] =	ssyncset.done $0x0  }
0xa9: {  	[sflag:s22] =	ssyncadd.s32 $0xFFFFC000  }
0xaa: {  	[spmem:s1] =	stream.indirect.scatter.add.f32 [tilespmem:s20], [sflag:$0x3], $0x80, s7, s19, $0xb8;
	[tilespmem:$0x1D000] =	vst v63  }
0xab: {  	_ =	swait.ge [sflag:s17], $0x4000  }
0xac: {  	[sflag:s17] =	ssyncset.done $0x0  }
0xad: {  	[sflag:s17] =	ssyncadd.s32 $0xFFFFC000  }
0xae: {  	[tilespmem:s20], [sflag:$0x1] =	stream.indirect.gather [hbm4b:s4+s19], $0x80, s13, s19, $0xb8;
	[tilespmem:$0x1D000] =	vst v63  }
0xaf: {  	_ =	swait.ge [sflag:s23], $0x4000  }
0xb0: {  	[sflag:s23] =	ssyncset.done $0x0  }
0xb1: {  	[sflag:s23] =	ssyncadd.s32 $0xFFFFC000  }
0xb2: {  	[spmem:s1] =	stream.indirect.scatter.add.f32 [tilespmem:s21], [sflag:$0x3], $0x80, s3, s19, $0xb8;
	[tilespmem:$0x1D000] =	vst v63  }
0xb3: {  	_ =	swait.ge [sflag:s17], $0x4000  }
0xb4: {  	[sflag:s17] =	ssyncset.done $0x0  }
0xb5: {  	[sflag:s17] =	ssyncadd.s32 $0xFFFFC000  }
0xb6: {  	[tilespmem:s21], [sflag:$0x2] =	stream.indirect.gather [hbm4b:s4+s19], $0x80, s5, s19, $0xb8;
	[tilespmem:$0x1D000] =	vst v63  }
0xb7: {  	_ =	swait.ge [sflag:s22], $0x4000  }
0xb8: {  	[sflag:s22] =	ssyncset.done $0x0  }
0xb9: {  	[sflag:s22] =	ssyncadd.s32 $0xFFFFC000  }
0xba: {  	[spmem:s1] =	stream.indirect.scatter.add.f32 [tilespmem:s20], [sflag:$0x3], $0x80, s10, s19, $0xb8;
	[tilespmem:$0x1D000] =	vst v63  }
0xbb: {  	_ =	swait.ge [sflag:s17], $0x4000  }
0xbc: {  	[sflag:s17] =	ssyncset.done $0x0  }
0xbd: {  	[sflag:s17] =	ssyncadd.s32 $0xFFFFC000  }
0xbe: {  	_ =	swait.ge [sflag:s23], $0x4000  }
0xbf: {  	[sflag:s23] =	ssyncset.done $0x0  }
0xc0: {  	[sflag:s23] =	ssyncadd.s32 $0xFFFFC000  }
0xc1: {  	[spmem:s1] =	stream.indirect.scatter.add.f32 [tilespmem:s21], [sflag:$0x3], $0x80, s11, s19, $0xb8;
	[tilespmem:$0x1D000] =	vst v63  }
0xc2: {  	_ =	swait.ge [sflag:s17], $0x4000  }
0xc3: {  	s16 =	sadd.s32 $0x1, s16;
	s9 =	rddreg [dreg:$0x3]  }
0xc4: {  	p4 =	slt.u32 s16, s9  }
.Ltmp2:
0xc5: {  	_ = 	snop;
	(pc) =	sbr.rel @p4 .LBB2_2-.Ltmp2, $3  }
0xc6: {  	_ =	sdelay $0x1  }
0xc7: {  	[sflag:s17] =	ssyncset.done $0x0  }
0xc8: {  	s15 =	sadd.s32 $0x100, s15;
	[sflag:s17] =	ssyncadd.s32 $0xFFFFC000  }
0xc9: {  	s14 =	simm.s32 @!p2 $0x0;
	s8 =	rddreg [dreg:$0x11];
	s15 =	simm.s32 @!p2 $0x3  }
0xca: {  	[tilespmem:s14], [sflag:$0x3] =	stream.linear.gather @!p2 [hbm4b:s8+s14], $0x200, $0x38;
	[tilespmem:$0x1D000] =	vst v63  }
0xcb: {  	_ =	swait.ge @!p2 [sflag:s15], $0x200  }
0xcc: {  	[sflag:s15] =	ssyncset.done @!p2 $0x0  }
0xcd: {  	s16 =	simm.s32 @!p2 $0x800;
	s8 =	rddreg [dreg:$0x17];
	[sflag:s15] =	ssyncadd.s32 @!p2 $0xFFFFFE00  }
0xce: {  	[tilespmem:s16], [sflag:$0x3] =	stream.linear.gather @!p2 [hbm4b:s8+s14], $0x200, $0x38;
	[tilespmem:$0x1D000] =	vst v63  }
0xcf: {  	_ =	swait.ge @!p2 [sflag:s15], $0x200  }
0xd0: {  	[sflag:s15] =	ssyncset.done @!p2 $0x0  }
0xd1: {  	s9 =	simm.s32 @!p2 $0x80;
	s8 =	simm.s32 @!p2 $0x1000;
	[sflag:s15] =	ssyncadd.s32 @!p2 $0xFFFFFE00  }
0xd2: {  	[tilespmem:s8], [sflag:$0x1] =	stream.indirect.gather @!p2 [hbm4b:s4+s9], $0x80, s14, s9, $0xb8;
	[tilespmem:$0x1D000] =	vst v63  }
0xd3: {  	s14 =	simm.s32 @!p2 $0x1  }
0xd4: {  	_ =	swait.ge @!p2 [sflag:s14], $0x4000  }
0xd5: {  	[sflag:s14] =	ssyncset.done @!p2 $0x0  }
0xd6: {  	[sflag:s14] =	ssyncadd.s32 @!p2 $0xFFFFC000  }
0xd7: {  	[spmem:s1] =	stream.indirect.scatter.add.f32 @!p2 [tilespmem:s8], [sflag:$0x3], $0x80, s16, s9, $0xb8;
	[tilespmem:$0x1D000] =	vst v63  }
0xd8: {  	_ =	swait.ge @!p2 [sflag:s15], $0x4000  }
0xd9: {  	[sflag:s15] =	ssyncset.done @!p2 $0x0  }
0xda: {  	[sflag:s15] =	ssyncadd.s32 @!p2 $0xFFFFC000  }
0xdb: {  	[tilespmem:s8], [sflag:$0x1] =	stream.indirect.gather @!p2 [hbm4b:s4+s9], $0x80, s9, s9, $0xb8;
	[tilespmem:$0x1D000] =	vst v63  }
0xdc: {  	_ =	swait.ge @!p2 [sflag:s14], $0x4000  }
0xdd: {  	[sflag:s14] =	ssyncset.done @!p2 $0x0  }
0xde: {  	s16 =	simm.s32 @!p2 $0x880;
	[sflag:s14] =	ssyncadd.s32 @!p2 $0xFFFFC000  }
0xdf: {  	[spmem:s1] =	stream.indirect.scatter.add.f32 @!p2 [tilespmem:s8], [sflag:$0x3], $0x80, s16, s9, $0xb8;
	[tilespmem:$0x1D000] =	vst v63  }
0xe0: {  	_ =	swait.ge @!p2 [sflag:s15], $0x4000  }
0xe1: {  	[sflag:s15] =	ssyncset.done @!p2 $0x0  }
0xe2: {  	s16 =	simm.s32 @!p2 $0x100;
	[sflag:s15] =	ssyncadd.s32 @!p2 $0xFFFFC000  }
0xe3: {  	[tilespmem:s8], [sflag:$0x1] =	stream.indirect.gather @!p2 [hbm4b:s4+s9], $0x80, s16, s9, $0xb8;
	[tilespmem:$0x1D000] =	vst v63  }
0xe4: {  	_ =	swait.ge @!p2 [sflag:s14], $0x4000  }
0xe5: {  	[sflag:s14] =	ssyncset.done @!p2 $0x0  }
0xe6: {  	s16 =	simm.s32 @!p2 $0x900;
	[sflag:s14] =	ssyncadd.s32 @!p2 $0xFFFFC000  }
0xe7: {  	[spmem:s1] =	stream.indirect.scatter.add.f32 @!p2 [tilespmem:s8], [sflag:$0x3], $0x80, s16, s9, $0xb8;
	[tilespmem:$0x1D000] =	vst v63  }
0xe8: {  	_ =	swait.ge @!p2 [sflag:s15], $0x4000  }
0xe9: {  	[sflag:s15] =	ssyncset.done @!p2 $0x0  }
0xea: {  	s16 =	simm.s32 @!p2 $0x180;
	[sflag:s15] =	ssyncadd.s32 @!p2 $0xFFFFC000  }
0xeb: {  	[tilespmem:s8], [sflag:$0x1] =	stream.indirect.gather @!p2 [hbm4b:s4+s9], $0x80, s16, s9, $0xb8;
	[tilespmem:$0x1D000] =	vst v63  }
0xec: {  	_ =	swait.ge @!p2 [sflag:s14], $0x4000  }
0xed: {  	[sflag:s14] =	ssyncset.done @!p2 $0x0  }
0xee: {  	[sflag:s14] =	ssyncadd.s32 @!p2 $0xFFFFC000;
	s14 =	simm.s32 @!p2 $0x980  }
0xef: {  	[spmem:s1] =	stream.indirect.scatter.add.f32 @!p2 [tilespmem:s8], [sflag:$0x3], $0x80, s14, s9, $0xb8;
	[tilespmem:$0x1D000] =	vst v63  }
0xf0: {  	_ =	swait.ge @!p2 [sflag:s15], $0x4000  }
.Ltmp3:
0xf1: {  	[sflag:s15] =	ssyncset.done @!p2 $0x0;
	(pc) =	sbr.rel @!p0 .LBB2_4-.Ltmp3, $4  }
0xf2: {  	[sflag:s15] =	ssyncadd.s32 @!p2 $0xFFFFC000  }
0xf3: {  	[bflag:$0x0] =	sbarrier.arrive $0xFFFF  }
0xf4: {  	s16 =	rddreg [dreg:$0x18]  }
0xf5: {  	s15 =	sshrl.u32 s16, $0x3  }
0xf6: {  	s9 =	rddreg [dreg:$0x16]  }
0xf7: {  	s8 =	rddreg [dreg:$0x1a]  }
0xf8: {  	[hbm:s8], [sflag:s9] =	dma.local [spmem:s15], $0x2700  }
.Ltmp4:
0xf9: {  	_ = 	snop;
	(pc) =	sbr.rel @p1 .LBB2_7-.Ltmp4, $4  }
.Ltmp5:
0xfa: {  	_ = 	snop;
	(pc) =	sbr.rel @!p1 .LBB2_6-.Ltmp5, $4  }
0xfb: {  	_ =	swait.ge [sflag:s17], $0x2700  }
0xfc: {  	[sflag:s17] =	ssyncset.done $0x0;
	s15 =	rddreg [dreg:$0x14]  }
0xfd: {  	s16 =	rddreg [dreg:$0x1f];
	[sflag:s17] =	ssyncadd.s32 $0xFFFFD900  }
0xfe: {  	_ = 	snop  }
.LBB2_4:
0xff: {  	s9 =	rddreg [dreg:$0x16]  }
0x100: {  	s8 =	rddreg [dreg:$0x19]  }
0x101: {  	[hbm:s8], [sflag:s9] =	dma.local [spmem:s15], $0x2700  }
.Ltmp6:
0x102: {  	_ = 	snop;
	(pc) =	sbr.rel @!p3 .LBB2_7-.Ltmp6, $4  }
.Ltmp7:
0x103: {  	_ = 	snop;
	(pc) =	sbr.rel @p3 .LBB2_6-.Ltmp7, $4  }
0x104: {  	_ =	swait.ge [sflag:s17], $0x2700  }
0x105: {  	[sflag:s17] =	ssyncset.done $0x0;
	s15 =	rddreg [dreg:$0x13]  }
0x106: {  	s16 =	rddreg [dreg:$0x1f];
	[sflag:s17] =	ssyncadd.s32 $0xFFFFD900  }
0x107: {  	_ = 	snop  }
.LBB2_8:
0x108: {  	_ =	sfence.sel $0x180000  }
0x109: {  	[bflag:$0x0] =	sbarrier.arrive $0xFFFF  }
0x10a: {  	_ =	strace $0x9000004A  }
0x10b: {  	[bflag:$0x2] =	sbarrier.arrive $0xFFFF  }
0x10c: {  	s0 =	rddreg [dreg:$0x2]  }
0x10d: {  	s0 =	sadd.s32 @!p1 $0x100000, s0  }
0x10e: {  	[sflag:s0] =	ssyncadd.tile.s32 @!p1 $0x1;
	_ =	shalt  }
.Lfunc_end2:
_tile_overlayer_lowered:
.L_overlay_start_2:
0x10f: {  	(tag) =	ssettag $0x2  }
0x110: {  	s0 =	rddreg [dreg:$0x0];
	s2 =	stileid.u32  }
0x111: {  	s1 =	rddreg [dreg:$0x1];
	p0 =	sne.s32 s2, $0x0  }
0x112: {  	s3 =	rddreg [dreg:$0x2];
	[bflag:$0x3] =	sbarrier.arrive $0xFFFF;
	s2 =	simm.s32 @!p0 $0x1C03  }
0x113: {  	[timem:s3], [sflag:s2] =	dma.local @!p0 [hbm:s0], s1  }
0x114: {  	s0 =	simm.s32 @!p0 $0x3  }
0x115: {  	_ =	swait.ge @!p0 [sflag:s0], s1  }
0x116: {  	s1 =	ssub.s32 @!p0 $0x0, s1;
	[sflag:s0] =	ssyncset.done @!p0 $0x0  }
0x117: {  	[sflag:s0] =	ssyncadd.s32 @!p0 s1  }
0x118: {  	[bflag:$0x3] =	sbarrier.arrive $0xFFFF  }
0x119: {  	_ =	shalt  }

// kernel: kernel.14.cloned.1.call-start
scs
__scs_entry_jumppad:
0x0: {  	(pc) =	sbr.rel $0x88, $3  }
0x1: {  	(tag) =	ssettag $0x0;
	lr =	simm.s32 $0x1  }
0x2: {  	[smem:$0x3F9B] =	sst lr;
	_ =	strace $0xD0000000  }
0x3: {  	_ = 	snop  }
0x4: {  	_ = 	snop  }
0x5: {  	_ = 	snop  }
0x6: {  	_ = 	snop  }
0x7: {  	_ = 	snop  }
__scs_overlays_trampoline_lowered:
0x8: {  	[smem:$0x3FAA] =	sst s0  }
0x9: {  	[smem:$0x3FAB] =	sst s1  }
0xa: {  	[smem:$0x3FAC] =	sst s2  }
0xb: {  	[smem:$0x3FAD] =	sst s3  }
0xc: {  	[smem:$0x3FAE] =	sst s4  }
0xd: {  	[smem:$0x3FAF] =	sst s5  }
0xe: {  	[smem:$0x3FB0] =	sst s6  }
0xf: {  	[smem:$0x3FB1] =	sst s7  }
0x10: {  	[smem:$0x3FB2] =	sst s8  }
0x11: {  	[smem:$0x3FB3] =	sst s9;
	s0 =	simm.s32 @!p0 $0x0  }
0x12: {  	s1 =	sld [smem:$0x3F99];
	s0 =	simm.s32 @p0 $0x1  }
0x13: {  	[smem:$0x3FB4] =	sst s0;
	s0 =	simm.s32 @!p1 $0x0  }
0x14: {  	s2 =	sld [smem:$0x3F98];
	s0 =	simm.s32 @p1 $0x1  }
0x15: {  	[smem:$0x3FB5] =	sst s0;
	s0 =	simm.s32 @!p2 $0x0  }
0x16: {  	s3 =	sld [smem:$0x3FDB];
	s0 =	simm.s32 @p2 $0x1  }
0x17: {  	s4 =	simm.s32 $0x1BF5;
	[smem:$0x3FB7] =	sst s0  }
0x18: {  	s0 =	sld [smem:$0x3F9A];
	_ =	swait.ge [sflag:s4], $0x0  }
0x19: {  	s7 =	sld [smem:$0x3F9B]  }
0x1a: {  	s8 =	sadd.s32 $0xFFFFE003, lr  }
0x1b: {  	s9 =	sadd.s32 $0xFFFFFEF7, lr;
	s5 =	simm.s32 $0xFFFFFFFF;
	p2 =	slt.u32 s8, $0xFFFFF086  }
0x1c: {  	p1 =	slt.u32 s9, $0xF7A;
	s5 =	simm.s32 @!p2 $0x0  }
0x1d: {  	s5 =	simm.s32 @p1 $0x1;
	p0 =	seq.s32 s7, s2  }
0x1e: {  	s7 =	smul.u32 @!p0 $0xF7A, s2;
	p2 =	seq.s32 @!p0 s5, $0x0  }
0x1f: {  	s9 =	smul.u32 $0xF7A, s1;
	s8 =	simm.s32 @!p0 $0x1BF5;
	p2 =	por !p2, p0  }
0x20: {  	[sflag:s8] =	ssyncset.s32 @!p0 $0xFFFFF086;
	s6 =	sadd.s32 @!p0 s3, s7;
	s7 =	simm.s32 @!p0 $0x108  }
0x21: {  	s3 =	sadd.s32 s3, s9;
	s6 =	sadd.s32 @!p0 $0x88, s6;
	s7 =	simm.s32 @p2 $0x1082  }
0x22: {  	[simem:s7], [sflag:s8] =	dma.local @!p0 [hbm:s6], $0xF7A  }
0x23: {  	s9 =	sor.u32 $0xD0000000, s2;
	s6 =	simm.s32 $0x108;
	_ =	swait.ge @!p0 [sflag:s8], $0x0  }
0x24: {  	s3 =	sadd.s32 $0x88, s3;
	s6 =	simm.s32 @!p1 $0x1082;
	[sflag:s4] =	ssyncset.s32 $0xFFFFF086  }
0x25: {  	[simem:s6], [sflag:s4] =	dma.local [hbm:s3], $0xF7A  }
0x26: {  	[smem:$0x3F9B] =	sst s1;
	(tag) =	ssettag s2;
	_ =	strace s9  }
0x27: {  	s1 =	sld [smem:$0x3FAB]  }
0x28: {  	s2 =	sld [smem:$0x3FAC]  }
0x29: {  	s4 =	sld [smem:$0x3FAE]  }
0x2a: {  	p0 =	seq.s32 s5, $0x0;
	s5 =	sld [smem:$0x3FAF]  }
0x2b: {  	s6 =	sld [smem:$0x3FB0]  }
0x2c: {  	s7 =	sld [smem:$0x3FB1]  }
0x2d: {  	s3 =	simm.s32 $0x108;
	s8 =	sld [smem:$0x3FB2]  }
0x2e: {  	s3 =	simm.s32 @!p0 $0x1082;
	s9 =	sld [smem:$0x3FB3]  }
0x2f: {  	lr =	sadd.s32 s0, s3;
	s0 =	sld [smem:$0x3FAA]  }
0x30: {  	s3 =	sld [smem:$0x3FAD]  }
0x31: {  	[smem:$0x3FB6] =	sst s10  }
0x32: {  	s10 =	sld [smem:$0x3FB4];
	_ =	sdelay $0x3  }
0x33: {  	p0 =	seq.s32 s10, $0x1;
	s10 =	sld [smem:$0x3FB6];
	_ =	sdelay $0x3  }
0x34: {  	[smem:$0x3FB6] =	sst s10  }
0x35: {  	s10 =	sld [smem:$0x3FB5];
	_ =	sdelay $0x3  }
0x36: {  	p1 =	seq.s32 s10, $0x1;
	s10 =	sld [smem:$0x3FB6];
	_ =	sdelay $0x3  }
0x37: {  	[smem:$0x3FB6] =	sst s10  }
0x38: {  	s10 =	sld [smem:$0x3FB7]  }
0x39: {  	_ = 	snop;
	(pc) =	sbr.ind lr, $3  }
0x3a: {  	_ = 	snop  }
0x3b: {  	_ = 	snop  }
0x3c: {  	p2 =	seq.s32 s10, $0x1;
	s10 =	sld [smem:$0x3FB6]  }
0x3d: {  	_ =	shalt  }
0x3e: {  	_ =	shalt  }
0x3f: {  	_ =	shalt  }
0x40: {  	_ =	shalt  }
0x41: {  	_ =	shalt  }
0x42: {  	_ =	shalt  }
0x43: {  	_ =	shalt  }
0x44: {  	_ =	shalt  }
0x45: {  	_ =	shalt  }
0x46: {  	_ =	shalt  }
0x47: {  	_ =	shalt  }
0x48: {  	_ =	shalt  }
0x49: {  	_ =	shalt  }
0x4a: {  	_ =	shalt  }
0x4b: {  	_ =	shalt  }
0x4c: {  	_ =	shalt  }
0x4d: {  	_ =	shalt  }
0x4e: {  	_ =	shalt  }
0x4f: {  	_ =	shalt  }
0x50: {  	_ =	shalt  }
0x51: {  	_ =	shalt  }
0x52: {  	_ =	shalt  }
0x53: {  	_ =	shalt  }
0x54: {  	_ =	shalt  }
0x55: {  	_ =	shalt  }
0x56: {  	_ =	shalt  }
0x57: {  	_ =	shalt  }
0x58: {  	_ =	shalt  }
0x59: {  	_ =	shalt  }
0x5a: {  	_ =	shalt  }
0x5b: {  	_ =	shalt  }
0x5c: {  	_ =	shalt  }
0x5d: {  	_ =	shalt  }
0x5e: {  	_ =	shalt  }
0x5f: {  	_ =	shalt  }
0x60: {  	_ =	shalt  }
0x61: {  	_ =	shalt  }
0x62: {  	_ =	shalt  }
0x63: {  	_ =	shalt  }
0x64: {  	_ =	shalt  }
0x65: {  	_ =	shalt  }
0x66: {  	_ =	shalt  }
0x67: {  	_ =	shalt  }
0x68: {  	_ =	shalt  }
0x69: {  	_ =	shalt  }
0x6a: {  	_ =	shalt  }
0x6b: {  	_ =	shalt  }
0x6c: {  	_ =	shalt  }
0x6d: {  	_ =	shalt  }
0x6e: {  	_ =	shalt  }
0x6f: {  	_ =	shalt  }
0x70: {  	_ =	shalt  }
0x71: {  	_ =	shalt  }
0x72: {  	_ =	shalt  }
0x73: {  	_ =	shalt  }
0x74: {  	_ =	shalt  }
0x75: {  	_ =	shalt  }
0x76: {  	_ =	shalt  }
0x77: {  	_ =	shalt  }
0x78: {  	_ =	shalt  }
0x79: {  	_ =	shalt  }
0x7a: {  	_ =	shalt  }
0x7b: {  	_ =	shalt  }
0x7c: {  	_ =	shalt  }
0x7d: {  	_ =	shalt  }
0x7e: {  	_ =	shalt  }
0x7f: {  	_ =	shalt  }
0x80: {  	_ =	shalt  }
0x81: {  	_ =	shalt  }
0x82: {  	_ =	shalt  }
0x83: {  	_ =	shalt  }
0x84: {  	_ =	shalt  }
0x85: {  	_ =	shalt  }
0x86: {  	_ =	shalt  }
0x87: {  	_ =	shalt  }
.Lfunc_end0:
.L_simem_size_0:
called_computation.2_lowered:
.L_overlay_start_0:
0x88: {  	s2 =	sld [smem:$0x3FD9]  }
0x89: {  	s3 =	sld [smem:$0x3FFE];
	_ =	sdelay $0x1  }
0x8a: {  	s1 =	srdreg.scid  }
0x8b: {  	s0 =	sand.u32 $0x1, s1  }
0x8c: {  	s16 =	sshll.u32 s0, $0xA;
	s2 =	sadd.s32 s3, s2  }
0x8d: {  	s2 =	sadd.s32 s2, s16  }
0x8e: {  	[smem:$0x3FC2] =	sst s2  }
0x8f: {  	_ = 	snop  }
0x90: {  	(tm) =	ssettm $0x1  }
0x91: {  	s17 =	sld [smem:$0x3FFB];
	_ =	sdelay $0x3  }
0x92: {  	_ =	strace s17  }
0x93: {  	s2 =	sld [smem:$0x3FFC];
	_ =	sdelay $0x3  }
0x94: {  	_ =	strace s2  }
0x95: {  	s2 =	sld [smem:$0x3FFD];
	_ =	sdelay $0x3  }
0x96: {  	_ =	strace s2  }
0x97: {  	_ =	strace $0x8FFFFFFF  }
0x98: {  	s18 =	sld [smem:$0x3FDB];
	_ =	sdelay $0x1  }
0x99: {  	s19 =	simm.s32 $_scs_section_size  }
0x9a: {  	s4 =	simm.s32 $_size__tile_overlayer_lowered;
	s5 =	simm.s32 $_tile_overlayer_lowered  }
0x9b: {  	s22 =	simm.s32 $0x1BFF;
	s21 =	sshll.u32 s5, $0x1;
	s2 =	sadd.s32 s19, s18  }
0x9c: {  	s6 =	simm.s32 $0x0;
	s20 =	sshll.u32 s4, $0x1;
	s4 =	sadd.s32 s21, s2  }
0x9d: {  	[timem:s6], [sflag:s22] =	dma.local [hbm:s4], s20  }
0x9e: {  	_ =	swait.ge [sflag:s22], s20  }
0x9f: {  	s3 =	ssub.s32 $0x0, s20;
	[sflag:s22] =	ssyncset.done $0x0  }
0xa0: {  	[sflag:s22] =	ssyncadd.s32 s3;
	_ =	sdelay $0x1  }
0xa1: {  	s23 =	simm.s32 $0x1B8B  }
0xa2: {  	_ =	swait.ge [sflag:s23], $0x1  }
0xa3: {  	[sflag:s23] =	ssyncset.done $0x0  }
0xa4: {  	s25 =	simm.s32 $0x1B8E;
	s24 =	sld [smem:$0x3FFE];
	[sflag:s23] =	ssyncadd.s32 $0xFFFFFFFF  }
0xa5: {  	s26 =	simm.s32 $execute0_lowered;
	[smem:$0x3FD2] =	sst s25  }
0xa6: {  	s4 =	sshll.u32 s26, $0x1;
	_ =	strace $0x8000004C;
	[dreg:$0x1] =	wrdreg $0xFFFFFFFF  }
0xa7: {  	s28 =	simm.s32 $_size_execute0_lowered;
	s2 =	sadd.s32 s2, s4;
	[dreg:$0x0] =	wrdreg $0x0  }
0xa8: {  	s4 =	sshll.u32 s28, $0x1;
	[dreg:$0x2] =	wrdreg s2  }
0xa9: {  	[dreg:$0x3] =	wrdreg s4  }
0xaa: {  	[dreg:$0x4] =	wrdreg $0xC0  }
0xab: {  	_ =	task [dreg:s6], $0x5FFFF  }
0xac: {  	[dreg:$0x1] =	wrdreg $0xFFFFFFFF  }
0xad: {  	[dreg:$0x0] =	wrdreg $0x60  }
0xae: {  	[dreg:$0x2] =	wrdreg s24  }
0xaf: {  	[dreg:$0x3] =	wrdreg $0x90000  }
0xb0: {  	[dreg:$0x4] =	wrdreg $0x9  }
0xb1: {  	_ =	task.clear_ibuf [dreg:s6], $0x5FFFF;
	_ =	strace $0x9000004C  }
0xb2: {  	s29 =	simm.s32 $0x9;
	_ =	strace $0x8000004E  }
0xb3: {  	_ =	swait.ge [sflag:s29], $0x1  }
0xb4: {  	[sflag:s29] =	ssyncadd.s32 $0xFFFFFFFF  }
0xb5: {  	_ =	strace $0x9000004E  }
0xb6: {  	_ =	sfence  }
0xb7: {  	s30 =	sld [smem:$0x0];
	_ =	sdelay $0x2  }
0xb8: {  	s31 =	sshll.u32 s1, $0xD;
	s1 =	sshrl.u32 s1, $0x2  }
0xb9: {  	s3 =	sand.u32 $0x4000, s31;
	s1 =	sadd.s32 s1, s30  }
0xba: {  	s0 =	sor.u32 s3, s0;
	s1 =	sshll.u32 s1, $0x11  }
0xbb: {  	s0 =	sor.u32 s1, s0  }
0xbc: {  	s0 =	sadd.s32 $0x8F2B, s0  }
0xbd: {  	[sflag:s0] =	ssyncadd.remote.s32 $0x1  }
0xbe: {  	_ =	sfence.sel $0xFFFF  }
0xbf: {  	[dreg:$0x0] =	wrdreg $0xFFFFFFFF;
	(pc) =	sbr.abs _section_cstart, $3  }
0xc0: {  	[dreg:$0x1] =	wrdreg $0xFFFFFFFF  }
0xc1: {  	_ =	task.clear_ibuf [dreg:s6], $0x2FFFF;
	_ =	strace $0x9FFFFFFF  }
0xc2: {  	(tm) =	ssettm $0x7FFFFFFF  }
0xc3: {  	_ =	shalt  }
tec
execute0_lowered:
.L_overlay_start_1:
0x0: {  	(tag) =	ssettag $0x1  }
0x1: {  	s6 =	rddreg [dreg:$0x0]  }
0x2: {  	s0 =	srdreg.scid;
	s1 =	rddreg [dreg:$0x1];
	s12 =	simm.s32 $0x5  }
0x3: {  	s24 =	simm.s32 $0x100;
	s25 =	simm.s32 $0x880;
	s16 =	simm.s32 $0x980  }
0x4: {  	s28 =	simm.s32 $0xC00;
	s29 =	simm.s32 $0x500;
	s30 =	simm.s32 $0xC80  }
0x5: {  	s31 =	simm.s32 $0x580;
	s5 =	sand.u32 $0x1, s0;
	s0 =	stileid.u32  }
0x6: {  	s17 =	sadd.s32 $0x17A00, s6;
	s10 =	sadd.s32 $0x66000, s6;
	s14 =	sadd.s32 $0x68800, s6  }
0x7: {  	s15 =	sadd.s32 $0x8FA00, s6;
	s2 =	sshll.u32 s5, $0x4;
	s9 =	smul.u32 $0x50000, s0  }
0x8: {  	s4 =	sshll.u32 s5, $0x6;
	s8 =	sshll.u32 s0, $0x2;
	s21 =	smul.u32 $0x4E000, s0  }
0x9: {  	s18 =	ssub.s32 $0x2, s5;
	s13 =	sshll.u32 s0, $0x6;
	s23 =	smul.u32 $0x2700, s0  }
0xa: {  	p1 =	sne.s32 s0, $0x0;
	s3 =	sor.u32 s0, s2;
	s2 =	simm.s32 $0x0  }
0xb: {  	p3 =	seq.s32 s0, $0x0;
	s11 =	sshrl.u32 s18, $0x1;
	[smem:$0x7FF] =	sst s2  }
0xc: {  	s0 =	simm.s32 $0xD00;
	_ =	strace $0x8000004D;
	[dreg:$0x11] =	wrdreg s17  }
0xd: {  	s7 =	smin.u32 s3, $0x1C;
	s9 =	sshrl.u32 s9, $0x2;
	[dreg:$0x12] =	wrdreg s10  }
0xe: {  	s20 =	sshll.u32 s3, $0x2;
	p0 =	slt.u32 s3, $0x1C;
	[dreg:$0x4] =	wrdreg s24  }
0xf: {  	s22 =	sshrl.u32 s21, $0x2;
	s26 =	sadd.s32 s14, s23;
	[dreg:$0x13] =	wrdreg s14  }
0x10: {  	s21 =	simm.s32 $0x300;
	p2 =	sne.s32 s3, $0x1F;
	[dreg:$0x19] =	wrdreg s26  }
0x11: {  	s3 =	simm.s32 $0xE80;
	s4 =	sor.u32 s4, s7;
	[dreg:$0x5] =	wrdreg s25  }
0x12: {  	s10 =	ssub.s32 s18, s11;
	s19 =	sadd.s32 s9, s1;
	[dreg:$0x14] =	wrdreg s15  }
0x13: {  	s7 =	sadd.s32 s7, s20;
	s12 =	simm.s32 @!p0 $0x4;
	[dreg:$0x9] =	wrdreg s16  }
0x14: {  	s9 =	sor.u32 $0x1C03, s13;
	p0 =	seq.s32 s5, $0x1;
	[dreg:$0xc] =	wrdreg s21  }
0x15: {  	s5 =	sadd.s32 s22, s1;
	s13 =	simm.s32 $0x900;
	[dreg:$0x15] =	wrdreg s7  }
0x16: {  	s14 =	simm.s32 $0x200;
	s18 =	simm.s32 $0x280;
	[dreg:$0x18] =	wrdreg s5  }
0x17: {  	s20 =	simm.s32 $0xA00;
	s22 =	simm.s32 $0xA80;
	[dreg:$0x7] =	wrdreg s13  }
0x18: {  	s24 =	simm.s32 $0xB00;
	s21 =	simm.s32 $0x5000;
	[dreg:$0x8] =	wrdreg s14  }
0x19: {  	s25 =	simm.s32 $0x400;
	s11 =	simm.s32 $0xF80;
	[dreg:$0xa] =	wrdreg s18  }
0x1a: {  	s16 =	simm.s32 $0x0;
	s4 =	sadd.s32 s8, s4;
	[dreg:$0xb] =	wrdreg s20  }
0x1b: {  	s7 =	sadd.s32 s12, s7;
	s12 =	sadd.s32 $0x138000, s1;
	[dreg:$0xd] =	wrdreg s22  }
0x1c: {  	s19 =	sshrl.u32 s19, $0x3;
	s18 =	simm.s32 $0x800;
	[dreg:$0xf] =	wrdreg s24  }
0x1d: {  	s20 =	simm.s32 $0x1000;
	[dreg:$0x10] =	wrdreg s25;
	s22 =	simm.s32 $0x1  }
0x1e: {  	s24 =	simm.s32 $0xB80;
	s25 =	simm.s32 $0x600;
	[dreg:$0x16] =	wrdreg s9  }
0x1f: {  	s13 =	simm.s32 $0x700;
	s5 =	simm.s32 $0x780;
	[dreg:$0x3] =	wrdreg s7  }
0x20: {  	s4 =	sshll.u32 s4, $0x8;
	s7 =	simm.s32 $0x180;
	[dreg:$0x1d] =	wrdreg s19  }
0x21: {  	s19 =	simm.s32 $0x80;
	s26 =	sshrl.u32 s12, $0x3;
	s12 =	simm.s32 $0x680  }
0x22: {  	s8 =	sadd.s32 s4, s6;
	s4 =	sadd.s32 $0x17C00, s6;
	[dreg:$0x6] =	wrdreg s7  }
0x23: {  	s6 =	sadd.s32 $0x17A40, s6;
	[dreg:$0x1e] =	wrdreg s26;
	s26 =	simm.s32 $0x480  }
.Ltmp0:
0x24: {  	[dreg:$0x17] =	wrdreg s6;
	s6 =	sadd.s32 s15, s23;
	(pc) =	sbr.rel .LBB2_1-.Ltmp0, $4  }
0x25: {  	s7 =	simm.s32 $0xE00;
	s15 =	smax.u32 s10, $0x1;
	[dreg:$0x1a] =	wrdreg s6  }
0x26: {  	s17 =	sadd.s32 $0x4000, s8;
	s23 =	simm.s32 $0x380;
	[dreg:$0x1b] =	wrdreg s15  }
0x27: {  	s10 =	simm.s32 $0xF00;
	[dreg:$0x1c] =	wrdreg s17;
	s17 =	simm.s32 $0x3  }
0x28: {  	[dreg:$0xe] =	wrdreg s23;
	s23 =	simm.s32 $0x2;
	s6 =	simm.s32 $0xD80  }
.LBB2_6:
0x29: {  	s8 =	sadd.s32 $0x27000, s15;
	s14 =	rddreg [dreg:$0x1e]  }
0x2a: {  	[hbm:s8], [sflag:s9] =	dma.local [spmem:s14], $0x100  }
0x2b: {  	_ =	swait.ge [sflag:s17], $0x100  }
0x2c: {  	[sflag:s17] =	ssyncset.done $0x0  }
0x2d: {  	[sflag:s17] =	ssyncadd.s32 $0xFFFFFF00  }
.LBB2_7:
0x2e: {  	s16 =	sadd.s32 $0x1, s16;
	s8 =	rddreg [dreg:$0x1b]  }
0x2f: {  	p4 =	sne.s32 s16, s8  }
.Ltmp1:
0x30: {  	_ = 	snop;
	(pc) =	sbr.rel @!p4 .LBB2_8-.Ltmp1, $1  }
0x31: {  	_ =	sdelay $0x3  }
.LBB2_1:
0x32: {  	[dreg:$0x1f] =	wrdreg s16  }
0x33: {  	s8 =	rddreg [dreg:$0x12]  }
0x34: {  	s14 =	rddreg [dreg:$0x1d]  }
0x35: {  	[spmem:s14], [sflag:s9] =	dma.local [hbm:s8], $0x2800  }
0x36: {  	_ =	swait.ge [sflag:s17], $0x2800  }
0x37: {  	[sflag:s17] =	ssyncset.done $0x0  }
0x38: {  	[sflag:s17] =	ssyncadd.s32 $0xFFFFD800  }
0x39: {  	[bflag:$0x0] =	sbarrier.arrive $0xFFFF  }
0x3a: {  	s15 =	rddreg [dreg:$0x1c]  }
0x3b: {  	s16 =	rddreg [dreg:$0x15]  }
.LBB2_2:
0x3c: {  	[tilespmem:s2], [sflag:$0x3] =	stream.linear.gather [hbm4b:s15+s2], $0x800, $0x38;
	[tilespmem:$0x1D000] =	vst v63  }
0x3d: {  	_ =	swait.ge [sflag:s17], $0x800  }
0x3e: {  	[sflag:s17] =	ssyncset.done $0x0  }
0x3f: {  	s14 =	sadd.s32 $0x9C80, s15;
	[sflag:s17] =	ssyncadd.s32 $0xFFFFF800  }
0x40: {  	[tilespmem:s18], [sflag:$0x3] =	stream.linear.gather [hbm4b:s14+s2], $0x800, $0x38;
	[tilespmem:$0x1D000] =	vst v63  }
0x41: {  	_ =	swait.ge [sflag:s17], $0x800  }
0x42: {  	[sflag:s17] =	ssyncset.done $0x0  }
0x43: {  	[sflag:s17] =	ssyncadd.s32 $0xFFFFF800  }
0x44: {  	[tilespmem:s20], [sflag:$0x1] =	stream.indirect.gather [hbm4b:s4+s19], $0x80, s2, s19, $0xb8;
	[tilespmem:$0x1D000] =	vst v63  }
0x45: {  	_ = 	snop  }
0x46: {  	[tilespmem:s21], [sflag:$0x2] =	stream.indirect.gather [hbm4b:s4+s19], $0x80, s19, s19, $0xb8;
	[tilespmem:$0x1D000] =	vst v63  }
0x47: {  	_ =	swait.ge [sflag:s22], $0x4000  }
0x48: {  	[sflag:s22] =	ssyncset.done $0x0  }
0x49: {  	[sflag:s22] =	ssyncadd.s32 $0xFFFFC000  }
0x4a: {  	[spmem:s1] =	stream.indirect.scatter.add.f32 [tilespmem:s20], [sflag:$0x3], $0x80, s18, s19, $0xb8;
	[tilespmem:$0x1D000] =	vst v63  }
0x4b: {  	_ =	swait.ge [sflag:s17], $0x4000  }
0x4c: {  	[sflag:s17] =	ssyncset.done $0x0  }
0x4d: {  	s8 =	rddreg [dreg:$0x4];
	[sflag:s17] =	ssyncadd.s32 $0xFFFFC000  }
0x4e: {  	[tilespmem:s20], [sflag:$0x1] =	stream.indirect.gather [hbm4b:s4+s19], $0x80, s8, s19, $0xb8;
	[tilespmem:$0x1D000] =	vst v63  }
0x4f: {  	_ =	swait.ge [sflag:s23], $0x4000  }
0x50: {  	[sflag:s23] =	ssyncset.done $0x0  }
0x51: {  	s9 =	rddreg [dreg:$0x5];
	[sflag:s23] =	ssyncadd.s32 $0xFFFFC000  }
0x52: {  	[spmem:s1] =	stream.indirect.scatter.add.f32 [tilespmem:s21], [sflag:$0x3], $0x80, s9, s19, $0xb8;
	[tilespmem:$0x1D000] =	vst v63  }
0x53: {  	_ =	swait.ge [sflag:s17], $0x4000  }
0x54: {  	[sflag:s17] =	ssyncset.done $0x0  }
0x55: {  	s8 =	rddreg [dreg:$0x6];
	[sflag:s17] =	ssyncadd.s32 $0xFFFFC000  }
0x56: {  	[tilespmem:s21], [sflag:$0x2] =	stream.indirect.gather [hbm4b:s4+s19], $0x80, s8, s19, $0xb8;
	[tilespmem:$0x1D000] =	vst v63  }
0x57: {  	_ =	swait.ge [sflag:s22], $0x4000  }
0x58: {  	[sflag:s22] =	ssyncset.done $0x0  }
0x59: {  	s9 =	rddreg [dreg:$0x7];
	[sflag:s22] =	ssyncadd.s32 $0xFFFFC000  }
0x5a: {  	[spmem:s1] =	stream.indirect.scatter.add.f32 [tilespmem:s20], [sflag:$0x3], $0x80, s9, s19, $0xb8;
	[tilespmem:$0x1D000] =	vst v63  }
0x5b: {  	_ =	swait.ge [sflag:s17], $0x4000  }
0x5c: {  	[sflag:s17] =	ssyncset.done $0x0  }
0x5d: {  	s8 =	rddreg [dreg:$0x8];
	[sflag:s17] =	ssyncadd.s32 $0xFFFFC000  }
0x5e: {  	[tilespmem:s20], [sflag:$0x1] =	stream.indirect.gather [hbm4b:s4+s19], $0x80, s8, s19, $0xb8;
	[tilespmem:$0x1D000] =	vst v63  }
0x5f: {  	_ =	swait.ge [sflag:s23], $0x4000  }
0x60: {  	[sflag:s23] =	ssyncset.done $0x0  }
0x61: {  	s9 =	rddreg [dreg:$0x9];
	[sflag:s23] =	ssyncadd.s32 $0xFFFFC000  }
0x62: {  	[spmem:s1] =	stream.indirect.scatter.add.f32 [tilespmem:s21], [sflag:$0x3], $0x80, s9, s19, $0xb8;
	[tilespmem:$0x1D000] =	vst v63  }
0x63: {  	_ =	swait.ge [sflag:s17], $0x4000  }
0x64: {  	[sflag:s17] =	ssyncset.done $0x0  }
0x65: {  	s8 =	rddreg [dreg:$0xa];
	[sflag:s17] =	ssyncadd.s32 $0xFFFFC000  }
0x66: {  	[tilespmem:s21], [sflag:$0x2] =	stream.indirect.gather [hbm4b:s4+s19], $0x80, s8, s19, $0xb8;
	[tilespmem:$0x1D000] =	vst v63  }
0x67: {  	_ =	swait.ge [sflag:s22], $0x4000  }
0x68: {  	[sflag:s22] =	ssyncset.done $0x0  }
0x69: {  	s9 =	rddreg [dreg:$0xb];
	[sflag:s22] =	ssyncadd.s32 $0xFFFFC000  }
0x6a: {  	[spmem:s1] =	stream.indirect.scatter.add.f32 [tilespmem:s20], [sflag:$0x3], $0x80, s9, s19, $0xb8;
	[tilespmem:$0x1D000] =	vst v63  }
0x6b: {  	_ =	swait.ge [sflag:s17], $0x4000  }
0x6c: {  	[sflag:s17] =	ssyncset.done $0x0  }
0x6d: {  	s8 =	rddreg [dreg:$0xc];
	[sflag:s17] =	ssyncadd.s32 $0xFFFFC000  }
0x6e: {  	[tilespmem:s20], [sflag:$0x1] =	stream.indirect.gather [hbm4b:s4+s19], $0x80, s8, s19, $0xb8;
	[tilespmem:$0x1D000] =	vst v63  }
0x6f: {  	_ =	swait.ge [sflag:s23], $0x4000  }
0x70: {  	[sflag:s23] =	ssyncset.done $0x0  }
0x71: {  	s9 =	rddreg [dreg:$0xd];
	[sflag:s23] =	ssyncadd.s32 $0xFFFFC000  }
0x72: {  	[spmem:s1] =	stream.indirect.scatter.add.f32 [tilespmem:s21], [sflag:$0x3], $0x80, s9, s19, $0xb8;
	[tilespmem:$0x1D000] =	vst v63  }
0x73: {  	_ =	swait.ge [sflag:s17], $0x4000  }
0x74: {  	[sflag:s17] =	ssyncset.done $0x0  }
0x75: {  	s8 =	rddreg [dreg:$0xe];
	[sflag:s17] =	ssyncadd.s32 $0xFFFFC000  }
0x76: {  	[tilespmem:s21], [sflag:$0x2] =	stream.indirect.gather [hbm4b:s4+s19], $0x80, s8, s19, $0xb8;
	[tilespmem:$0x1D000] =	vst v63  }
0x77: {  	_ =	swait.ge [sflag:s22], $0x4000  }
0x78: {  	[sflag:s22] =	ssyncset.done $0x0  }
0x79: {  	s9 =	rddreg [dreg:$0xf];
	[sflag:s22] =	ssyncadd.s32 $0xFFFFC000  }
0x7a: {  	[spmem:s1] =	stream.indirect.scatter.add.f32 [tilespmem:s20], [sflag:$0x3], $0x80, s9, s19, $0xb8;
	[tilespmem:$0x1D000] =	vst v63  }
0x7b: {  	_ =	swait.ge [sflag:s17], $0x4000  }
0x7c: {  	[sflag:s17] =	ssyncset.done $0x0  }
0x7d: {  	s8 =	rddreg [dreg:$0x10];
	[sflag:s17] =	ssyncadd.s32 $0xFFFFC000  }
0x7e: {  	[tilespmem:s20], [sflag:$0x1] =	stream.indirect.gather [hbm4b:s4+s19], $0x80, s8, s19, $0xb8;
	[tilespmem:$0x1D000] =	vst v63  }
0x7f: {  	_ =	swait.ge [sflag:s23], $0x4000  }
0x80: {  	[sflag:s23] =	ssyncset.done $0x0  }
0x81: {  	[sflag:s23] =	ssyncadd.s32 $0xFFFFC000  }
0x82: {  	[spmem:s1] =	stream.indirect.scatter.add.f32 [tilespmem:s21], [sflag:$0x3], $0x80, s24, s19, $0xb8;
	[tilespmem:$0x1D000] =	vst v63  }
0x83: {  	_ =	swait.ge [sflag:s17], $0x4000  }
0x84: {  	[sflag:s17] =	ssyncset.done $0x0  }
0x85: {  	[sflag:s17] =	ssyncadd.s32 $0xFFFFC000  }
0x86: {  	[tilespmem:s21], [sflag:$0x2] =	stream.indirect.gather [hbm4b:s4+s19], $0x80, s26, s19, $0xb8;
	[tilespmem:$0x1D000] =	vst v63  }
0x87: {  	_ =	swait.ge [sflag:s22], $0x4000  }
0x88: {  	[sflag:s22] =	ssyncset.done $0x0  }
0x89: {  	[sflag:s22] =	ssyncadd.s32 $0xFFFFC000  }
0x8a: {  	[spmem:s1] =	stream.indirect.scatter.add.f32 [tilespmem:s20], [sflag:$0x3], $0x80, s28, s19, $0xb8;
	[tilespmem:$0x1D000] =	vst v63  }
0x8b: {  	_ =	swait.ge [sflag:s17], $0x4000  }
0x8c: {  	[sflag:s17] =	ssyncset.done $0x0  }
0x8d: {  	[sflag:s17] =	ssyncadd.s32 $0xFFFFC000  }
0x8e: {  	[tilespmem:s20], [sflag:$0x1] =	stream.indirect.gather [hbm4b:s4+s19], $0x80, s29, s19, $0xb8;
	[tilespmem:$0x1D000] =	vst v63  }
0x8f: {  	_ =	swait.ge [sflag:s23], $0x4000  }
0x90: {  	[sflag:s23] =	ssyncset.done $0x0  }
0x91: {  	[sflag:s23] =	ssyncadd.s32 $0xFFFFC000  }
0x92: {  	[spmem:s1] =	stream.indirect.scatter.add.f32 [tilespmem:s21], [sflag:$0x3], $0x80, s30, s19, $0xb8;
	[tilespmem:$0x1D000] =	vst v63  }
0x93: {  	_ =	swait.ge [sflag:s17], $0x4000  }
0x94: {  	[sflag:s17] =	ssyncset.done $0x0  }
0x95: {  	[sflag:s17] =	ssyncadd.s32 $0xFFFFC000  }
0x96: {  	[tilespmem:s21], [sflag:$0x2] =	stream.indirect.gather [hbm4b:s4+s19], $0x80, s31, s19, $0xb8;
	[tilespmem:$0x1D000] =	vst v63  }
0x97: {  	_ =	swait.ge [sflag:s22], $0x4000  }
0x98: {  	[sflag:s22] =	ssyncset.done $0x0  }
0x99: {  	[sflag:s22] =	ssyncadd.s32 $0xFFFFC000  }
0x9a: {  	[spmem:s1] =	stream.indirect.scatter.add.f32 [tilespmem:s20], [sflag:$0x3], $0x80, s0, s19, $0xb8;
	[tilespmem:$0x1D000] =	vst v63  }
0x9b: {  	_ =	swait.ge [sflag:s17], $0x4000  }
0x9c: {  	[sflag:s17] =	ssyncset.done $0x0  }
0x9d: {  	[sflag:s17] =	ssyncadd.s32 $0xFFFFC000  }
0x9e: {  	[tilespmem:s20], [sflag:$0x1] =	stream.indirect.gather [hbm4b:s4+s19], $0x80, s25, s19, $0xb8;
	[tilespmem:$0x1D000] =	vst v63  }
0x9f: {  	_ =	swait.ge [sflag:s23], $0x4000  }
0xa0: {  	[sflag:s23] =	ssyncset.done $0x0  }
0xa1: {  	[sflag:s23] =	ssyncadd.s32 $0xFFFFC000  }
0xa2: {  	[spmem:s1] =	stream.indirect.scatter.add.f32 [tilespmem:s21], [sflag:$0x3], $0x80, s6, s19, $0xb8;
	[tilespmem:$0x1D000] =	vst v63  }
0xa3: {  	_ =	swait.ge [sflag:s17], $0x4000  }
0xa4: {  	[sflag:s17] =	ssyncset.done $0x0  }
0xa5: {  	[sflag:s17] =	ssyncadd.s32 $0xFFFFC000  }
0xa6: {  	[tilespmem:s21], [sflag:$0x2] =	stream.indirect.gather [hbm4b:s4+s19], $0x80, s12, s19, $0xb8;
	[tilespmem:$0x1D000] =	vst v63  }
0xa7: {  	_ =	swait.ge [sflag:s22], $0x4000  }
0xa8: {  	[sflag:s22] =	ssyncset.done $0x0  }
0xa9: {  	[sflag:s22] =	ssyncadd.s32 $0xFFFFC000  }
0xaa: {  	[spmem:s1] =	stream.indirect.scatter.add.f32 [tilespmem:s20], [sflag:$0x3], $0x80, s7, s19, $0xb8;
	[tilespmem:$0x1D000] =	vst v63  }
0xab: {  	_ =	swait.ge [sflag:s17], $0x4000  }
0xac: {  	[sflag:s17] =	ssyncset.done $0x0  }
0xad: {  	[sflag:s17] =	ssyncadd.s32 $0xFFFFC000  }
0xae: {  	[tilespmem:s20], [sflag:$0x1] =	stream.indirect.gather [hbm4b:s4+s19], $0x80, s13, s19, $0xb8;
	[tilespmem:$0x1D000] =	vst v63  }
0xaf: {  	_ =	swait.ge [sflag:s23], $0x4000  }
0xb0: {  	[sflag:s23] =	ssyncset.done $0x0  }
0xb1: {  	[sflag:s23] =	ssyncadd.s32 $0xFFFFC000  }
0xb2: {  	[spmem:s1] =	stream.indirect.scatter.add.f32 [tilespmem:s21], [sflag:$0x3], $0x80, s3, s19, $0xb8;
	[tilespmem:$0x1D000] =	vst v63  }
0xb3: {  	_ =	swait.ge [sflag:s17], $0x4000  }
0xb4: {  	[sflag:s17] =	ssyncset.done $0x0  }
0xb5: {  	[sflag:s17] =	ssyncadd.s32 $0xFFFFC000  }
0xb6: {  	[tilespmem:s21], [sflag:$0x2] =	stream.indirect.gather [hbm4b:s4+s19], $0x80, s5, s19, $0xb8;
	[tilespmem:$0x1D000] =	vst v63  }
0xb7: {  	_ =	swait.ge [sflag:s22], $0x4000  }
0xb8: {  	[sflag:s22] =	ssyncset.done $0x0  }
0xb9: {  	[sflag:s22] =	ssyncadd.s32 $0xFFFFC000  }
0xba: {  	[spmem:s1] =	stream.indirect.scatter.add.f32 [tilespmem:s20], [sflag:$0x3], $0x80, s10, s19, $0xb8;
	[tilespmem:$0x1D000] =	vst v63  }
0xbb: {  	_ =	swait.ge [sflag:s17], $0x4000  }
0xbc: {  	[sflag:s17] =	ssyncset.done $0x0  }
0xbd: {  	[sflag:s17] =	ssyncadd.s32 $0xFFFFC000  }
0xbe: {  	_ =	swait.ge [sflag:s23], $0x4000  }
0xbf: {  	[sflag:s23] =	ssyncset.done $0x0  }
0xc0: {  	[sflag:s23] =	ssyncadd.s32 $0xFFFFC000  }
0xc1: {  	[spmem:s1] =	stream.indirect.scatter.add.f32 [tilespmem:s21], [sflag:$0x3], $0x80, s11, s19, $0xb8;
	[tilespmem:$0x1D000] =	vst v63  }
0xc2: {  	_ =	swait.ge [sflag:s17], $0x4000  }
0xc3: {  	s16 =	sadd.s32 $0x1, s16;
	s9 =	rddreg [dreg:$0x3]  }
0xc4: {  	p4 =	slt.u32 s16, s9  }
.Ltmp2:
0xc5: {  	_ = 	snop;
	(pc) =	sbr.rel @p4 .LBB2_2-.Ltmp2, $3  }
0xc6: {  	_ =	sdelay $0x1  }
0xc7: {  	[sflag:s17] =	ssyncset.done $0x0  }
0xc8: {  	s15 =	sadd.s32 $0x100, s15;
	[sflag:s17] =	ssyncadd.s32 $0xFFFFC000  }
0xc9: {  	s14 =	simm.s32 @!p2 $0x0;
	s8 =	rddreg [dreg:$0x11];
	s15 =	simm.s32 @!p2 $0x3  }
0xca: {  	[tilespmem:s14], [sflag:$0x3] =	stream.linear.gather @!p2 [hbm4b:s8+s14], $0x200, $0x38;
	[tilespmem:$0x1D000] =	vst v63  }
0xcb: {  	_ =	swait.ge @!p2 [sflag:s15], $0x200  }
0xcc: {  	[sflag:s15] =	ssyncset.done @!p2 $0x0  }
0xcd: {  	s16 =	simm.s32 @!p2 $0x800;
	s8 =	rddreg [dreg:$0x17];
	[sflag:s15] =	ssyncadd.s32 @!p2 $0xFFFFFE00  }
0xce: {  	[tilespmem:s16], [sflag:$0x3] =	stream.linear.gather @!p2 [hbm4b:s8+s14], $0x200, $0x38;
	[tilespmem:$0x1D000] =	vst v63  }
0xcf: {  	_ =	swait.ge @!p2 [sflag:s15], $0x200  }
0xd0: {  	[sflag:s15] =	ssyncset.done @!p2 $0x0  }
0xd1: {  	s9 =	simm.s32 @!p2 $0x80;
	s8 =	simm.s32 @!p2 $0x1000;
	[sflag:s15] =	ssyncadd.s32 @!p2 $0xFFFFFE00  }
0xd2: {  	[tilespmem:s8], [sflag:$0x1] =	stream.indirect.gather @!p2 [hbm4b:s4+s9], $0x80, s14, s9, $0xb8;
	[tilespmem:$0x1D000] =	vst v63  }
0xd3: {  	s14 =	simm.s32 @!p2 $0x1  }
0xd4: {  	_ =	swait.ge @!p2 [sflag:s14], $0x4000  }
0xd5: {  	[sflag:s14] =	ssyncset.done @!p2 $0x0  }
0xd6: {  	[sflag:s14] =	ssyncadd.s32 @!p2 $0xFFFFC000  }
0xd7: {  	[spmem:s1] =	stream.indirect.scatter.add.f32 @!p2 [tilespmem:s8], [sflag:$0x3], $0x80, s16, s9, $0xb8;
	[tilespmem:$0x1D000] =	vst v63  }
0xd8: {  	_ =	swait.ge @!p2 [sflag:s15], $0x4000  }
0xd9: {  	[sflag:s15] =	ssyncset.done @!p2 $0x0  }
0xda: {  	[sflag:s15] =	ssyncadd.s32 @!p2 $0xFFFFC000  }
0xdb: {  	[tilespmem:s8], [sflag:$0x1] =	stream.indirect.gather @!p2 [hbm4b:s4+s9], $0x80, s9, s9, $0xb8;
	[tilespmem:$0x1D000] =	vst v63  }
0xdc: {  	_ =	swait.ge @!p2 [sflag:s14], $0x4000  }
0xdd: {  	[sflag:s14] =	ssyncset.done @!p2 $0x0  }
0xde: {  	s16 =	simm.s32 @!p2 $0x880;
	[sflag:s14] =	ssyncadd.s32 @!p2 $0xFFFFC000  }
0xdf: {  	[spmem:s1] =	stream.indirect.scatter.add.f32 @!p2 [tilespmem:s8], [sflag:$0x3], $0x80, s16, s9, $0xb8;
	[tilespmem:$0x1D000] =	vst v63  }
0xe0: {  	_ =	swait.ge @!p2 [sflag:s15], $0x4000  }
0xe1: {  	[sflag:s15] =	ssyncset.done @!p2 $0x0  }
0xe2: {  	s16 =	simm.s32 @!p2 $0x100;
	[sflag:s15] =	ssyncadd.s32 @!p2 $0xFFFFC000  }
0xe3: {  	[tilespmem:s8], [sflag:$0x1] =	stream.indirect.gather @!p2 [hbm4b:s4+s9], $0x80, s16, s9, $0xb8;
	[tilespmem:$0x1D000] =	vst v63  }
0xe4: {  	_ =	swait.ge @!p2 [sflag:s14], $0x4000  }
0xe5: {  	[sflag:s14] =	ssyncset.done @!p2 $0x0  }
0xe6: {  	s16 =	simm.s32 @!p2 $0x900;
	[sflag:s14] =	ssyncadd.s32 @!p2 $0xFFFFC000  }
0xe7: {  	[spmem:s1] =	stream.indirect.scatter.add.f32 @!p2 [tilespmem:s8], [sflag:$0x3], $0x80, s16, s9, $0xb8;
	[tilespmem:$0x1D000] =	vst v63  }
0xe8: {  	_ =	swait.ge @!p2 [sflag:s15], $0x4000  }
0xe9: {  	[sflag:s15] =	ssyncset.done @!p2 $0x0  }
0xea: {  	s16 =	simm.s32 @!p2 $0x180;
	[sflag:s15] =	ssyncadd.s32 @!p2 $0xFFFFC000  }
0xeb: {  	[tilespmem:s8], [sflag:$0x1] =	stream.indirect.gather @!p2 [hbm4b:s4+s9], $0x80, s16, s9, $0xb8;
	[tilespmem:$0x1D000] =	vst v63  }
0xec: {  	_ =	swait.ge @!p2 [sflag:s14], $0x4000  }
0xed: {  	[sflag:s14] =	ssyncset.done @!p2 $0x0  }
0xee: {  	[sflag:s14] =	ssyncadd.s32 @!p2 $0xFFFFC000;
	s14 =	simm.s32 @!p2 $0x980  }
0xef: {  	[spmem:s1] =	stream.indirect.scatter.add.f32 @!p2 [tilespmem:s8], [sflag:$0x3], $0x80, s14, s9, $0xb8;
	[tilespmem:$0x1D000] =	vst v63  }
0xf0: {  	_ =	swait.ge @!p2 [sflag:s15], $0x4000  }
.Ltmp3:
0xf1: {  	[sflag:s15] =	ssyncset.done @!p2 $0x0;
	(pc) =	sbr.rel @!p0 .LBB2_4-.Ltmp3, $4  }
0xf2: {  	[sflag:s15] =	ssyncadd.s32 @!p2 $0xFFFFC000  }
0xf3: {  	[bflag:$0x0] =	sbarrier.arrive $0xFFFF  }
0xf4: {  	s16 =	rddreg [dreg:$0x18]  }
0xf5: {  	s15 =	sshrl.u32 s16, $0x3  }
0xf6: {  	s9 =	rddreg [dreg:$0x16]  }
0xf7: {  	s8 =	rddreg [dreg:$0x1a]  }
0xf8: {  	[hbm:s8], [sflag:s9] =	dma.local [spmem:s15], $0x2700  }
.Ltmp4:
0xf9: {  	_ = 	snop;
	(pc) =	sbr.rel @p1 .LBB2_7-.Ltmp4, $4  }
.Ltmp5:
0xfa: {  	_ = 	snop;
	(pc) =	sbr.rel @!p1 .LBB2_6-.Ltmp5, $4  }
0xfb: {  	_ =	swait.ge [sflag:s17], $0x2700  }
0xfc: {  	[sflag:s17] =	ssyncset.done $0x0;
	s15 =	rddreg [dreg:$0x14]  }
0xfd: {  	s16 =	rddreg [dreg:$0x1f];
	[sflag:s17] =	ssyncadd.s32 $0xFFFFD900  }
0xfe: {  	_ = 	snop  }
.LBB2_4:
0xff: {  	s9 =	rddreg [dreg:$0x16]  }
0x100: {  	s8 =	rddreg [dreg:$0x19]  }
0x101: {  	[hbm:s8], [sflag:s9] =	dma.local [spmem:s15], $0x2700  }
.Ltmp6:
0x102: {  	_ = 	snop;
	(pc) =	sbr.rel @!p3 .LBB2_7-.Ltmp6, $4  }
.Ltmp7:
0x103: {  	_ = 	snop;
	(pc) =	sbr.rel @p3 .LBB2_6-.Ltmp7, $4  }
0x104: {  	_ =	swait.ge [sflag:s17], $0x2700  }
0x105: {  	[sflag:s17] =	ssyncset.done $0x0;
	s15 =	rddreg [dreg:$0x13]  }
0x106: {  	s16 =	rddreg [dreg:$0x1f];
	[sflag:s17] =	ssyncadd.s32 $0xFFFFD900  }
0x107: {  	_ = 	snop  }
.LBB2_8:
0x108: {  	_ =	sfence.sel $0x180000  }
0x109: {  	[bflag:$0x0] =	sbarrier.arrive $0xFFFF  }
0x10a: {  	_ =	strace $0x9000004D  }
0x10b: {  	[bflag:$0x2] =	sbarrier.arrive $0xFFFF  }
0x10c: {  	s0 =	rddreg [dreg:$0x2]  }
0x10d: {  	s0 =	sadd.s32 @!p1 $0x100000, s0  }
0x10e: {  	[sflag:s0] =	ssyncadd.tile.s32 @!p1 $0x1;
	_ =	shalt  }
.Lfunc_end2:
_tile_overlayer_lowered:
.L_overlay_start_2:
0x10f: {  	(tag) =	ssettag $0x2  }
0x110: {  	s0 =	rddreg [dreg:$0x0];
	s2 =	stileid.u32  }
0x111: {  	s1 =	rddreg [dreg:$0x1];
	p0 =	sne.s32 s2, $0x0  }
0x112: {  	s3 =	rddreg [dreg:$0x2];
	[bflag:$0x3] =	sbarrier.arrive $0xFFFF;
	s2 =	simm.s32 @!p0 $0x1C03  }
0x113: {  	[timem:s3], [sflag:s2] =	dma.local @!p0 [hbm:s0], s1  }
0x114: {  	s0 =	simm.s32 @!p0 $0x3  }
0x115: {  	_ =	swait.ge @!p0 [sflag:s0], s1  }
0x116: {  	s1 =	ssub.s32 @!p0 $0x0, s1;
	[sflag:s0] =	ssyncset.done @!p0 $0x0  }
0x117: {  	[sflag:s0] =	ssyncadd.s32 @!p0 s1  }
0x118: {  	[bflag:$0x3] =	sbarrier.arrive $0xFFFF  }
0x119: {  	_ =	shalt  }

// kernel: kernel.8.cloned.1.call-start
scs
__scs_entry_jumppad:
0x0: {  	(pc) =	sbr.rel $0x88, $3  }
0x1: {  	(tag) =	ssettag $0x0;
	lr =	simm.s32 $0x1  }
0x2: {  	[smem:$0x3F9B] =	sst lr;
	_ =	strace $0xD0000000  }
0x3: {  	_ = 	snop  }
0x4: {  	_ = 	snop  }
0x5: {  	_ = 	snop  }
0x6: {  	_ = 	snop  }
0x7: {  	_ = 	snop  }
__scs_overlays_trampoline_lowered:
0x8: {  	[smem:$0x3FAA] =	sst s0  }
0x9: {  	[smem:$0x3FAB] =	sst s1  }
0xa: {  	[smem:$0x3FAC] =	sst s2  }
0xb: {  	[smem:$0x3FAD] =	sst s3  }
0xc: {  	[smem:$0x3FAE] =	sst s4  }
0xd: {  	[smem:$0x3FAF] =	sst s5  }
0xe: {  	[smem:$0x3FB0] =	sst s6  }
0xf: {  	[smem:$0x3FB1] =	sst s7  }
0x10: {  	[smem:$0x3FB2] =	sst s8  }
0x11: {  	[smem:$0x3FB3] =	sst s9;
	s0 =	simm.s32 @!p0 $0x0  }
0x12: {  	s1 =	sld [smem:$0x3F99];
	s0 =	simm.s32 @p0 $0x1  }
0x13: {  	[smem:$0x3FB4] =	sst s0;
	s0 =	simm.s32 @!p1 $0x0  }
0x14: {  	s2 =	sld [smem:$0x3F98];
	s0 =	simm.s32 @p1 $0x1  }
0x15: {  	[smem:$0x3FB5] =	sst s0;
	s0 =	simm.s32 @!p2 $0x0  }
0x16: {  	s3 =	sld [smem:$0x3FDB];
	s0 =	simm.s32 @p2 $0x1  }
0x17: {  	s4 =	simm.s32 $0x1BF5;
	[smem:$0x3FB7] =	sst s0  }
0x18: {  	s0 =	sld [smem:$0x3F9A];
	_ =	swait.ge [sflag:s4], $0x0  }
0x19: {  	s7 =	sld [smem:$0x3F9B]  }
0x1a: {  	s8 =	sadd.s32 $0xFFFFE003, lr  }
0x1b: {  	s9 =	sadd.s32 $0xFFFFFEF7, lr;
	s5 =	simm.s32 $0xFFFFFFFF;
	p2 =	slt.u32 s8, $0xFFFFF086  }
0x1c: {  	p1 =	slt.u32 s9, $0xF7A;
	s5 =	simm.s32 @!p2 $0x0  }
0x1d: {  	s5 =	simm.s32 @p1 $0x1;
	p0 =	seq.s32 s7, s2  }
0x1e: {  	s7 =	smul.u32 @!p0 $0xF7A, s2;
	p2 =	seq.s32 @!p0 s5, $0x0  }
0x1f: {  	s9 =	smul.u32 $0xF7A, s1;
	s8 =	simm.s32 @!p0 $0x1BF5;
	p2 =	por !p2, p0  }
0x20: {  	[sflag:s8] =	ssyncset.s32 @!p0 $0xFFFFF086;
	s6 =	sadd.s32 @!p0 s3, s7;
	s7 =	simm.s32 @!p0 $0x108  }
0x21: {  	s3 =	sadd.s32 s3, s9;
	s6 =	sadd.s32 @!p0 $0x88, s6;
	s7 =	simm.s32 @p2 $0x1082  }
0x22: {  	[simem:s7], [sflag:s8] =	dma.local @!p0 [hbm:s6], $0xF7A  }
0x23: {  	s9 =	sor.u32 $0xD0000000, s2;
	s6 =	simm.s32 $0x108;
	_ =	swait.ge @!p0 [sflag:s8], $0x0  }
0x24: {  	s3 =	sadd.s32 $0x88, s3;
	s6 =	simm.s32 @!p1 $0x1082;
	[sflag:s4] =	ssyncset.s32 $0xFFFFF086  }
0x25: {  	[simem:s6], [sflag:s4] =	dma.local [hbm:s3], $0xF7A  }
0x26: {  	[smem:$0x3F9B] =	sst s1;
	(tag) =	ssettag s2;
	_ =	strace s9  }
0x27: {  	s1 =	sld [smem:$0x3FAB]  }
0x28: {  	s2 =	sld [smem:$0x3FAC]  }
0x29: {  	s4 =	sld [smem:$0x3FAE]  }
0x2a: {  	p0 =	seq.s32 s5, $0x0;
	s5 =	sld [smem:$0x3FAF]  }
0x2b: {  	s6 =	sld [smem:$0x3FB0]  }
0x2c: {  	s7 =	sld [smem:$0x3FB1]  }
0x2d: {  	s3 =	simm.s32 $0x108;
	s8 =	sld [smem:$0x3FB2]  }
0x2e: {  	s3 =	simm.s32 @!p0 $0x1082;
	s9 =	sld [smem:$0x3FB3]  }
0x2f: {  	lr =	sadd.s32 s0, s3;
	s0 =	sld [smem:$0x3FAA]  }
0x30: {  	s3 =	sld [smem:$0x3FAD]  }
0x31: {  	[smem:$0x3FB6] =	sst s10  }
0x32: {  	s10 =	sld [smem:$0x3FB4];
	_ =	sdelay $0x3  }
0x33: {  	p0 =	seq.s32 s10, $0x1;
	s10 =	sld [smem:$0x3FB6];
	_ =	sdelay $0x3  }
0x34: {  	[smem:$0x3FB6] =	sst s10  }
0x35: {  	s10 =	sld [smem:$0x3FB5];
	_ =	sdelay $0x3  }
0x36: {  	p1 =	seq.s32 s10, $0x1;
	s10 =	sld [smem:$0x3FB6];
	_ =	sdelay $0x3  }
0x37: {  	[smem:$0x3FB6] =	sst s10  }
0x38: {  	s10 =	sld [smem:$0x3FB7]  }
0x39: {  	_ = 	snop;
	(pc) =	sbr.ind lr, $3  }
0x3a: {  	_ = 	snop  }
0x3b: {  	_ = 	snop  }
0x3c: {  	p2 =	seq.s32 s10, $0x1;
	s10 =	sld [smem:$0x3FB6]  }
0x3d: {  	_ =	shalt  }
0x3e: {  	_ =	shalt  }
0x3f: {  	_ =	shalt  }
0x40: {  	_ =	shalt  }
0x41: {  	_ =	shalt  }
0x42: {  	_ =	shalt  }
0x43: {  	_ =	shalt  }
0x44: {  	_ =	shalt  }
0x45: {  	_ =	shalt  }
0x46: {  	_ =	shalt  }
0x47: {  	_ =	shalt  }
0x48: {  	_ =	shalt  }
0x49: {  	_ =	shalt  }
0x4a: {  	_ =	shalt  }
0x4b: {  	_ =	shalt  }
0x4c: {  	_ =	shalt  }
0x4d: {  	_ =	shalt  }
0x4e: {  	_ =	shalt  }
0x4f: {  	_ =	shalt  }
0x50: {  	_ =	shalt  }
0x51: {  	_ =	shalt  }
0x52: {  	_ =	shalt  }
0x53: {  	_ =	shalt  }
0x54: {  	_ =	shalt  }
0x55: {  	_ =	shalt  }
0x56: {  	_ =	shalt  }
0x57: {  	_ =	shalt  }
0x58: {  	_ =	shalt  }
0x59: {  	_ =	shalt  }
0x5a: {  	_ =	shalt  }
0x5b: {  	_ =	shalt  }
0x5c: {  	_ =	shalt  }
0x5d: {  	_ =	shalt  }
0x5e: {  	_ =	shalt  }
0x5f: {  	_ =	shalt  }
0x60: {  	_ =	shalt  }
0x61: {  	_ =	shalt  }
0x62: {  	_ =	shalt  }
0x63: {  	_ =	shalt  }
0x64: {  	_ =	shalt  }
0x65: {  	_ =	shalt  }
0x66: {  	_ =	shalt  }
0x67: {  	_ =	shalt  }
0x68: {  	_ =	shalt  }
0x69: {  	_ =	shalt  }
0x6a: {  	_ =	shalt  }
0x6b: {  	_ =	shalt  }
0x6c: {  	_ =	shalt  }
0x6d: {  	_ =	shalt  }
0x6e: {  	_ =	shalt  }
0x6f: {  	_ =	shalt  }
0x70: {  	_ =	shalt  }
0x71: {  	_ =	shalt  }
0x72: {  	_ =	shalt  }
0x73: {  	_ =	shalt  }
0x74: {  	_ =	shalt  }
0x75: {  	_ =	shalt  }
0x76: {  	_ =	shalt  }
0x77: {  	_ =	shalt  }
0x78: {  	_ =	shalt  }
0x79: {  	_ =	shalt  }
0x7a: {  	_ =	shalt  }
0x7b: {  	_ =	shalt  }
0x7c: {  	_ =	shalt  }
0x7d: {  	_ =	shalt  }
0x7e: {  	_ =	shalt  }
0x7f: {  	_ =	shalt  }
0x80: {  	_ =	shalt  }
0x81: {  	_ =	shalt  }
0x82: {  	_ =	shalt  }
0x83: {  	_ =	shalt  }
0x84: {  	_ =	shalt  }
0x85: {  	_ =	shalt  }
0x86: {  	_ =	shalt  }
0x87: {  	_ =	shalt  }
.Lfunc_end0:
.L_simem_size_0:
called_computation_lowered:
.L_overlay_start_0:
0x88: {  	s2 =	sld [smem:$0x3FD9]  }
0x89: {  	s3 =	sld [smem:$0x3FFE];
	_ =	sdelay $0x1  }
0x8a: {  	s1 =	srdreg.scid  }
0x8b: {  	s0 =	sand.u32 $0x1, s1  }
0x8c: {  	s17 =	sshll.u32 s0, $0xA;
	s2 =	sadd.s32 s3, s2  }
0x8d: {  	s2 =	sadd.s32 s2, s17  }
0x8e: {  	[smem:$0x3FC2] =	sst s2  }
0x8f: {  	_ = 	snop  }
0x90: {  	s2 =	sld [smem:$0x3FD0];
	(tm) =	ssettm $0x1  }
0x91: {  	s18 =	sld [smem:$0x3FFB];
	_ =	sdelay $0x3  }
0x92: {  	_ =	strace s18  }
0x93: {  	s3 =	sld [smem:$0x3FFC];
	_ =	sdelay $0x3  }
0x94: {  	_ =	strace s3  }
0x95: {  	s3 =	sld [smem:$0x3FFD];
	_ =	sdelay $0x3  }
0x96: {  	_ =	strace s3  }
0x97: {  	_ =	strace $0x8FFFFFFF  }
0x98: {  	s19 =	sld [smem:$0x3FDB];
	_ =	sdelay $0x1  }
0x99: {  	s4 =	simm.s32 $_scs_section_size  }
0x9a: {  	s5 =	simm.s32 $_size__tile_overlayer_lowered;
	s6 =	simm.s32 $_tile_overlayer_lowered  }
0x9b: {  	s22 =	simm.s32 $0x1BFF;
	s21 =	sshll.u32 s6, $0x1;
	s3 =	sadd.s32 s4, s19  }
0x9c: {  	s7 =	simm.s32 $0x0;
	s20 =	sshll.u32 s5, $0x1;
	s5 =	sadd.s32 s21, s3  }
0x9d: {  	[timem:s7], [sflag:s22] =	dma.local [hbm:s5], s20  }
0x9e: {  	_ =	swait.ge [sflag:s22], s20  }
0x9f: {  	s4 =	ssub.s32 $0x0, s20;
	[sflag:s22] =	ssyncset.done $0x0  }
0xa0: {  	[sflag:s22] =	ssyncadd.s32 s4;
	_ =	sdelay $0x1  }
0xa1: {  	s23 =	simm.s32 $0x1B8B  }
0xa2: {  	_ =	swait.ge [sflag:s23], $0x1  }
0xa3: {  	[sflag:s23] =	ssyncset.done $0x0  }
0xa4: {  	s25 =	simm.s32 $0x1B8E;
	s24 =	sld [smem:$0x3FFE];
	[sflag:s23] =	ssyncadd.s32 $0xFFFFFFFF  }
0xa5: {  	s26 =	simm.s32 $execute0_lowered;
	[smem:$0x3FD2] =	sst s25  }
0xa6: {  	s5 =	sshll.u32 s26, $0x1;
	_ =	strace $0x80000046;
	[dreg:$0x1] =	wrdreg $0xFFFFFFFF  }
0xa7: {  	s28 =	simm.s32 $_size_execute0_lowered;
	s3 =	sadd.s32 s3, s5;
	[dreg:$0x0] =	wrdreg $0x0  }
0xa8: {  	s5 =	sshll.u32 s28, $0x1;
	[dreg:$0x2] =	wrdreg s3  }
0xa9: {  	[dreg:$0x3] =	wrdreg s5  }
0xaa: {  	[dreg:$0x4] =	wrdreg $0xC0  }
0xab: {  	_ =	task [dreg:s7], $0x5FFFF  }
0xac: {  	[dreg:$0x1] =	wrdreg $0xFFFFFFFF  }
0xad: {  	[dreg:$0x0] =	wrdreg $0x60  }
0xae: {  	[dreg:$0x2] =	wrdreg s24  }
0xaf: {  	[dreg:$0x3] =	wrdreg s2  }
0xb0: {  	[dreg:$0x4] =	wrdreg $0xB000  }
0xb1: {  	[dreg:$0x5] =	wrdreg $0x9  }
0xb2: {  	_ =	task.clear_ibuf [dreg:s7], $0x6FFFF;
	_ =	strace $0x90000046  }
0xb3: {  	s29 =	simm.s32 $0x9;
	_ =	strace $0x80000048  }
0xb4: {  	_ =	swait.ge [sflag:s29], $0x1  }
0xb5: {  	[sflag:s29] =	ssyncadd.s32 $0xFFFFFFFF  }
0xb6: {  	_ =	strace $0x90000048  }
0xb7: {  	_ =	sfence  }
0xb8: {  	s30 =	sld [smem:$0x0];
	_ =	sdelay $0x2  }
0xb9: {  	s31 =	sshll.u32 s1, $0xD;
	s1 =	sshrl.u32 s1, $0x2  }
0xba: {  	s3 =	sand.u32 $0x4000, s31;
	s1 =	sadd.s32 s1, s30  }
0xbb: {  	s0 =	sor.u32 s3, s0;
	s1 =	sshll.u32 s1, $0x11  }
0xbc: {  	s0 =	sor.u32 s1, s0  }
0xbd: {  	s0 =	sadd.s32 $0x8F2B, s0  }
0xbe: {  	[sflag:s0] =	ssyncadd.remote.s32 $0x1  }
0xbf: {  	_ =	sfence.sel $0xFFFF  }
0xc0: {  	[dreg:$0x0] =	wrdreg $0xFFFFFFFF;
	(pc) =	sbr.abs _section_cstart, $3  }
0xc1: {  	[dreg:$0x1] =	wrdreg $0xFFFFFFFF  }
0xc2: {  	_ =	task.clear_ibuf [dreg:s7], $0x2FFFF;
	_ =	strace $0x9FFFFFFF  }
0xc3: {  	(tm) =	ssettm $0x7FFFFFFF  }
tec
execute0_lowered:
.L_overlay_start_1:
0x0: {  	(tag) =	ssettag $0x1  }
0x1: {  	s0 =	rddreg [dreg:$0x0]  }
0x2: {  	s1 =	srdreg.scid;
	s9 =	rddreg [dreg:$0x1]  }
0x3: {  	s2 =	rddreg [dreg:$0x2];
	s13 =	stileid.u32  }
0x4: {  	s14 =	simm.s32 $0x80;
	s15 =	simm.s32 $0x800;
	s16 =	simm.s32 $0x100  }
0x5: {  	s17 =	simm.s32 $0x180;
	s18 =	simm.s32 $0x200;
	s19 =	simm.s32 $0x280  }
0x6: {  	s20 =	simm.s32 $0x300;
	s21 =	simm.s32 $0x380;
	s22 =	simm.s32 $0x400  }
0x7: {  	s28 =	simm.s32 $0x680;
	s29 =	simm.s32 $0x700;
	s30 =	simm.s32 $0x780  }
0x8: {  	s1 =	sand.u32 $0x1, s1;
	s5 =	sshll.u32 s13, $0x2;
	s7 =	smul.u32 $0xA00, s13  }
0x9: {  	s24 =	sadd.s32 $0x17C00, s0;
	s26 =	smul.u32 $0x500, s13;
	s3 =	sshll.u32 s1, $0x4  }
0xa: {  	s4 =	sshll.u32 s1, $0x6;
	s23 =	ssub.s32 $0x2, s1;
	s1 =	sshll.u32 s1, $0x7  }
0xb: {  	s11 =	sor.u32 s13, s3;
	s3 =	simm.s32 $0x0;
	s8 =	sshrl.u32 s23, $0x1  }
0xc: {  	s25 =	sshrl.u32 s7, $0x2;
	s13 =	simm.s32 $0x5;
	s1 =	sor.u32 s1, s26  }
0xd: {  	s26 =	simm.s32 $0x600;
	s6 =	smin.u32 s11, $0x1C;
	[smem:$0x7FF] =	sst s3  }
0xe: {  	s10 =	ssub.s32 s23, s8;
	s31 =	sshll.u32 s11, $0x2;
	p0 =	slt.u32 s11, $0x1C  }
0xf: {  	s1 =	sshrl.u32 s1, $0x3;
	s8 =	sadd.s32 $0x17A40, s0;
	s23 =	simm.s32 $0x480  }
0x10: {  	s4 =	sor.u32 s4, s6;
	_ =	strace $0x80000047;
	[dreg:$0x4] =	wrdreg s24  }
0x11: {  	s6 =	sadd.s32 s6, s31;
	s13 =	simm.s32 @!p0 $0x4;
	s9 =	sadd.s32 s9, s1  }
0x12: {  	s10 =	smax.u32 s10, $0x1;
	s24 =	simm.s32 $0x500;
	s4 =	sadd.s32 s5, s4  }
0x13: {  	p0 =	sne.s32 s11, $0x1F;
	s1 =	simm.s32 $0x0;
	s4 =	sshll.u32 s4, $0x8  }
0x14: {  	s5 =	sadd.s32 s25, s2;
	s7 =	sadd.s32 s13, s6;
	s12 =	sadd.s32 s4, s0  }
0x15: {  	v0 =	vimm.f32 $1.000000000e+00;
	s13 =	simm.s32 $0x1;
	s25 =	simm.s32 $0x580;
	s0 =	sadd.s32 $0xDC80, s12  }
.LBB2_1:
0x16: {  	s4 =	rddreg [dreg:$0x4];
	s11 =	simm.s32 $0x880  }
0x17: {  	[tilespmem:s11], [sflag:$0x1] =	stream.linear.gather [hbm4b:s4+s3], $0x280, $0x38;
	[tilespmem:$0xD80] =	vst v63  }
0x18: {  	_ =	swait.ge [sflag:s13], $0x280  }
0x19: {  	[sflag:s13] =	ssyncset.done $0x0  }
0x1a: {  	[sflag:s13] =	ssyncadd.s32 $0xFFFFFD80  }
0x1b: {  	[spmem:s5] =	stream.linear.scatter [tilespmem:s11], [sflag:$0x1], $0x280, $0x38;
	[tilespmem:$0xD80] =	vst v63  }
0x1c: {  	_ =	swait.ge [sflag:s13], $0x280  }
0x1d: {  	[sflag:s13] =	ssyncset.done $0x0  }
0x1e: {  	[sflag:s13] =	ssyncadd.s32 $0xFFFFFD80  }
0x1f: {  	[tilespmem:$0x800] =	vst v0  }
0x20: {  	[tilespmem:$0x810] =	vst v0  }
0x21: {  	[tilespmem:$0x820] =	vst v0  }
0x22: {  	[tilespmem:$0x830] =	vst v0  }
0x23: {  	[tilespmem:$0x840] =	vst v0  }
0x24: {  	[tilespmem:$0x850] =	vst v0  }
0x25: {  	[tilespmem:$0x860] =	vst v0  }
0x26: {  	[tilespmem:$0x870] =	vst v0  }
0x27: {  	[bflag:$0x0] =	sbarrier.arrive $0xFFFF  }
0x28: {  	[tilespmem:s3], [sflag:$0x1] =	stream.linear.gather [hbm4b:s0+s3], $0x800, $0x38;
	[tilespmem:$0xD80] =	vst v63  }
0x29: {  	_ =	swait.ge [sflag:s13], $0x800  }
0x2a: {  	[sflag:s13] =	ssyncset.done $0x0  }
0x2b: {  	[sflag:s13] =	ssyncadd.s32 $0xFFFFF800  }
0x2c: {  	[spmem:s2] =	stream.indirect.scatter.add.f32 [tilespmem:s15], [sflag:$0x1], $0x1, s3, s14, $0xb8;
	[tilespmem:$0xD80] =	vst v63  }
0x2d: {  	_ =	swait.ge [sflag:s13], $0x80  }
0x2e: {  	[sflag:s13] =	ssyncset.done $0x0  }
0x2f: {  	[sflag:s13] =	ssyncadd.s32 $0xFFFFFF80  }
0x30: {  	[spmem:s2] =	stream.indirect.scatter.add.f32 [tilespmem:s15], [sflag:$0x1], $0x1, s14, s14, $0xb8;
	[tilespmem:$0xD80] =	vst v63  }
0x31: {  	_ =	swait.ge [sflag:s13], $0x80  }
0x32: {  	[sflag:s13] =	ssyncset.done $0x0  }
0x33: {  	[sflag:s13] =	ssyncadd.s32 $0xFFFFFF80  }
0x34: {  	[spmem:s2] =	stream.indirect.scatter.add.f32 [tilespmem:s15], [sflag:$0x1], $0x1, s16, s14, $0xb8;
	[tilespmem:$0xD80] =	vst v63  }
0x35: {  	_ =	swait.ge [sflag:s13], $0x80  }
0x36: {  	[sflag:s13] =	ssyncset.done $0x0  }
0x37: {  	[sflag:s13] =	ssyncadd.s32 $0xFFFFFF80  }
0x38: {  	[spmem:s2] =	stream.indirect.scatter.add.f32 [tilespmem:s15], [sflag:$0x1], $0x1, s17, s14, $0xb8;
	[tilespmem:$0xD80] =	vst v63  }
0x39: {  	_ =	swait.ge [sflag:s13], $0x80  }
0x3a: {  	[sflag:s13] =	ssyncset.done $0x0  }
0x3b: {  	[sflag:s13] =	ssyncadd.s32 $0xFFFFFF80  }
0x3c: {  	[spmem:s2] =	stream.indirect.scatter.add.f32 [tilespmem:s15], [sflag:$0x1], $0x1, s18, s14, $0xb8;
	[tilespmem:$0xD80] =	vst v63  }
0x3d: {  	_ =	swait.ge [sflag:s13], $0x80  }
0x3e: {  	[sflag:s13] =	ssyncset.done $0x0  }
0x3f: {  	[sflag:s13] =	ssyncadd.s32 $0xFFFFFF80  }
0x40: {  	[spmem:s2] =	stream.indirect.scatter.add.f32 [tilespmem:s15], [sflag:$0x1], $0x1, s19, s14, $0xb8;
	[tilespmem:$0xD80] =	vst v63  }
0x41: {  	_ =	swait.ge [sflag:s13], $0x80  }
0x42: {  	[sflag:s13] =	ssyncset.done $0x0  }
0x43: {  	[sflag:s13] =	ssyncadd.s32 $0xFFFFFF80  }
0x44: {  	[spmem:s2] =	stream.indirect.scatter.add.f32 [tilespmem:s15], [sflag:$0x1], $0x1, s20, s14, $0xb8;
	[tilespmem:$0xD80] =	vst v63  }
0x45: {  	_ =	swait.ge [sflag:s13], $0x80  }
0x46: {  	[sflag:s13] =	ssyncset.done $0x0  }
0x47: {  	[sflag:s13] =	ssyncadd.s32 $0xFFFFFF80  }
0x48: {  	[spmem:s2] =	stream.indirect.scatter.add.f32 [tilespmem:s15], [sflag:$0x1], $0x1, s21, s14, $0xb8;
	[tilespmem:$0xD80] =	vst v63  }
0x49: {  	_ =	swait.ge [sflag:s13], $0x80  }
0x4a: {  	[sflag:s13] =	ssyncset.done $0x0  }
0x4b: {  	[sflag:s13] =	ssyncadd.s32 $0xFFFFFF80  }
0x4c: {  	[spmem:s2] =	stream.indirect.scatter.add.f32 [tilespmem:s15], [sflag:$0x1], $0x1, s22, s14, $0xb8;
	[tilespmem:$0xD80] =	vst v63  }
0x4d: {  	_ =	swait.ge [sflag:s13], $0x80  }
0x4e: {  	[sflag:s13] =	ssyncset.done $0x0  }
0x4f: {  	[sflag:s13] =	ssyncadd.s32 $0xFFFFFF80  }
0x50: {  	[spmem:s2] =	stream.indirect.scatter.add.f32 [tilespmem:s15], [sflag:$0x1], $0x1, s23, s14, $0xb8;
	[tilespmem:$0xD80] =	vst v63  }
0x51: {  	_ =	swait.ge [sflag:s13], $0x80  }
0x52: {  	[sflag:s13] =	ssyncset.done $0x0  }
0x53: {  	[sflag:s13] =	ssyncadd.s32 $0xFFFFFF80  }
0x54: {  	[spmem:s2] =	stream.indirect.scatter.add.f32 [tilespmem:s15], [sflag:$0x1], $0x1, s24, s14, $0xb8;
	[tilespmem:$0xD80] =	vst v63  }
0x55: {  	_ =	swait.ge [sflag:s13], $0x80  }
0x56: {  	[sflag:s13] =	ssyncset.done $0x0  }
0x57: {  	[sflag:s13] =	ssyncadd.s32 $0xFFFFFF80  }
0x58: {  	[spmem:s2] =	stream.indirect.scatter.add.f32 [tilespmem:s15], [sflag:$0x1], $0x1, s25, s14, $0xb8;
	[tilespmem:$0xD80] =	vst v63  }
0x59: {  	_ =	swait.ge [sflag:s13], $0x80  }
0x5a: {  	[sflag:s13] =	ssyncset.done $0x0  }
0x5b: {  	[sflag:s13] =	ssyncadd.s32 $0xFFFFFF80  }
0x5c: {  	[spmem:s2] =	stream.indirect.scatter.add.f32 [tilespmem:s15], [sflag:$0x1], $0x1, s26, s14, $0xb8;
	[tilespmem:$0xD80] =	vst v63  }
0x5d: {  	_ =	swait.ge [sflag:s13], $0x80  }
0x5e: {  	[sflag:s13] =	ssyncset.done $0x0  }
0x5f: {  	[sflag:s13] =	ssyncadd.s32 $0xFFFFFF80  }
0x60: {  	[spmem:s2] =	stream.indirect.scatter.add.f32 [tilespmem:s15], [sflag:$0x1], $0x1, s28, s14, $0xb8;
	[tilespmem:$0xD80] =	vst v63  }
0x61: {  	_ =	swait.ge [sflag:s13], $0x80  }
0x62: {  	[sflag:s13] =	ssyncset.done $0x0  }
0x63: {  	s31 =	sadd.s32 $0x1, s6;
	[sflag:s13] =	ssyncadd.s32 $0xFFFFFF80  }
0x64: {  	[spmem:s2] =	stream.indirect.scatter.add.f32 [tilespmem:s15], [sflag:$0x1], $0x1, s29, s14, $0xb8;
	[tilespmem:$0xD80] =	vst v63  }
0x65: {  	p1 =	slt.u32 s31, s7;
	_ =	swait.ge [sflag:s13], $0x80  }
.Ltmp0:
0x66: {  	[sflag:s13] =	ssyncset.done $0x0;
	(pc) =	sbr.rel @!p1 .LBB2_3-.Ltmp0, $4  }
0x67: {  	[sflag:s13] =	ssyncadd.s32 $0xFFFFFF80  }
0x68: {  	[spmem:s2] =	stream.indirect.scatter.add.f32 [tilespmem:s15], [sflag:$0x1], $0x1, s30, s14, $0xb8;
	[tilespmem:$0xD80] =	vst v63  }
0x69: {  	_ =	swait.ge [sflag:s13], $0x80  }
0x6a: {  	s11 =	smov.u32 s0;
	[sflag:s13] =	ssyncset.done $0x0  }
.LBB2_2:
0x6b: {  	s31 =	sadd.s32 $0x1, s31;
	[sflag:s13] =	ssyncadd.s32 $0xFFFFFF80;
	s11 =	sadd.s32 $0x100, s11  }
0x6c: {  	[tilespmem:s3], [sflag:$0x1] =	stream.linear.gather [hbm4b:s11+s3], $0x800, $0x38;
	[tilespmem:$0xD80] =	vst v63  }
0x6d: {  	p1 =	slt.u32 s31, s7;
	_ =	swait.ge [sflag:s13], $0x800  }
0x6e: {  	[sflag:s13] =	ssyncset.done $0x0  }
0x6f: {  	[sflag:s13] =	ssyncadd.s32 $0xFFFFF800  }
0x70: {  	[spmem:s2] =	stream.indirect.scatter.add.f32 [tilespmem:s15], [sflag:$0x1], $0x1, s3, s14, $0xb8;
	[tilespmem:$0xD80] =	vst v63  }
0x71: {  	_ =	swait.ge [sflag:s13], $0x80  }
0x72: {  	[sflag:s13] =	ssyncset.done $0x0  }
0x73: {  	[sflag:s13] =	ssyncadd.s32 $0xFFFFFF80  }
0x74: {  	[spmem:s2] =	stream.indirect.scatter.add.f32 [tilespmem:s15], [sflag:$0x1], $0x1, s14, s14, $0xb8;
	[tilespmem:$0xD80] =	vst v63  }
0x75: {  	_ =	swait.ge [sflag:s13], $0x80  }
0x76: {  	[sflag:s13] =	ssyncset.done $0x0  }
0x77: {  	[sflag:s13] =	ssyncadd.s32 $0xFFFFFF80  }
0x78: {  	[spmem:s2] =	stream.indirect.scatter.add.f32 [tilespmem:s15], [sflag:$0x1], $0x1, s16, s14, $0xb8;
	[tilespmem:$0xD80] =	vst v63  }
0x79: {  	_ =	swait.ge [sflag:s13], $0x80  }
0x7a: {  	[sflag:s13] =	ssyncset.done $0x0  }
0x7b: {  	[sflag:s13] =	ssyncadd.s32 $0xFFFFFF80  }
0x7c: {  	[spmem:s2] =	stream.indirect.scatter.add.f32 [tilespmem:s15], [sflag:$0x1], $0x1, s17, s14, $0xb8;
	[tilespmem:$0xD80] =	vst v63  }
0x7d: {  	_ =	swait.ge [sflag:s13], $0x80  }
0x7e: {  	[sflag:s13] =	ssyncset.done $0x0  }
0x7f: {  	[sflag:s13] =	ssyncadd.s32 $0xFFFFFF80  }
0x80: {  	[spmem:s2] =	stream.indirect.scatter.add.f32 [tilespmem:s15], [sflag:$0x1], $0x1, s18, s14, $0xb8;
	[tilespmem:$0xD80] =	vst v63  }
0x81: {  	_ =	swait.ge [sflag:s13], $0x80  }
0x82: {  	[sflag:s13] =	ssyncset.done $0x0  }
0x83: {  	[sflag:s13] =	ssyncadd.s32 $0xFFFFFF80  }
0x84: {  	[spmem:s2] =	stream.indirect.scatter.add.f32 [tilespmem:s15], [sflag:$0x1], $0x1, s19, s14, $0xb8;
	[tilespmem:$0xD80] =	vst v63  }
0x85: {  	_ =	swait.ge [sflag:s13], $0x80  }
0x86: {  	[sflag:s13] =	ssyncset.done $0x0  }
0x87: {  	[sflag:s13] =	ssyncadd.s32 $0xFFFFFF80  }
0x88: {  	[spmem:s2] =	stream.indirect.scatter.add.f32 [tilespmem:s15], [sflag:$0x1], $0x1, s20, s14, $0xb8;
	[tilespmem:$0xD80] =	vst v63  }
0x89: {  	_ =	swait.ge [sflag:s13], $0x80  }
0x8a: {  	[sflag:s13] =	ssyncset.done $0x0  }
0x8b: {  	[sflag:s13] =	ssyncadd.s32 $0xFFFFFF80  }
0x8c: {  	[spmem:s2] =	stream.indirect.scatter.add.f32 [tilespmem:s15], [sflag:$0x1], $0x1, s21, s14, $0xb8;
	[tilespmem:$0xD80] =	vst v63  }
0x8d: {  	_ =	swait.ge [sflag:s13], $0x80  }
0x8e: {  	[sflag:s13] =	ssyncset.done $0x0  }
0x8f: {  	[sflag:s13] =	ssyncadd.s32 $0xFFFFFF80  }
0x90: {  	[spmem:s2] =	stream.indirect.scatter.add.f32 [tilespmem:s15], [sflag:$0x1], $0x1, s22, s14, $0xb8;
	[tilespmem:$0xD80] =	vst v63  }
0x91: {  	_ =	swait.ge [sflag:s13], $0x80  }
0x92: {  	[sflag:s13] =	ssyncset.done $0x0  }
0x93: {  	[sflag:s13] =	ssyncadd.s32 $0xFFFFFF80  }
0x94: {  	[spmem:s2] =	stream.indirect.scatter.add.f32 [tilespmem:s15], [sflag:$0x1], $0x1, s23, s14, $0xb8;
	[tilespmem:$0xD80] =	vst v63  }
0x95: {  	_ =	swait.ge [sflag:s13], $0x80  }
0x96: {  	[sflag:s13] =	ssyncset.done $0x0  }
0x97: {  	[sflag:s13] =	ssyncadd.s32 $0xFFFFFF80  }
0x98: {  	[spmem:s2] =	stream.indirect.scatter.add.f32 [tilespmem:s15], [sflag:$0x1], $0x1, s24, s14, $0xb8;
	[tilespmem:$0xD80] =	vst v63  }
0x99: {  	_ =	swait.ge [sflag:s13], $0x80  }
0x9a: {  	[sflag:s13] =	ssyncset.done $0x0  }
0x9b: {  	[sflag:s13] =	ssyncadd.s32 $0xFFFFFF80  }
0x9c: {  	[spmem:s2] =	stream.indirect.scatter.add.f32 [tilespmem:s15], [sflag:$0x1], $0x1, s25, s14, $0xb8;
	[tilespmem:$0xD80] =	vst v63  }
0x9d: {  	_ =	swait.ge [sflag:s13], $0x80  }
0x9e: {  	[sflag:s13] =	ssyncset.done $0x0  }
0x9f: {  	[sflag:s13] =	ssyncadd.s32 $0xFFFFFF80  }
0xa0: {  	[spmem:s2] =	stream.indirect.scatter.add.f32 [tilespmem:s15], [sflag:$0x1], $0x1, s26, s14, $0xb8;
	[tilespmem:$0xD80] =	vst v63  }
0xa1: {  	_ =	swait.ge [sflag:s13], $0x80  }
0xa2: {  	[sflag:s13] =	ssyncset.done $0x0  }
0xa3: {  	[sflag:s13] =	ssyncadd.s32 $0xFFFFFF80  }
0xa4: {  	[spmem:s2] =	stream.indirect.scatter.add.f32 [tilespmem:s15], [sflag:$0x1], $0x1, s28, s14, $0xb8;
	[tilespmem:$0xD80] =	vst v63  }
0xa5: {  	_ =	swait.ge [sflag:s13], $0x80  }
0xa6: {  	[sflag:s13] =	ssyncset.done $0x0  }
0xa7: {  	[sflag:s13] =	ssyncadd.s32 $0xFFFFFF80  }
0xa8: {  	[spmem:s2] =	stream.indirect.scatter.add.f32 [tilespmem:s15], [sflag:$0x1], $0x1, s29, s14, $0xb8;
	[tilespmem:$0xD80] =	vst v63  }
0xa9: {  	_ =	swait.ge [sflag:s13], $0x80  }
.Ltmp1:
0xaa: {  	[sflag:s13] =	ssyncset.done $0x0;
	(pc) =	sbr.rel @p1 .LBB2_2-.Ltmp1, $4  }
0xab: {  	[sflag:s13] =	ssyncadd.s32 $0xFFFFFF80  }
0xac: {  	[spmem:s2] =	stream.indirect.scatter.add.f32 [tilespmem:s15], [sflag:$0x1], $0x1, s30, s14, $0xb8;
	[tilespmem:$0xD80] =	vst v63  }
0xad: {  	_ =	swait.ge [sflag:s13], $0x80  }
0xae: {  	[sflag:s13] =	ssyncset.done $0x0  }
.LBB2_3:
0xaf: {  	[sflag:s13] =	ssyncadd.s32 $0xFFFFFF80;
	s11 =	simm.s32 @!p0 $0x0;
	s31 =	simm.s32 @!p0 $0x1  }
0xb0: {  	[tilespmem:s11], [sflag:$0x1] =	stream.linear.gather @!p0 [hbm4b:s8+s11], $0x200, $0x38;
	[tilespmem:$0xD80] =	vst v63  }
0xb1: {  	_ =	swait.ge @!p0 [sflag:s31], $0x200  }
0xb2: {  	[sflag:s31] =	ssyncset.done @!p0 $0x0  }
0xb3: {  	s4 =	simm.s32 @!p0 $0x80;
	s12 =	simm.s32 @!p0 $0x800;
	[sflag:s31] =	ssyncadd.s32 @!p0 $0xFFFFFE00  }
0xb4: {  	[spmem:s2] =	stream.indirect.scatter.add.f32 @!p0 [tilespmem:s12], [sflag:$0x1], $0x1, s11, s4, $0xb8;
	[tilespmem:$0xD80] =	vst v63  }
0xb5: {  	_ =	swait.ge @!p0 [sflag:s31], $0x80  }
0xb6: {  	[sflag:s31] =	ssyncset.done @!p0 $0x0  }
0xb7: {  	[sflag:s31] =	ssyncadd.s32 @!p0 $0xFFFFFF80  }
0xb8: {  	[spmem:s2] =	stream.indirect.scatter.add.f32 @!p0 [tilespmem:s12], [sflag:$0x1], $0x1, s4, s4, $0xb8;
	[tilespmem:$0xD80] =	vst v63  }
0xb9: {  	_ =	swait.ge @!p0 [sflag:s31], $0x80  }
0xba: {  	[sflag:s31] =	ssyncset.done @!p0 $0x0  }
0xbb: {  	s11 =	simm.s32 @!p0 $0x100;
	[sflag:s31] =	ssyncadd.s32 @!p0 $0xFFFFFF80  }
0xbc: {  	[spmem:s2] =	stream.indirect.scatter.add.f32 @!p0 [tilespmem:s12], [sflag:$0x1], $0x1, s11, s4, $0xb8;
	[tilespmem:$0xD80] =	vst v63  }
0xbd: {  	_ =	swait.ge @!p0 [sflag:s31], $0x80  }
0xbe: {  	[sflag:s31] =	ssyncset.done @!p0 $0x0  }
0xbf: {  	s11 =	simm.s32 @!p0 $0x180;
	[sflag:s31] =	ssyncadd.s32 @!p0 $0xFFFFFF80  }
0xc0: {  	[spmem:s2] =	stream.indirect.scatter.add.f32 @!p0 [tilespmem:s12], [sflag:$0x1], $0x1, s11, s4, $0xb8;
	[tilespmem:$0xD80] =	vst v63  }
0xc1: {  	s1 =	sadd.s32 $0x1, s1;
	_ =	swait.ge @!p0 [sflag:s31], $0x80  }
0xc2: {  	p1 =	sne.s32 s1, s10;
	[sflag:s31] =	ssyncset.done @!p0 $0x0  }
0xc3: {  	s11 =	sshrl.u32 s5, $0x3;
	[sflag:s31] =	ssyncadd.s32 @!p0 $0xFFFFFF80;
	s31 =	stileid.u32  }
0xc4: {  	s12 =	simm.s32 $0x20;
	s4 =	sshll.u32 s31, $0x6;
	[bflag:$0x0] =	sbarrier.arrive $0xFFFF  }
.Ltmp2:
0xc5: {  	s31 =	simm.s32 $0x10;
	s4 =	sor.u32 $0x1C01, s4;
	(pc) =	sbr.rel @p1 .LBB2_1-.Ltmp2, $4  }
0xc6: {  	[hbm:s9@s12], [sflag:s4] =	dma.strided [spmem:s11@s31], $0x50, s13, $0x10   }
0xc7: {  	_ =	swait.ge [sflag:s13], $0x50  }
0xc8: {  	[sflag:s13] =	ssyncset.done $0x0  }
0xc9: {  	[sflag:s13] =	ssyncadd.s32 $0xFFFFFFB0  }
0xca: {  	_ =	sfence.sel $0x180000  }
0xcb: {  	[bflag:$0x0] =	sbarrier.arrive $0xFFFF  }
0xcc: {  	_ =	strace $0x90000047  }
0xcd: {  	s0 =	stileid.u32;
	[bflag:$0x2] =	sbarrier.arrive $0xFFFF  }
0xce: {  	p0 =	sne.s32 s0, $0x0;
	s0 =	rddreg [dreg:$0x3]  }
0xcf: {  	s0 =	sadd.s32 @!p0 $0x100000, s0  }
0xd0: {  	[sflag:s0] =	ssyncadd.tile.s32 @!p0 $0x1;
	_ =	shalt  }
.Lfunc_end2:
_tile_overlayer_lowered:
.L_overlay_start_2:
0xd1: {  	(tag) =	ssettag $0x2  }
0xd2: {  	s0 =	rddreg [dreg:$0x0];
	s2 =	stileid.u32  }
0xd3: {  	s1 =	rddreg [dreg:$0x1];
	p0 =	sne.s32 s2, $0x0  }
0xd4: {  	s3 =	rddreg [dreg:$0x2];
	[bflag:$0x3] =	sbarrier.arrive $0xFFFF;
	s2 =	simm.s32 @!p0 $0x1C01  }
0xd5: {  	[timem:s3], [sflag:s2] =	dma.local @!p0 [hbm:s0], s1  }
0xd6: {  	s0 =	simm.s32 @!p0 $0x1  }
0xd7: {  	_ =	swait.ge @!p0 [sflag:s0], s1  }
0xd8: {  	s1 =	ssub.s32 @!p0 $0x0, s1;
	[sflag:s0] =	ssyncset.done @!p0 $0x0  }
0xd9: {  	[sflag:s0] =	ssyncadd.s32 @!p0 s1  }
0xda: {  	[bflag:$0x3] =	sbarrier.arrive $0xFFFF  }
0xdb: {  	_ =	shalt  }

</sc_bundles>
